<compile_context>
chip_gen: v7x
topology: tpu7x:2x2x1
jax: 0.10.2.dev20260603
libtpu: 0.0.44.dev20260713+nightly
codegen_flags: <defaults>
</compile_context>

<pallas_src>
import functools

import jax
import jax.numpy as jnp
from jax import lax
from jax.experimental import pallas as pl
from jax.experimental.pallas import tpu as pltpu
from jax.experimental.pallas import tpu_sc as plsc

D = 128
L = 16
NC = 2
NS = 16
NW = NC * NS
C = 80
NBUF = 4


@functools.lru_cache(maxsize=None)
def _make_sc_decoder(B: int):
    b_per_w = B // NW
    n_chunks = b_per_w // C
    mesh = plsc.VectorSubcoreMesh(core_axis_name="c", subcore_axis_name="s")

    @functools.partial(
        pl.kernel,
        mesh=mesh,
        out_type=jax.ShapeDtypeStruct((B,), jnp.float32),
        compiler_params=pltpu.CompilerParams(needs_layout_passes=False),
        scratch_types=[
            pltpu.VMEM((b_per_w,), jnp.int32),
            pltpu.VMEM((b_per_w,), jnp.int32),
            [pltpu.VMEM((C, D), jnp.float32) for _ in range(NBUF)],
            [pltpu.VMEM((C, D), jnp.float32) for _ in range(NBUF)],
            pltpu.VMEM((C,), jnp.float32),
            [pltpu.SemaphoreType.DMA for _ in range(NBUF)],
            [pltpu.SemaphoreType.DMA for _ in range(NBUF)],
        ],
    )
    def body(z_hbm, row_hbm, col_hbm, out_hbm,
             ridx_v, cidx_v, rows_bufs, cols_bufs, out_v, sems_r, sems_c):
        wid = lax.axis_index("s") * NC + lax.axis_index("c")
        base = wid * b_per_w
        pltpu.sync_copy(row_hbm.at[pl.ds(base, b_per_w)], ridx_v)
        pltpu.sync_copy(col_hbm.at[pl.ds(base, b_per_w)], cidx_v)

        def launch(ci, b):
            coff = ci * C
            pltpu.async_copy(
                z_hbm.at[ridx_v.at[pl.ds(coff, C)]], rows_bufs[b], sems_r[b])
            pltpu.async_copy(
                z_hbm.at[cidx_v.at[pl.ds(coff, C)]], cols_bufs[b], sems_c[b])

        for b in range(NBUF):
            launch(b, b)

        iota = lax.iota(jnp.int32, L)

        def compute(ci, b):
            rows_v, cols_v = rows_bufs[b], cols_bufs[b]
            pltpu.make_async_copy(z_hbm.at[ridx_v.at[pl.ds(0, C)]],
                                  rows_v, sems_r[b]).wait()
            pltpu.make_async_copy(z_hbm.at[cidx_v.at[pl.ds(0, C)]],
                                  cols_v, sems_c[b]).wait()

            def group_body(g, c2):
                eb = g * L
                lanes = eb + iota
                def t_body(t, acc):
                    dcol = (iota + t) & (D - 1)
                    a = plsc.load_gather(rows_v, [lanes, dcol])
                    b2 = plsc.load_gather(cols_v, [lanes, dcol])
                    return acc + a * b2

                acc = lax.fori_loop(0, D, t_body,
                                    jnp.zeros((L,), jnp.float32), unroll=16)
                out_v[pl.ds(eb, L)] = 1.0 / (1.0 + jnp.exp(-acc))
                return c2

            lax.fori_loop(0, C // L, group_body, 0)
            pltpu.sync_copy(out_v, out_hbm.at[pl.ds(base + ci * C, C)])

        def outer_body(i, carry):
            for b in range(NBUF):
                ci = i * NBUF + b
                compute(ci, b)

                @pl.when(ci + NBUF < n_chunks)
                def _():
                    launch(ci + NBUF, b)
            return carry

        n_main = (n_chunks // NBUF) * NBUF
        lax.fori_loop(0, n_chunks // NBUF, outer_body, 0)
        for ci in range(n_main, n_chunks):
            compute(ci, ci % NBUF)

    return body


def kernel(z, edge_index):
    ei = edge_index.astype(jnp.int32)
    return _make_sc_decoder(ei.shape[1])(z, ei[0], ei[1])

# --- scband reference (transcript-rebuilt; emitter-appended) ---
"""Pipeline reference for scband-inner-product-decoder-55662776156339 (READ-ONLY COPY).

The authoritative reference and input builder live on the scoring server;
editing this copy changes nothing except your own understanding.
"""

import jax, jax.numpy as jnp
import numpy as np


def setup_inputs(seed: int = 0) -> dict:
    key = jax.random.key(seed)
    k1, k2 = jax.random.split(key)
    z = jax.random.normal(k1, (10000, 128), dtype=jnp.float32)
    edge_index = jax.random.randint(k2, (2, 320000), 0, 10000, dtype=jnp.int64)
    return {"z": z, "edge_index": edge_index}


def reference(z, edge_index):
    # Dropout is identity in eval mode (deterministic reference).
    row = edge_index[0]
    col = edge_index[1]
    z_row = jnp.take(z, row, axis=0)
    z_col = jnp.take(z, col, axis=0)
    logits = (z_row * z_col).sum(axis=1)
    return jax.nn.sigmoid(logits)

if __name__ == "__main__":
    import jax
    _d = setup_inputs()
    print(jax.jit(kernel)(*tuple(_d.values())))

</pallas_src>

<mosaic_0001>
#map = affine_map<(d0, d1) -> (0, 0)>
#map1 = affine_map<(d0, d1) -> (0)>
module attributes {stable_mosaic.version = 14 : i64} {
  func.func @body(%arg0: i32, %arg1: i32, %arg2: memref<10000x128xf32, #tpu.memory_space<hbm>>, %arg3: memref<320000xi32, #tpu.memory_space<hbm>>, %arg4: memref<320000xi32, #tpu.memory_space<hbm>>, %arg5: memref<320000xf32, #tpu.memory_space<hbm>>, %arg6: memref<10000xi32, #tpu.memory_space<vmem>>, %arg7: memref<10000xi32, #tpu.memory_space<vmem>>, %arg8: memref<80x128xf32, #tpu.memory_space<vmem>>, %arg9: memref<80x128xf32, #tpu.memory_space<vmem>>, %arg10: memref<80x128xf32, #tpu.memory_space<vmem>>, %arg11: memref<80x128xf32, #tpu.memory_space<vmem>>, %arg12: memref<80x128xf32, #tpu.memory_space<vmem>>, %arg13: memref<80x128xf32, #tpu.memory_space<vmem>>, %arg14: memref<80x128xf32, #tpu.memory_space<vmem>>, %arg15: memref<80x128xf32, #tpu.memory_space<vmem>>, %arg16: memref<80xf32, #tpu.memory_space<vmem>>, %arg17: memref<!tpu.dma_semaphore, #tpu.memory_space<semaphore_mem>>, %arg18: memref<!tpu.dma_semaphore, #tpu.memory_space<semaphore_mem>>, %arg19: memref<!tpu.dma_semaphore, #tpu.memory_space<semaphore_mem>>, %arg20: memref<!tpu.dma_semaphore, #tpu.memory_space<semaphore_mem>>, %arg21: memref<!tpu.dma_semaphore, #tpu.memory_space<semaphore_mem>>, %arg22: memref<!tpu.dma_semaphore, #tpu.memory_space<semaphore_mem>>, %arg23: memref<!tpu.dma_semaphore, #tpu.memory_space<semaphore_mem>>, %arg24: memref<!tpu.dma_semaphore, #tpu.memory_space<semaphore_mem>>) attributes {dimension_semantics = [#tpu.dimension_semantics<core_parallel>, #tpu.dimension_semantics<subcore_parallel>], iteration_bounds = array<i64: 2, 16>, scalar_prefetch = 0 : i64, scratch_operands = 19 : i64, tpu.core_type = #tpu.core_type<sc_vector_subcore>, window_params = [{transform_indices = #map}, {transform_indices = #map1}, {transform_indices = #map1}, {transform_indices = #map1}]} {
    %mul3A = arith.constant 2 : i32
    %mul3A_0 = arith.muli %arg1, %mul3A : i32
    %add3A = arith.addi %mul3A_0, %arg0 : i32
    %mul3A_1 = arith.constant 10000 : i32
    %mul3A_2 = arith.muli %add3A, %mul3A_1 : i32
    "tpu.region"() ({
      %run_scoped3A = tpu.sem_alloc : memref<!tpu.dma_semaphore, #tpu.memory_space<semaphore_mem>>
      %dma_start3A_64 = tpu.memref_slice %arg3[%mul3A_2] : memref<320000xi32, #tpu.memory_space<hbm>> -> memref<10000xi32, #tpu.memory_space<hbm>>
      %dma_start3A_65 = tpu.memref_slice %arg3[%mul3A_2] : memref<320000xi32, #tpu.memory_space<hbm>> -> memref<10000xi32, #tpu.memory_space<hbm>>
      tpu.enqueue_dma source(%dma_start3A_65 : memref<10000xi32, #tpu.memory_space<hbm>>) target(%arg6 : memref<10000xi32, #tpu.memory_space<vmem>>) target_semaphore(%run_scoped3A : memref<!tpu.dma_semaphore, #tpu.memory_space<semaphore_mem>>)
      %dma_wait3A_66 = tpu.memref_slice %arg3[%mul3A_2] : memref<320000xi32, #tpu.memory_space<hbm>> -> memref<10000xi32, #tpu.memory_space<hbm>>
      %dma_wait3A_67 = tpu.memref_slice %arg3[%mul3A_2] : memref<320000xi32, #tpu.memory_space<hbm>> -> memref<10000xi32, #tpu.memory_space<hbm>>
      tpu.wait_dma2 semaphore(%run_scoped3A : memref<!tpu.dma_semaphore, #tpu.memory_space<semaphore_mem>>) src(%dma_wait3A_67 : memref<10000xi32, #tpu.memory_space<hbm>>) dst(%arg6 : memref<10000xi32, #tpu.memory_space<vmem>>)
      tpu.yield
    }) : () -> ()
    "tpu.region"() ({
      %run_scoped3A = tpu.sem_alloc : memref<!tpu.dma_semaphore, #tpu.memory_space<semaphore_mem>>
      %dma_start3A_64 = tpu.memref_slice %arg4[%mul3A_2] : memref<320000xi32, #tpu.memory_space<hbm>> -> memref<10000xi32, #tpu.memory_space<hbm>>
      %dma_start3A_65 = tpu.memref_slice %arg4[%mul3A_2] : memref<320000xi32, #tpu.memory_space<hbm>> -> memref<10000xi32, #tpu.memory_space<hbm>>
      tpu.enqueue_dma source(%dma_start3A_65 : memref<10000xi32, #tpu.memory_space<hbm>>) target(%arg7 : memref<10000xi32, #tpu.memory_space<vmem>>) target_semaphore(%run_scoped3A : memref<!tpu.dma_semaphore, #tpu.memory_space<semaphore_mem>>)
      %dma_wait3A_66 = tpu.memref_slice %arg4[%mul3A_2] : memref<320000xi32, #tpu.memory_space<hbm>> -> memref<10000xi32, #tpu.memory_space<hbm>>
      %dma_wait3A_67 = tpu.memref_slice %arg4[%mul3A_2] : memref<320000xi32, #tpu.memory_space<hbm>> -> memref<10000xi32, #tpu.memory_space<hbm>>
      tpu.wait_dma2 semaphore(%run_scoped3A : memref<!tpu.dma_semaphore, #tpu.memory_space<semaphore_mem>>) src(%dma_wait3A_67 : memref<10000xi32, #tpu.memory_space<hbm>>) dst(%arg7 : memref<10000xi32, #tpu.memory_space<vmem>>)
      tpu.yield
    }) : () -> ()
    %dma_start3A = arith.constant 0 : i32
    %dma_start3A_3 = tpu.memref_slice %arg6[%dma_start3A] : memref<10000xi32, #tpu.memory_space<vmem>> -> memref<80xi32, #tpu.memory_space<vmem>>
    %dma_start3A_4 = arith.constant 0 : i32
    %dma_start3A_5 = arith.constant 0 : i32
    %dma_start3A_6 = tpu.memref_slice %arg2[%dma_start3A_4, %dma_start3A_5] : memref<10000x128xf32, #tpu.memory_space<hbm>> -> memref<10000x128xf32, #tpu.memory_space<hbm>>
    tpu.enqueue_indirect_dma source(%dma_start3A_6 : memref<10000x128xf32, #tpu.memory_space<hbm>>) target(%arg8 : memref<80x128xf32, #tpu.memory_space<vmem>>) offsets(%dma_start3A_3 : memref<80xi32, #tpu.memory_space<vmem>>) semaphore(%arg17 : memref<!tpu.dma_semaphore, #tpu.memory_space<semaphore_mem>>)
    %dma_start3A_7 = arith.constant 0 : i32
    %dma_start3A_8 = tpu.memref_slice %arg7[%dma_start3A_7] : memref<10000xi32, #tpu.memory_space<vmem>> -> memref<80xi32, #tpu.memory_space<vmem>>
    %dma_start3A_9 = arith.constant 0 : i32
    %dma_start3A_10 = arith.constant 0 : i32
    %dma_start3A_11 = tpu.memref_slice %arg2[%dma_start3A_9, %dma_start3A_10] : memref<10000x128xf32, #tpu.memory_space<hbm>> -> memref<10000x128xf32, #tpu.memory_space<hbm>>
    tpu.enqueue_indirect_dma source(%dma_start3A_11 : memref<10000x128xf32, #tpu.memory_space<hbm>>) target(%arg12 : memref<80x128xf32, #tpu.memory_space<vmem>>) offsets(%dma_start3A_8 : memref<80xi32, #tpu.memory_space<vmem>>) semaphore(%arg21 : memref<!tpu.dma_semaphore, #tpu.memory_space<semaphore_mem>>)
    %dma_start3A_12 = arith.constant 80 : i32
    %dma_start3A_13 = tpu.memref_slice %arg6[%dma_start3A_12] : memref<10000xi32, #tpu.memory_space<vmem>> -> memref<80xi32, #tpu.memory_space<vmem>>
    %dma_start3A_14 = arith.constant 0 : i32
    %dma_start3A_15 = arith.constant 0 : i32
    %dma_start3A_16 = tpu.memref_slice %arg2[%dma_start3A_14, %dma_start3A_15] : memref<10000x128xf32, #tpu.memory_space<hbm>> -> memref<10000x128xf32, #tpu.memory_space<hbm>>
    tpu.enqueue_indirect_dma source(%dma_start3A_16 : memref<10000x128xf32, #tpu.memory_space<hbm>>) target(%arg9 : memref<80x128xf32, #tpu.memory_space<vmem>>) offsets(%dma_start3A_13 : memref<80xi32, #tpu.memory_space<vmem>>) semaphore(%arg18 : memref<!tpu.dma_semaphore, #tpu.memory_space<semaphore_mem>>)
    %dma_start3A_17 = arith.constant 80 : i32
    %dma_start3A_18 = tpu.memref_slice %arg7[%dma_start3A_17] : memref<10000xi32, #tpu.memory_space<vmem>> -> memref<80xi32, #tpu.memory_space<vmem>>
    %dma_start3A_19 = arith.constant 0 : i32
    %dma_start3A_20 = arith.constant 0 : i32
    %dma_start3A_21 = tpu.memref_slice %arg2[%dma_start3A_19, %dma_start3A_20] : memref<10000x128xf32, #tpu.memory_space<hbm>> -> memref<10000x128xf32, #tpu.memory_space<hbm>>
    tpu.enqueue_indirect_dma source(%dma_start3A_21 : memref<10000x128xf32, #tpu.memory_space<hbm>>) target(%arg13 : memref<80x128xf32, #tpu.memory_space<vmem>>) offsets(%dma_start3A_18 : memref<80xi32, #tpu.memory_space<vmem>>) semaphore(%arg22 : memref<!tpu.dma_semaphore, #tpu.memory_space<semaphore_mem>>)
    %dma_start3A_22 = arith.constant 160 : i32
    %dma_start3A_23 = tpu.memref_slice %arg6[%dma_start3A_22] : memref<10000xi32, #tpu.memory_space<vmem>> -> memref<80xi32, #tpu.memory_space<vmem>>
    %dma_start3A_24 = arith.constant 0 : i32
    %dma_start3A_25 = arith.constant 0 : i32
    %dma_start3A_26 = tpu.memref_slice %arg2[%dma_start3A_24, %dma_start3A_25] : memref<10000x128xf32, #tpu.memory_space<hbm>> -> memref<10000x128xf32, #tpu.memory_space<hbm>>
    tpu.enqueue_indirect_dma source(%dma_start3A_26 : memref<10000x128xf32, #tpu.memory_space<hbm>>) target(%arg10 : memref<80x128xf32, #tpu.memory_space<vmem>>) offsets(%dma_start3A_23 : memref<80xi32, #tpu.memory_space<vmem>>) semaphore(%arg19 : memref<!tpu.dma_semaphore, #tpu.memory_space<semaphore_mem>>)
    %dma_start3A_27 = arith.constant 160 : i32
    %dma_start3A_28 = tpu.memref_slice %arg7[%dma_start3A_27] : memref<10000xi32, #tpu.memory_space<vmem>> -> memref<80xi32, #tpu.memory_space<vmem>>
    %dma_start3A_29 = arith.constant 0 : i32
    %dma_start3A_30 = arith.constant 0 : i32
    %dma_start3A_31 = tpu.memref_slice %arg2[%dma_start3A_29, %dma_start3A_30] : memref<10000x128xf32, #tpu.memory_space<hbm>> -> memref<10000x128xf32, #tpu.memory_space<hbm>>
    tpu.enqueue_indirect_dma source(%dma_start3A_31 : memref<10000x128xf32, #tpu.memory_space<hbm>>) target(%arg14 : memref<80x128xf32, #tpu.memory_space<vmem>>) offsets(%dma_start3A_28 : memref<80xi32, #tpu.memory_space<vmem>>) semaphore(%arg23 : memref<!tpu.dma_semaphore, #tpu.memory_space<semaphore_mem>>)
    %dma_start3A_32 = arith.constant 240 : i32
    %dma_start3A_33 = tpu.memref_slice %arg6[%dma_start3A_32] : memref<10000xi32, #tpu.memory_space<vmem>> -> memref<80xi32, #tpu.memory_space<vmem>>
    %dma_start3A_34 = arith.constant 0 : i32
    %dma_start3A_35 = arith.constant 0 : i32
    %dma_start3A_36 = tpu.memref_slice %arg2[%dma_start3A_34, %dma_start3A_35] : memref<10000x128xf32, #tpu.memory_space<hbm>> -> memref<10000x128xf32, #tpu.memory_space<hbm>>
    tpu.enqueue_indirect_dma source(%dma_start3A_36 : memref<10000x128xf32, #tpu.memory_space<hbm>>) target(%arg11 : memref<80x128xf32, #tpu.memory_space<vmem>>) offsets(%dma_start3A_33 : memref<80xi32, #tpu.memory_space<vmem>>) semaphore(%arg20 : memref<!tpu.dma_semaphore, #tpu.memory_space<semaphore_mem>>)
    %dma_start3A_37 = arith.constant 240 : i32
    %dma_start3A_38 = tpu.memref_slice %arg7[%dma_start3A_37] : memref<10000xi32, #tpu.memory_space<vmem>> -> memref<80xi32, #tpu.memory_space<vmem>>
    %dma_start3A_39 = arith.constant 0 : i32
    %dma_start3A_40 = arith.constant 0 : i32
    %dma_start3A_41 = tpu.memref_slice %arg2[%dma_start3A_39, %dma_start3A_40] : memref<10000x128xf32, #tpu.memory_space<hbm>> -> memref<10000x128xf32, #tpu.memory_space<hbm>>
    tpu.enqueue_indirect_dma source(%dma_start3A_41 : memref<10000x128xf32, #tpu.memory_space<hbm>>) target(%arg15 : memref<80x128xf32, #tpu.memory_space<vmem>>) offsets(%dma_start3A_38 : memref<80xi32, #tpu.memory_space<vmem>>) semaphore(%arg24 : memref<!tpu.dma_semaphore, #tpu.memory_space<semaphore_mem>>)
    %iota3A = tpu.iota {dimensions = array<i32: 0>} : vector<16xi32>
    %scan3A = arith.constant 0 : i32
    %scan3A_42 = arith.constant 0 : i32
    %scan3A_43 = arith.constant 31 : i32
    %scan3A_44 = arith.addi %scan3A_42, %scan3A_43 : i32
    %scan3A_45 = arith.constant 1 : i32
    scf.for %scan3A_64 = %scan3A_42 to %scan3A_44 step %scan3A_45  : i32 {
      %mul3A_65 = arith.constant 4 : i32
      %mul3A_66 = arith.muli %scan3A_64, %mul3A_65 : i32
      %add3A_67 = arith.constant 0 : i32
      %add3A_68 = arith.addi %mul3A_66, %add3A_67 : i32
      %dma_wait3A_69 = arith.constant 0 : i32
      %dma_wait3A_70 = tpu.memref_slice %arg6[%dma_wait3A_69] : memref<10000xi32, #tpu.memory_space<vmem>> -> memref<80xi32, #tpu.memory_space<vmem>>
      %dma_wait3A_71 = arith.constant 0 : i32
      %dma_wait3A_72 = arith.constant 0 : i32
      %dma_wait3A_73 = tpu.memref_slice %arg2[%dma_wait3A_71, %dma_wait3A_72] : memref<10000x128xf32, #tpu.memory_space<hbm>> -> memref<10000x128xf32, #tpu.memory_space<hbm>>
      tpu.wait_indirect_dma semaphore(%arg17 : memref<!tpu.dma_semaphore, #tpu.memory_space<semaphore_mem>>) src(%dma_wait3A_73 : memref<10000x128xf32, #tpu.memory_space<hbm>>) dst(%arg8 : memref<80x128xf32, #tpu.memory_space<vmem>>)
      %dma_wait3A_74 = arith.constant 0 : i32
      %dma_wait3A_75 = tpu.memref_slice %arg7[%dma_wait3A_74] : memref<10000xi32, #tpu.memory_space<vmem>> -> memref<80xi32, #tpu.memory_space<vmem>>
      %dma_wait3A_76 = arith.constant 0 : i32
      %dma_wait3A_77 = arith.constant 0 : i32
      %dma_wait3A_78 = tpu.memref_slice %arg2[%dma_wait3A_76, %dma_wait3A_77] : memref<10000x128xf32, #tpu.memory_space<hbm>> -> memref<10000x128xf32, #tpu.memory_space<hbm>>
      tpu.wait_indirect_dma semaphore(%arg21 : memref<!tpu.dma_semaphore, #tpu.memory_space<semaphore_mem>>) src(%dma_wait3A_78 : memref<10000x128xf32, #tpu.memory_space<hbm>>) dst(%arg12 : memref<80x128xf32, #tpu.memory_space<vmem>>)
      %scan3A_79 = arith.constant 0 : i32
      %scan3A_80 = arith.constant 0 : i32
      %scan3A_81 = arith.constant 5 : i32
      %scan3A_82 = arith.addi %scan3A_80, %scan3A_81 : i32
      %scan3A_83 = arith.constant 1 : i32
      scf.for %scan3A_182 = %scan3A_80 to %scan3A_82 step %scan3A_83  : i32 {
        %mul3A_183 = arith.constant 16 : i32
        %mul3A_184 = arith.muli %scan3A_182, %mul3A_183 : i32
        %add3A_185 = vector.broadcast %mul3A_184 : i32 to vector<16xi32>
        %add3A_186 = arith.addi %add3A_185, %iota3A : vector<16xi32>
        %broadcast_in_dim3A = arith.constant 0.000000e+00 : f32
        %broadcast_in_dim3A_187 = vector.broadcast %broadcast_in_dim3A : f32 to vector<16xf32>
        %scan3A_188 = arith.constant 0 : i32
        %scan3A_189 = arith.constant 128 : i32
        %scan3A_190 = arith.addi %scan3A_188, %scan3A_189 : i32
        %scan3A_191 = arith.constant 16 : i32
        %scan3A_192 = scf.for %scan3A_202 = %scan3A_188 to %scan3A_190 step %scan3A_191 iter_args(%scan3A_203 = %broadcast_in_dim3A_187) -> (vector<16xf32>)  : i32 {
          %add3A_204 = vector.broadcast %scan3A_202 : i32 to vector<16xi32>
          %add3A_205 = arith.addi %iota3A, %add3A_204 : vector<16xi32>
          %and3A = arith.constant 127 : i32
          %and3A_206 = vector.broadcast %and3A : i32 to vector<16xi32>
          %and3A_207 = arith.andi %add3A_205, %and3A_206 : vector<16xi32>
          %gather3A = tpu.vector_load_idx %arg8[%add3A_186, %and3A_207] : memref<80x128xf32, #tpu.memory_space<vmem>>[vector<16xi32>, vector<16xi32>], vector<16xf32>,
          %gather3A_208 = tpu.vector_load_idx %arg12[%add3A_186, %and3A_207] : memref<80x128xf32, #tpu.memory_space<vmem>>[vector<16xi32>, vector<16xi32>], vector<16xf32>,
          %mul3A_209 = arith.mulf %gather3A, %gather3A_208 : vector<16xf32>
          %add3A_210 = arith.addf %scan3A_203, %mul3A_209 : vector<16xf32>
          %scan3A_211 = arith.constant 1 : i32
          %scan3A_212 = arith.addi %scan3A_202, %scan3A_211 : i32
          %add3A_213 = vector.broadcast %scan3A_212 : i32 to vector<16xi32>
          %add3A_214 = arith.addi %iota3A, %add3A_213 : vector<16xi32>
          %and3A_215 = arith.constant 127 : i32
          %and3A_216 = vector.broadcast %and3A_215 : i32 to vector<16xi32>
          %and3A_217 = arith.andi %add3A_214, %and3A_216 : vector<16xi32>
          %gather3A_218 = tpu.vector_load_idx %arg8[%add3A_186, %and3A_217] : memref<80x128xf32, #tpu.memory_space<vmem>>[vector<16xi32>, vector<16xi32>], vector<16xf32>,
          %gather3A_219 = tpu.vector_load_idx %arg12[%add3A_186, %and3A_217] : memref<80x128xf32, #tpu.memory_space<vmem>>[vector<16xi32>, vector<16xi32>], vector<16xf32>,
          %mul3A_220 = arith.mulf %gather3A_218, %gather3A_219 : vector<16xf32>
          %add3A_221 = arith.addf %add3A_210, %mul3A_220 : vector<16xf32>
          %scan3A_222 = arith.constant 2 : i32
          %scan3A_223 = arith.addi %scan3A_202, %scan3A_222 : i32
          %add3A_224 = vector.broadcast %scan3A_223 : i32 to vector<16xi32>
          %add3A_225 = arith.addi %iota3A, %add3A_224 : vector<16xi32>
          %and3A_226 = arith.constant 127 : i32
          %and3A_227 = vector.broadcast %and3A_226 : i32 to vector<16xi32>
          %and3A_228 = arith.andi %add3A_225, %and3A_227 : vector<16xi32>
          %gather3A_229 = tpu.vector_load_idx %arg8[%add3A_186, %and3A_228] : memref<80x128xf32, #tpu.memory_space<vmem>>[vector<16xi32>, vector<16xi32>], vector<16xf32>,
          %gather3A_230 = tpu.vector_load_idx %arg12[%add3A_186, %and3A_228] : memref<80x128xf32, #tpu.memory_space<vmem>>[vector<16xi32>, vector<16xi32>], vector<16xf32>,
          %mul3A_231 = arith.mulf %gather3A_229, %gather3A_230 : vector<16xf32>
          %add3A_232 = arith.addf %add3A_221, %mul3A_231 : vector<16xf32>
          %scan3A_233 = arith.constant 3 : i32
          %scan3A_234 = arith.addi %scan3A_202, %scan3A_233 : i32
          %add3A_235 = vector.broadcast %scan3A_234 : i32 to vector<16xi32>
          %add3A_236 = arith.addi %iota3A, %add3A_235 : vector<16xi32>
          %and3A_237 = arith.constant 127 : i32
          %and3A_238 = vector.broadcast %and3A_237 : i32 to vector<16xi32>
          %and3A_239 = arith.andi %add3A_236, %and3A_238 : vector<16xi32>
          %gather3A_240 = tpu.vector_load_idx %arg8[%add3A_186, %and3A_239] : memref<80x128xf32, #tpu.memory_space<vmem>>[vector<16xi32>, vector<16xi32>], vector<16xf32>,
          %gather3A_241 = tpu.vector_load_idx %arg12[%add3A_186, %and3A_239] : memref<80x128xf32, #tpu.memory_space<vmem>>[vector<16xi32>, vector<16xi32>], vector<16xf32>,
          %mul3A_242 = arith.mulf %gather3A_240, %gather3A_241 : vector<16xf32>
          %add3A_243 = arith.addf %add3A_232, %mul3A_242 : vector<16xf32>
          %scan3A_244 = arith.constant 4 : i32
          %scan3A_245 = arith.addi %scan3A_202, %scan3A_244 : i32
          %add3A_246 = vector.broadcast %scan3A_245 : i32 to vector<16xi32>
          %add3A_247 = arith.addi %iota3A, %add3A_246 : vector<16xi32>
          %and3A_248 = arith.constant 127 : i32
          %and3A_249 = vector.broadcast %and3A_248 : i32 to vector<16xi32>
          %and3A_250 = arith.andi %add3A_247, %and3A_249 : vector<16xi32>
          %gather3A_251 = tpu.vector_load_idx %arg8[%add3A_186, %and3A_250] : memref<80x128xf32, #tpu.memory_space<vmem>>[vector<16xi32>, vector<16xi32>], vector<16xf32>,
          %gather3A_252 = tpu.vector_load_idx %arg12[%add3A_186, %and3A_250] : memref<80x128xf32, #tpu.memory_space<vmem>>[vector<16xi32>, vector<16xi32>], vector<16xf32>,
          %mul3A_253 = arith.mulf %gather3A_251, %gather3A_252 : vector<16xf32>
          %add3A_254 = arith.addf %add3A_243, %mul3A_253 : vector<16xf32>
          %scan3A_255 = arith.constant 5 : i32
          %scan3A_256 = arith.addi %scan3A_202, %scan3A_255 : i32
          %add3A_257 = vector.broadcast %scan3A_256 : i32 to vector<16xi32>
          %add3A_258 = arith.addi %iota3A, %add3A_257 : vector<16xi32>
          %and3A_259 = arith.constant 127 : i32
          %and3A_260 = vector.broadcast %and3A_259 : i32 to vector<16xi32>
          %and3A_261 = arith.andi %add3A_258, %and3A_260 : vector<16xi32>
          %gather3A_262 = tpu.vector_load_idx %arg8[%add3A_186, %and3A_261] : memref<80x128xf32, #tpu.memory_space<vmem>>[vector<16xi32>, vector<16xi32>], vector<16xf32>,
          %gather3A_263 = tpu.vector_load_idx %arg12[%add3A_186, %and3A_261] : memref<80x128xf32, #tpu.memory_space<vmem>>[vector<16xi32>, vector<16xi32>], vector<16xf32>,
          %mul3A_264 = arith.mulf %gather3A_262, %gather3A_263 : vector<16xf32>
          %add3A_265 = arith.addf %add3A_254, %mul3A_264 : vector<16xf32>
          %scan3A_266 = arith.constant 6 : i32
          %scan3A_267 = arith.addi %scan3A_202, %scan3A_266 : i32
          %add3A_268 = vector.broadcast %scan3A_267 : i32 to vector<16xi32>
          %add3A_269 = arith.addi %iota3A, %add3A_268 : vector<16xi32>
          %and3A_270 = arith.constant 127 : i32
          %and3A_271 = vector.broadcast %and3A_270 : i32 to vector<16xi32>
          %and3A_272 = arith.andi %add3A_269, %and3A_271 : vector<16xi32>
          %gather3A_273 = tpu.vector_load_idx %arg8[%add3A_186, %and3A_272] : memref<80x128xf32, #tpu.memory_space<vmem>>[vector<16xi32>, vector<16xi32>], vector<16xf32>,
          %gather3A_274 = tpu.vector_load_idx %arg12[%add3A_186, %and3A_272] : memref<80x128xf32, #tpu.memory_space<vmem>>[vector<16xi32>, vector<16xi32>], vector<16xf32>,
          %mul3A_275 = arith.mulf %gather3A_273, %gather3A_274 : vector<16xf32>
          %add3A_276 = arith.addf %add3A_265, %mul3A_275 : vector<16xf32>
          %scan3A_277 = arith.constant 7 : i32
          %scan3A_278 = arith.addi %scan3A_202, %scan3A_277 : i32
          %add3A_279 = vector.broadcast %scan3A_278 : i32 to vector<16xi32>
          %add3A_280 = arith.addi %iota3A, %add3A_279 : vector<16xi32>
          %and3A_281 = arith.constant 127 : i32
          %and3A_282 = vector.broadcast %and3A_281 : i32 to vector<16xi32>
          %and3A_283 = arith.andi %add3A_280, %and3A_282 : vector<16xi32>
          %gather3A_284 = tpu.vector_load_idx %arg8[%add3A_186, %and3A_283] : memref<80x128xf32, #tpu.memory_space<vmem>>[vector<16xi32>, vector<16xi32>], vector<16xf32>,
          %gather3A_285 = tpu.vector_load_idx %arg12[%add3A_186, %and3A_283] : memref<80x128xf32, #tpu.memory_space<vmem>>[vector<16xi32>, vector<16xi32>], vector<16xf32>,
          %mul3A_286 = arith.mulf %gather3A_284, %gather3A_285 : vector<16xf32>
          %add3A_287 = arith.addf %add3A_276, %mul3A_286 : vector<16xf32>
          %scan3A_288 = arith.constant 8 : i32
          %scan3A_289 = arith.addi %scan3A_202, %scan3A_288 : i32
          %add3A_290 = vector.broadcast %scan3A_289 : i32 to vector<16xi32>
          %add3A_291 = arith.addi %iota3A, %add3A_290 : vector<16xi32>
          %and3A_292 = arith.constant 127 : i32
          %and3A_293 = vector.broadcast %and3A_292 : i32 to vector<16xi32>
          %and3A_294 = arith.andi %add3A_291, %and3A_293 : vector<16xi32>
          %gather3A_295 = tpu.vector_load_idx %arg8[%add3A_186, %and3A_294] : memref<80x128xf32, #tpu.memory_space<vmem>>[vector<16xi32>, vector<16xi32>], vector<16xf32>,
          %gather3A_296 = tpu.vector_load_idx %arg12[%add3A_186, %and3A_294] : memref<80x128xf32, #tpu.memory_space<vmem>>[vector<16xi32>, vector<16xi32>], vector<16xf32>,
          %mul3A_297 = arith.mulf %gather3A_295, %gather3A_296 : vector<16xf32>
          %add3A_298 = arith.addf %add3A_287, %mul3A_297 : vector<16xf32>
          %scan3A_299 = arith.constant 9 : i32
          %scan3A_300 = arith.addi %scan3A_202, %scan3A_299 : i32
          %add3A_301 = vector.broadcast %scan3A_300 : i32 to vector<16xi32>
          %add3A_302 = arith.addi %iota3A, %add3A_301 : vector<16xi32>
          %and3A_303 = arith.constant 127 : i32
          %and3A_304 = vector.broadcast %and3A_303 : i32 to vector<16xi32>
          %and3A_305 = arith.andi %add3A_302, %and3A_304 : vector<16xi32>
          %gather3A_306 = tpu.vector_load_idx %arg8[%add3A_186, %and3A_305] : memref<80x128xf32, #tpu.memory_space<vmem>>[vector<16xi32>, vector<16xi32>], vector<16xf32>,
          %gather3A_307 = tpu.vector_load_idx %arg12[%add3A_186, %and3A_305] : memref<80x128xf32, #tpu.memory_space<vmem>>[vector<16xi32>, vector<16xi32>], vector<16xf32>,
          %mul3A_308 = arith.mulf %gather3A_306, %gather3A_307 : vector<16xf32>
          %add3A_309 = arith.addf %add3A_298, %mul3A_308 : vector<16xf32>
          %scan3A_310 = arith.constant 10 : i32
          %scan3A_311 = arith.addi %scan3A_202, %scan3A_310 : i32
          %add3A_312 = vector.broadcast %scan3A_311 : i32 to vector<16xi32>
          %add3A_313 = arith.addi %iota3A, %add3A_312 : vector<16xi32>
          %and3A_314 = arith.constant 127 : i32
          %and3A_315 = vector.broadcast %and3A_314 : i32 to vector<16xi32>
          %and3A_316 = arith.andi %add3A_313, %and3A_315 : vector<16xi32>
          %gather3A_317 = tpu.vector_load_idx %arg8[%add3A_186, %and3A_316] : memref<80x128xf32, #tpu.memory_space<vmem>>[vector<16xi32>, vector<16xi32>], vector<16xf32>,
          %gather3A_318 = tpu.vector_load_idx %arg12[%add3A_186, %and3A_316] : memref<80x128xf32, #tpu.memory_space<vmem>>[vector<16xi32>, vector<16xi32>], vector<16xf32>,
          %mul3A_319 = arith.mulf %gather3A_317, %gather3A_318 : vector<16xf32>
          %add3A_320 = arith.addf %add3A_309, %mul3A_319 : vector<16xf32>
          %scan3A_321 = arith.constant 11 : i32
          %scan3A_322 = arith.addi %scan3A_202, %scan3A_321 : i32
          %add3A_323 = vector.broadcast %scan3A_322 : i32 to vector<16xi32>
          %add3A_324 = arith.addi %iota3A, %add3A_323 : vector<16xi32>
          %and3A_325 = arith.constant 127 : i32
          %and3A_326 = vector.broadcast %and3A_325 : i32 to vector<16xi32>
          %and3A_327 = arith.andi %add3A_324, %and3A_326 : vector<16xi32>
          %gather3A_328 = tpu.vector_load_idx %arg8[%add3A_186, %and3A_327] : memref<80x128xf32, #tpu.memory_space<vmem>>[vector<16xi32>, vector<16xi32>], vector<16xf32>,
          %gather3A_329 = tpu.vector_load_idx %arg12[%add3A_186, %and3A_327] : memref<80x128xf32, #tpu.memory_space<vmem>>[vector<16xi32>, vector<16xi32>], vector<16xf32>,
          %mul3A_330 = arith.mulf %gather3A_328, %gather3A_329 : vector<16xf32>
          %add3A_331 = arith.addf %add3A_320, %mul3A_330 : vector<16xf32>
          %scan3A_332 = arith.constant 12 : i32
          %scan3A_333 = arith.addi %scan3A_202, %scan3A_332 : i32
          %add3A_334 = vector.broadcast %scan3A_333 : i32 to vector<16xi32>
          %add3A_335 = arith.addi %iota3A, %add3A_334 : vector<16xi32>
          %and3A_336 = arith.constant 127 : i32
          %and3A_337 = vector.broadcast %and3A_336 : i32 to vector<16xi32>
          %and3A_338 = arith.andi %add3A_335, %and3A_337 : vector<16xi32>
          %gather3A_339 = tpu.vector_load_idx %arg8[%add3A_186, %and3A_338] : memref<80x128xf32, #tpu.memory_space<vmem>>[vector<16xi32>, vector<16xi32>], vector<16xf32>,
          %gather3A_340 = tpu.vector_load_idx %arg12[%add3A_186, %and3A_338] : memref<80x128xf32, #tpu.memory_space<vmem>>[vector<16xi32>, vector<16xi32>], vector<16xf32>,
          %mul3A_341 = arith.mulf %gather3A_339, %gather3A_340 : vector<16xf32>
          %add3A_342 = arith.addf %add3A_331, %mul3A_341 : vector<16xf32>
          %scan3A_343 = arith.constant 13 : i32
          %scan3A_344 = arith.addi %scan3A_202, %scan3A_343 : i32
          %add3A_345 = vector.broadcast %scan3A_344 : i32 to vector<16xi32>
          %add3A_346 = arith.addi %iota3A, %add3A_345 : vector<16xi32>
          %and3A_347 = arith.constant 127 : i32
          %and3A_348 = vector.broadcast %and3A_347 : i32 to vector<16xi32>
          %and3A_349 = arith.andi %add3A_346, %and3A_348 : vector<16xi32>
          %gather3A_350 = tpu.vector_load_idx %arg8[%add3A_186, %and3A_349] : memref<80x128xf32, #tpu.memory_space<vmem>>[vector<16xi32>, vector<16xi32>], vector<16xf32>,
          %gather3A_351 = tpu.vector_load_idx %arg12[%add3A_186, %and3A_349] : memref<80x128xf32, #tpu.memory_space<vmem>>[vector<16xi32>, vector<16xi32>], vector<16xf32>,
          %mul3A_352 = arith.mulf %gather3A_350, %gather3A_351 : vector<16xf32>
          %add3A_353 = arith.addf %add3A_342, %mul3A_352 : vector<16xf32>
          %scan3A_354 = arith.constant 14 : i32
          %scan3A_355 = arith.addi %scan3A_202, %scan3A_354 : i32
          %add3A_356 = vector.broadcast %scan3A_355 : i32 to vector<16xi32>
          %add3A_357 = arith.addi %iota3A, %add3A_356 : vector<16xi32>
          %and3A_358 = arith.constant 127 : i32
          %and3A_359 = vector.broadcast %and3A_358 : i32 to vector<16xi32>
          %and3A_360 = arith.andi %add3A_357, %and3A_359 : vector<16xi32>
          %gather3A_361 = tpu.vector_load_idx %arg8[%add3A_186, %and3A_360] : memref<80x128xf32, #tpu.memory_space<vmem>>[vector<16xi32>, vector<16xi32>], vector<16xf32>,
          %gather3A_362 = tpu.vector_load_idx %arg12[%add3A_186, %and3A_360] : memref<80x128xf32, #tpu.memory_space<vmem>>[vector<16xi32>, vector<16xi32>], vector<16xf32>,
          %mul3A_363 = arith.mulf %gather3A_361, %gather3A_362 : vector<16xf32>
          %add3A_364 = arith.addf %add3A_353, %mul3A_363 : vector<16xf32>
          %scan3A_365 = arith.constant 15 : i32
          %scan3A_366 = arith.addi %scan3A_202, %scan3A_365 : i32
          %add3A_367 = vector.broadcast %scan3A_366 : i32 to vector<16xi32>
          %add3A_368 = arith.addi %iota3A, %add3A_367 : vector<16xi32>
          %and3A_369 = arith.constant 127 : i32
          %and3A_370 = vector.broadcast %and3A_369 : i32 to vector<16xi32>
          %and3A_371 = arith.andi %add3A_368, %and3A_370 : vector<16xi32>
          %gather3A_372 = tpu.vector_load_idx %arg8[%add3A_186, %and3A_371] : memref<80x128xf32, #tpu.memory_space<vmem>>[vector<16xi32>, vector<16xi32>], vector<16xf32>,
          %gather3A_373 = tpu.vector_load_idx %arg12[%add3A_186, %and3A_371] : memref<80x128xf32, #tpu.memory_space<vmem>>[vector<16xi32>, vector<16xi32>], vector<16xf32>,
          %mul3A_374 = arith.mulf %gather3A_372, %gather3A_373 : vector<16xf32>
          %add3A_375 = arith.addf %add3A_364, %mul3A_374 : vector<16xf32>
          scf.yield %add3A_375 : vector<16xf32>
        }
        %scan3A_193 = arith.constant 128 : i32
        %neg3A = arith.constant 0.000000e+00 : f32
        %neg3A_194 = vector.broadcast %neg3A : f32 to vector<16xf32>
        %neg3A_195 = arith.subf %neg3A_194, %scan3A_192 : vector<16xf32>
        %exp3A = math.exp %neg3A_195 : vector<16xf32>
        %add3A_196 = arith.constant 1.000000e+00 : f32
        %add3A_197 = vector.broadcast %add3A_196 : f32 to vector<16xf32>
        %add3A_198 = arith.addf %add3A_197, %exp3A : vector<16xf32>
        %div3A = arith.constant 1.000000e+00 : f32
        %div3A_199 = vector.broadcast %div3A : f32 to vector<16xf32>
        %div3A_200 = arith.divf %div3A_199, %add3A_198 : vector<16xf32>
        %swap3A = arith.index_cast %mul3A_184 : i32 to index
        %swap3A_201 = tpu.vector_load %arg16[%swap3A] {strides = array<i32>} : memref<80xf32, #tpu.memory_space<vmem>>, vector<16xf32>,
        tpu.vector_store %arg16[%swap3A], %div3A_200 {strides = array<i32>} : memref<80xf32, #tpu.memory_space<vmem>>, vector<16xf32>,
      }
      %scan3A_84 = arith.constant 5 : i32
      %mul3A_85 = arith.constant 80 : i32
      %mul3A_86 = arith.muli %add3A_68, %mul3A_85 : i32
      %add3A_87 = arith.addi %mul3A_2, %mul3A_86 : i32
      "tpu.region"() ({
        %run_scoped3A = tpu.sem_alloc : memref<!tpu.dma_semaphore, #tpu.memory_space<semaphore_mem>>
        %dma_start3A_182 = tpu.memref_slice %arg5[%add3A_87] : memref<320000xf32, #tpu.memory_space<hbm>> -> memref<80xf32, #tpu.memory_space<hbm>>
        %dma_start3A_183 = tpu.memref_slice %arg5[%add3A_87] : memref<320000xf32, #tpu.memory_space<hbm>> -> memref<80xf32, #tpu.memory_space<hbm>>
        tpu.enqueue_dma source(%arg16 : memref<80xf32, #tpu.memory_space<vmem>>) target(%dma_start3A_183 : memref<80xf32, #tpu.memory_space<hbm>>) target_semaphore(%run_scoped3A : memref<!tpu.dma_semaphore, #tpu.memory_space<semaphore_mem>>)
        %dma_wait3A_184 = tpu.memref_slice %arg5[%add3A_87] : memref<320000xf32, #tpu.memory_space<hbm>> -> memref<80xf32, #tpu.memory_space<hbm>>
        %dma_wait3A_185 = tpu.memref_slice %arg5[%add3A_87] : memref<320000xf32, #tpu.memory_space<hbm>> -> memref<80xf32, #tpu.memory_space<hbm>>
        tpu.wait_dma2 semaphore(%run_scoped3A : memref<!tpu.dma_semaphore, #tpu.memory_space<semaphore_mem>>) src(%arg16 : memref<80xf32, #tpu.memory_space<vmem>>) dst(%dma_wait3A_185 : memref<80xf32, #tpu.memory_space<hbm>>)
        tpu.yield
      }) : () -> ()
      %add3A_88 = arith.constant 4 : i32
      %add3A_89 = arith.addi %add3A_68, %add3A_88 : i32
      %lt3A = arith.constant 125 : i32
      %lt3A_90 = arith.cmpi slt, %add3A_89, %lt3A : i32
      %convert_element_type3A = arith.extui %lt3A_90 : i1 to i32
      %cond3A = arith.constant 0 : i32
      %cond3A_91 = arith.cmpi ne, %convert_element_type3A, %cond3A : i32
      scf.if %cond3A_91 {
        %add3A_182 = arith.constant 4 : i32
        %add3A_183 = arith.addi %add3A_68, %add3A_182 : i32
        %mul3A_184 = arith.constant 80 : i32
        %mul3A_185 = arith.muli %add3A_183, %mul3A_184 : i32
        %dma_start3A_186 = tpu.memref_slice %arg6[%mul3A_185] : memref<10000xi32, #tpu.memory_space<vmem>> -> memref<80xi32, #tpu.memory_space<vmem>>
        %dma_start3A_187 = arith.constant 0 : i32
        %dma_start3A_188 = arith.constant 0 : i32
        %dma_start3A_189 = tpu.memref_slice %arg2[%dma_start3A_187, %dma_start3A_188] : memref<10000x128xf32, #tpu.memory_space<hbm>> -> memref<10000x128xf32, #tpu.memory_space<hbm>>
        tpu.enqueue_indirect_dma source(%dma_start3A_189 : memref<10000x128xf32, #tpu.memory_space<hbm>>) target(%arg8 : memref<80x128xf32, #tpu.memory_space<vmem>>) offsets(%dma_start3A_186 : memref<80xi32, #tpu.memory_space<vmem>>) semaphore(%arg17 : memref<!tpu.dma_semaphore, #tpu.memory_space<semaphore_mem>>)
        %dma_start3A_190 = tpu.memref_slice %arg7[%mul3A_185] : memref<10000xi32, #tpu.memory_space<vmem>> -> memref<80xi32, #tpu.memory_space<vmem>>
        %dma_start3A_191 = arith.constant 0 : i32
        %dma_start3A_192 = arith.constant 0 : i32
        %dma_start3A_193 = tpu.memref_slice %arg2[%dma_start3A_191, %dma_start3A_192] : memref<10000x128xf32, #tpu.memory_space<hbm>> -> memref<10000x128xf32, #tpu.memory_space<hbm>>
        tpu.enqueue_indirect_dma source(%dma_start3A_193 : memref<10000x128xf32, #tpu.memory_space<hbm>>) target(%arg12 : memref<80x128xf32, #tpu.memory_space<vmem>>) offsets(%dma_start3A_190 : memref<80xi32, #tpu.memory_space<vmem>>) semaphore(%arg21 : memref<!tpu.dma_semaphore, #tpu.memory_space<semaphore_mem>>)
      } else {
      }
      %mul3A_92 = arith.constant 4 : i32
      %mul3A_93 = arith.muli %scan3A_64, %mul3A_92 : i32
      %add3A_94 = arith.constant 1 : i32
      %add3A_95 = arith.addi %mul3A_93, %add3A_94 : i32
      %dma_wait3A_96 = arith.constant 0 : i32
      %dma_wait3A_97 = tpu.memref_slice %arg6[%dma_wait3A_96] : memref<10000xi32, #tpu.memory_space<vmem>> -> memref<80xi32, #tpu.memory_space<vmem>>
      %dma_wait3A_98 = arith.constant 0 : i32
      %dma_wait3A_99 = arith.constant 0 : i32
      %dma_wait3A_100 = tpu.memref_slice %arg2[%dma_wait3A_98, %dma_wait3A_99] : memref<10000x128xf32, #tpu.memory_space<hbm>> -> memref<10000x128xf32, #tpu.memory_space<hbm>>
      tpu.wait_indirect_dma semaphore(%arg18 : memref<!tpu.dma_semaphore, #tpu.memory_space<semaphore_mem>>) src(%dma_wait3A_100 : memref<10000x128xf32, #tpu.memory_space<hbm>>) dst(%arg9 : memref<80x128xf32, #tpu.memory_space<vmem>>)
      %dma_wait3A_101 = arith.constant 0 : i32
      %dma_wait3A_102 = tpu.memref_slice %arg7[%dma_wait3A_101] : memref<10000xi32, #tpu.memory_space<vmem>> -> memref<80xi32, #tpu.memory_space<vmem>>
      %dma_wait3A_103 = arith.constant 0 : i32
      %dma_wait3A_104 = arith.constant 0 : i32
      %dma_wait3A_105 = tpu.memref_slice %arg2[%dma_wait3A_103, %dma_wait3A_104] : memref<10000x128xf32, #tpu.memory_space<hbm>> -> memref<10000x128xf32, #tpu.memory_space<hbm>>
      tpu.wait_indirect_dma semaphore(%arg22 : memref<!tpu.dma_semaphore, #tpu.memory_space<semaphore_mem>>) src(%dma_wait3A_105 : memref<10000x128xf32, #tpu.memory_space<hbm>>) dst(%arg13 : memref<80x128xf32, #tpu.memory_space<vmem>>)
      %scan3A_106 = arith.constant 0 : i32
      %scan3A_107 = arith.constant 0 : i32
      %scan3A_108 = arith.constant 5 : i32
      %scan3A_109 = arith.addi %scan3A_107, %scan3A_108 : i32
      %scan3A_110 = arith.constant 1 : i32
      scf.for %scan3A_182 = %scan3A_107 to %scan3A_109 step %scan3A_110  : i32 {
        %mul3A_183 = arith.constant 16 : i32
        %mul3A_184 = arith.muli %scan3A_182, %mul3A_183 : i32
        %add3A_185 = vector.broadcast %mul3A_184 : i32 to vector<16xi32>
        %add3A_186 = arith.addi %add3A_185, %iota3A : vector<16xi32>
        %broadcast_in_dim3A = arith.constant 0.000000e+00 : f32
        %broadcast_in_dim3A_187 = vector.broadcast %broadcast_in_dim3A : f32 to vector<16xf32>
        %scan3A_188 = arith.constant 0 : i32
        %scan3A_189 = arith.constant 128 : i32
        %scan3A_190 = arith.addi %scan3A_188, %scan3A_189 : i32
        %scan3A_191 = arith.constant 16 : i32
        %scan3A_192 = scf.for %scan3A_202 = %scan3A_188 to %scan3A_190 step %scan3A_191 iter_args(%scan3A_203 = %broadcast_in_dim3A_187) -> (vector<16xf32>)  : i32 {
          %add3A_204 = vector.broadcast %scan3A_202 : i32 to vector<16xi32>
          %add3A_205 = arith.addi %iota3A, %add3A_204 : vector<16xi32>
          %and3A = arith.constant 127 : i32
          %and3A_206 = vector.broadcast %and3A : i32 to vector<16xi32>
          %and3A_207 = arith.andi %add3A_205, %and3A_206 : vector<16xi32>
          %gather3A = tpu.vector_load_idx %arg9[%add3A_186, %and3A_207] : memref<80x128xf32, #tpu.memory_space<vmem>>[vector<16xi32>, vector<16xi32>], vector<16xf32>,
          %gather3A_208 = tpu.vector_load_idx %arg13[%add3A_186, %and3A_207] : memref<80x128xf32, #tpu.memory_space<vmem>>[vector<16xi32>, vector<16xi32>], vector<16xf32>,
          %mul3A_209 = arith.mulf %gather3A, %gather3A_208 : vector<16xf32>
          %add3A_210 = arith.addf %scan3A_203, %mul3A_209 : vector<16xf32>
          %scan3A_211 = arith.constant 1 : i32
          %scan3A_212 = arith.addi %scan3A_202, %scan3A_211 : i32
          %add3A_213 = vector.broadcast %scan3A_212 : i32 to vector<16xi32>
          %add3A_214 = arith.addi %iota3A, %add3A_213 : vector<16xi32>
          %and3A_215 = arith.constant 127 : i32
          %and3A_216 = vector.broadcast %and3A_215 : i32 to vector<16xi32>
          %and3A_217 = arith.andi %add3A_214, %and3A_216 : vector<16xi32>
          %gather3A_218 = tpu.vector_load_idx %arg9[%add3A_186, %and3A_217] : memref<80x128xf32, #tpu.memory_space<vmem>>[vector<16xi32>, vector<16xi32>], vector<16xf32>,
          %gather3A_219 = tpu.vector_load_idx %arg13[%add3A_186, %and3A_217] : memref<80x128xf32, #tpu.memory_space<vmem>>[vector<16xi32>, vector<16xi32>], vector<16xf32>,
          %mul3A_220 = arith.mulf %gather3A_218, %gather3A_219 : vector<16xf32>
          %add3A_221 = arith.addf %add3A_210, %mul3A_220 : vector<16xf32>
          %scan3A_222 = arith.constant 2 : i32
          %scan3A_223 = arith.addi %scan3A_202, %scan3A_222 : i32
          %add3A_224 = vector.broadcast %scan3A_223 : i32 to vector<16xi32>
          %add3A_225 = arith.addi %iota3A, %add3A_224 : vector<16xi32>
          %and3A_226 = arith.constant 127 : i32
          %and3A_227 = vector.broadcast %and3A_226 : i32 to vector<16xi32>
          %and3A_228 = arith.andi %add3A_225, %and3A_227 : vector<16xi32>
          %gather3A_229 = tpu.vector_load_idx %arg9[%add3A_186, %and3A_228] : memref<80x128xf32, #tpu.memory_space<vmem>>[vector<16xi32>, vector<16xi32>], vector<16xf32>,
          %gather3A_230 = tpu.vector_load_idx %arg13[%add3A_186, %and3A_228] : memref<80x128xf32, #tpu.memory_space<vmem>>[vector<16xi32>, vector<16xi32>], vector<16xf32>,
          %mul3A_231 = arith.mulf %gather3A_229, %gather3A_230 : vector<16xf32>
          %add3A_232 = arith.addf %add3A_221, %mul3A_231 : vector<16xf32>
          %scan3A_233 = arith.constant 3 : i32
          %scan3A_234 = arith.addi %scan3A_202, %scan3A_233 : i32
          %add3A_235 = vector.broadcast %scan3A_234 : i32 to vector<16xi32>
          %add3A_236 = arith.addi %iota3A, %add3A_235 : vector<16xi32>
          %and3A_237 = arith.constant 127 : i32
          %and3A_238 = vector.broadcast %and3A_237 : i32 to vector<16xi32>
          %and3A_239 = arith.andi %add3A_236, %and3A_238 : vector<16xi32>
          %gather3A_240 = tpu.vector_load_idx %arg9[%add3A_186, %and3A_239] : memref<80x128xf32, #tpu.memory_space<vmem>>[vector<16xi32>, vector<16xi32>], vector<16xf32>,
          %gather3A_241 = tpu.vector_load_idx %arg13[%add3A_186, %and3A_239] : memref<80x128xf32, #tpu.memory_space<vmem>>[vector<16xi32>, vector<16xi32>], vector<16xf32>,
          %mul3A_242 = arith.mulf %gather3A_240, %gather3A_241 : vector<16xf32>
          %add3A_243 = arith.addf %add3A_232, %mul3A_242 : vector<16xf32>
          %scan3A_244 = arith.constant 4 : i32
          %scan3A_245 = arith.addi %scan3A_202, %scan3A_244 : i32
          %add3A_246 = vector.broadcast %scan3A_245 : i32 to vector<16xi32>
          %add3A_247 = arith.addi %iota3A, %add3A_246 : vector<16xi32>
          %and3A_248 = arith.constant 127 : i32
          %and3A_249 = vector.broadcast %and3A_248 : i32 to vector<16xi32>
          %and3A_250 = arith.andi %add3A_247, %and3A_249 : vector<16xi32>
          %gather3A_251 = tpu.vector_load_idx %arg9[%add3A_186, %and3A_250] : memref<80x128xf32, #tpu.memory_space<vmem>>[vector<16xi32>, vector<16xi32>], vector<16xf32>,
          %gather3A_252 = tpu.vector_load_idx %arg13[%add3A_186, %and3A_250] : memref<80x128xf32, #tpu.memory_space<vmem>>[vector<16xi32>, vector<16xi32>], vector<16xf32>,
          %mul3A_253 = arith.mulf %gather3A_251, %gather3A_252 : vector<16xf32>
          %add3A_254 = arith.addf %add3A_243, %mul3A_253 : vector<16xf32>
          %scan3A_255 = arith.constant 5 : i32
          %scan3A_256 = arith.addi %scan3A_202, %scan3A_255 : i32
          %add3A_257 = vector.broadcast %scan3A_256 : i32 to vector<16xi32>
          %add3A_258 = arith.addi %iota3A, %add3A_257 : vector<16xi32>
          %and3A_259 = arith.constant 127 : i32
          %and3A_260 = vector.broadcast %and3A_259 : i32 to vector<16xi32>
          %and3A_261 = arith.andi %add3A_258, %and3A_260 : vector<16xi32>
          %gather3A_262 = tpu.vector_load_idx %arg9[%add3A_186, %and3A_261] : memref<80x128xf32, #tpu.memory_space<vmem>>[vector<16xi32>, vector<16xi32>], vector<16xf32>,
          %gather3A_263 = tpu.vector_load_idx %arg13[%add3A_186, %and3A_261] : memref<80x128xf32, #tpu.memory_space<vmem>>[vector<16xi32>, vector<16xi32>], vector<16xf32>,
          %mul3A_264 = arith.mulf %gather3A_262, %gather3A_263 : vector<16xf32>
          %add3A_265 = arith.addf %add3A_254, %mul3A_264 : vector<16xf32>
          %scan3A_266 = arith.constant 6 : i32
          %scan3A_267 = arith.addi %scan3A_202, %scan3A_266 : i32
          %add3A_268 = vector.broadcast %scan3A_267 : i32 to vector<16xi32>
          %add3A_269 = arith.addi %iota3A, %add3A_268 : vector<16xi32>
          %and3A_270 = arith.constant 127 : i32
          %and3A_271 = vector.broadcast %and3A_270 : i32 to vector<16xi32>
          %and3A_272 = arith.andi %add3A_269, %and3A_271 : vector<16xi32>
          %gather3A_273 = tpu.vector_load_idx %arg9[%add3A_186, %and3A_272] : memref<80x128xf32, #tpu.memory_space<vmem>>[vector<16xi32>, vector<16xi32>], vector<16xf32>,
          %gather3A_274 = tpu.vector_load_idx %arg13[%add3A_186, %and3A_272] : memref<80x128xf32, #tpu.memory_space<vmem>>[vector<16xi32>, vector<16xi32>], vector<16xf32>,
          %mul3A_275 = arith.mulf %gather3A_273, %gather3A_274 : vector<16xf32>
          %add3A_276 = arith.addf %add3A_265, %mul3A_275 : vector<16xf32>
          %scan3A_277 = arith.constant 7 : i32
          %scan3A_278 = arith.addi %scan3A_202, %scan3A_277 : i32
          %add3A_279 = vector.broadcast %scan3A_278 : i32 to vector<16xi32>
          %add3A_280 = arith.addi %iota3A, %add3A_279 : vector<16xi32>
          %and3A_281 = arith.constant 127 : i32
          %and3A_282 = vector.broadcast %and3A_281 : i32 to vector<16xi32>
          %and3A_283 = arith.andi %add3A_280, %and3A_282 : vector<16xi32>
          %gather3A_284 = tpu.vector_load_idx %arg9[%add3A_186, %and3A_283] : memref<80x128xf32, #tpu.memory_space<vmem>>[vector<16xi32>, vector<16xi32>], vector<16xf32>,
          %gather3A_285 = tpu.vector_load_idx %arg13[%add3A_186, %and3A_283] : memref<80x128xf32, #tpu.memory_space<vmem>>[vector<16xi32>, vector<16xi32>], vector<16xf32>,
          %mul3A_286 = arith.mulf %gather3A_284, %gather3A_285 : vector<16xf32>
          %add3A_287 = arith.addf %add3A_276, %mul3A_286 : vector<16xf32>
          %scan3A_288 = arith.constant 8 : i32
          %scan3A_289 = arith.addi %scan3A_202, %scan3A_288 : i32
          %add3A_290 = vector.broadcast %scan3A_289 : i32 to vector<16xi32>
          %add3A_291 = arith.addi %iota3A, %add3A_290 : vector<16xi32>
          %and3A_292 = arith.constant 127 : i32
          %and3A_293 = vector.broadcast %and3A_292 : i32 to vector<16xi32>
          %and3A_294 = arith.andi %add3A_291, %and3A_293 : vector<16xi32>
          %gather3A_295 = tpu.vector_load_idx %arg9[%add3A_186, %and3A_294] : memref<80x128xf32, #tpu.memory_space<vmem>>[vector<16xi32>, vector<16xi32>], vector<16xf32>,
          %gather3A_296 = tpu.vector_load_idx %arg13[%add3A_186, %and3A_294] : memref<80x128xf32, #tpu.memory_space<vmem>>[vector<16xi32>, vector<16xi32>], vector<16xf32>,
          %mul3A_297 = arith.mulf %gather3A_295, %gather3A_296 : vector<16xf32>
          %add3A_298 = arith.addf %add3A_287, %mul3A_297 : vector<16xf32>
          %scan3A_299 = arith.constant 9 : i32
          %scan3A_300 = arith.addi %scan3A_202, %scan3A_299 : i32
          %add3A_301 = vector.broadcast %scan3A_300 : i32 to vector<16xi32>
          %add3A_302 = arith.addi %iota3A, %add3A_301 : vector<16xi32>
          %and3A_303 = arith.constant 127 : i32
          %and3A_304 = vector.broadcast %and3A_303 : i32 to vector<16xi32>
          %and3A_305 = arith.andi %add3A_302, %and3A_304 : vector<16xi32>
          %gather3A_306 = tpu.vector_load_idx %arg9[%add3A_186, %and3A_305] : memref<80x128xf32, #tpu.memory_space<vmem>>[vector<16xi32>, vector<16xi32>], vector<16xf32>,
          %gather3A_307 = tpu.vector_load_idx %arg13[%add3A_186, %and3A_305] : memref<80x128xf32, #tpu.memory_space<vmem>>[vector<16xi32>, vector<16xi32>], vector<16xf32>,
          %mul3A_308 = arith.mulf %gather3A_306, %gather3A_307 : vector<16xf32>
          %add3A_309 = arith.addf %add3A_298, %mul3A_308 : vector<16xf32>
          %scan3A_310 = arith.constant 10 : i32
          %scan3A_311 = arith.addi %scan3A_202, %scan3A_310 : i32
          %add3A_312 = vector.broadcast %scan3A_311 : i32 to vector<16xi32>
          %add3A_313 = arith.addi %iota3A, %add3A_312 : vector<16xi32>
          %and3A_314 = arith.constant 127 : i32
          %and3A_315 = vector.broadcast %and3A_314 : i32 to vector<16xi32>
          %and3A_316 = arith.andi %add3A_313, %and3A_315 : vector<16xi32>
          %gather3A_317 = tpu.vector_load_idx %arg9[%add3A_186, %and3A_316] : memref<80x128xf32, #tpu.memory_space<vmem>>[vector<16xi32>, vector<16xi32>], vector<16xf32>,
          %gather3A_318 = tpu.vector_load_idx %arg13[%add3A_186, %and3A_316] : memref<80x128xf32, #tpu.memory_space<vmem>>[vector<16xi32>, vector<16xi32>], vector<16xf32>,
          %mul3A_319 = arith.mulf %gather3A_317, %gather3A_318 : vector<16xf32>
          %add3A_320 = arith.addf %add3A_309, %mul3A_319 : vector<16xf32>
          %scan3A_321 = arith.constant 11 : i32
          %scan3A_322 = arith.addi %scan3A_202, %scan3A_321 : i32
          %add3A_323 = vector.broadcast %scan3A_322 : i32 to vector<16xi32>
          %add3A_324 = arith.addi %iota3A, %add3A_323 : vector<16xi32>
          %and3A_325 = arith.constant 127 : i32
          %and3A_326 = vector.broadcast %and3A_325 : i32 to vector<16xi32>
          %and3A_327 = arith.andi %add3A_324, %and3A_326 : vector<16xi32>
          %gather3A_328 = tpu.vector_load_idx %arg9[%add3A_186, %and3A_327] : memref<80x128xf32, #tpu.memory_space<vmem>>[vector<16xi32>, vector<16xi32>], vector<16xf32>,
          %gather3A_329 = tpu.vector_load_idx %arg13[%add3A_186, %and3A_327] : memref<80x128xf32, #tpu.memory_space<vmem>>[vector<16xi32>, vector<16xi32>], vector<16xf32>,
          %mul3A_330 = arith.mulf %gather3A_328, %gather3A_329 : vector<16xf32>
          %add3A_331 = arith.addf %add3A_320, %mul3A_330 : vector<16xf32>
          %scan3A_332 = arith.constant 12 : i32
          %scan3A_333 = arith.addi %scan3A_202, %scan3A_332 : i32
          %add3A_334 = vector.broadcast %scan3A_333 : i32 to vector<16xi32>
          %add3A_335 = arith.addi %iota3A, %add3A_334 : vector<16xi32>
          %and3A_336 = arith.constant 127 : i32
          %and3A_337 = vector.broadcast %and3A_336 : i32 to vector<16xi32>
          %and3A_338 = arith.andi %add3A_335, %and3A_337 : vector<16xi32>
          %gather3A_339 = tpu.vector_load_idx %arg9[%add3A_186, %and3A_338] : memref<80x128xf32, #tpu.memory_space<vmem>>[vector<16xi32>, vector<16xi32>], vector<16xf32>,
          %gather3A_340 = tpu.vector_load_idx %arg13[%add3A_186, %and3A_338] : memref<80x128xf32, #tpu.memory_space<vmem>>[vector<16xi32>, vector<16xi32>], vector<16xf32>,
          %mul3A_341 = arith.mulf %gather3A_339, %gather3A_340 : vector<16xf32>
          %add3A_342 = arith.addf %add3A_331, %mul3A_341 : vector<16xf32>
          %scan3A_343 = arith.constant 13 : i32
          %scan3A_344 = arith.addi %scan3A_202, %scan3A_343 : i32
          %add3A_345 = vector.broadcast %scan3A_344 : i32 to vector<16xi32>
          %add3A_346 = arith.addi %iota3A, %add3A_345 : vector<16xi32>
          %and3A_347 = arith.constant 127 : i32
          %and3A_348 = vector.broadcast %and3A_347 : i32 to vector<16xi32>
          %and3A_349 = arith.andi %add3A_346, %and3A_348 : vector<16xi32>
          %gather3A_350 = tpu.vector_load_idx %arg9[%add3A_186, %and3A_349] : memref<80x128xf32, #tpu.memory_space<vmem>>[vector<16xi32>, vector<16xi32>], vector<16xf32>,
          %gather3A_351 = tpu.vector_load_idx %arg13[%add3A_186, %and3A_349] : memref<80x128xf32, #tpu.memory_space<vmem>>[vector<16xi32>, vector<16xi32>], vector<16xf32>,
          %mul3A_352 = arith.mulf %gather3A_350, %gather3A_351 : vector<16xf32>
          %add3A_353 = arith.addf %add3A_342, %mul3A_352 : vector<16xf32>
          %scan3A_354 = arith.constant 14 : i32
          %scan3A_355 = arith.addi %scan3A_202, %scan3A_354 : i32
          %add3A_356 = vector.broadcast %scan3A_355 : i32 to vector<16xi32>
          %add3A_357 = arith.addi %iota3A, %add3A_356 : vector<16xi32>
          %and3A_358 = arith.constant 127 : i32
          %and3A_359 = vector.broadcast %and3A_358 : i32 to vector<16xi32>
          %and3A_360 = arith.andi %add3A_357, %and3A_359 : vector<16xi32>
          %gather3A_361 = tpu.vector_load_idx %arg9[%add3A_186, %and3A_360] : memref<80x128xf32, #tpu.memory_space<vmem>>[vector<16xi32>, vector<16xi32>], vector<16xf32>,
          %gather3A_362 = tpu.vector_load_idx %arg13[%add3A_186, %and3A_360] : memref<80x128xf32, #tpu.memory_space<vmem>>[vector<16xi32>, vector<16xi32>], vector<16xf32>,
          %mul3A_363 = arith.mulf %gather3A_361, %gather3A_362 : vector<16xf32>
          %add3A_364 = arith.addf %add3A_353, %mul3A_363 : vector<16xf32>
          %scan3A_365 = arith.constant 15 : i32
          %scan3A_366 = arith.addi %scan3A_202, %scan3A_365 : i32
          %add3A_367 = vector.broadcast %scan3A_366 : i32 to vector<16xi32>
          %add3A_368 = arith.addi %iota3A, %add3A_367 : vector<16xi32>
          %and3A_369 = arith.constant 127 : i32
          %and3A_370 = vector.broadcast %and3A_369 : i32 to vector<16xi32>
          %and3A_371 = arith.andi %add3A_368, %and3A_370 : vector<16xi32>
          %gather3A_372 = tpu.vector_load_idx %arg9[%add3A_186, %and3A_371] : memref<80x128xf32, #tpu.memory_space<vmem>>[vector<16xi32>, vector<16xi32>], vector<16xf32>,
          %gather3A_373 = tpu.vector_load_idx %arg13[%add3A_186, %and3A_371] : memref<80x128xf32, #tpu.memory_space<vmem>>[vector<16xi32>, vector<16xi32>], vector<16xf32>,
          %mul3A_374 = arith.mulf %gather3A_372, %gather3A_373 : vector<16xf32>
          %add3A_375 = arith.addf %add3A_364, %mul3A_374 : vector<16xf32>
          scf.yield %add3A_375 : vector<16xf32>
        }
        %scan3A_193 = arith.constant 128 : i32
        %neg3A = arith.constant 0.000000e+00 : f32
        %neg3A_194 = vector.broadcast %neg3A : f32 to vector<16xf32>
        %neg3A_195 = arith.subf %neg3A_194, %scan3A_192 : vector<16xf32>
        %exp3A = math.exp %neg3A_195 : vector<16xf32>
        %add3A_196 = arith.constant 1.000000e+00 : f32
        %add3A_197 = vector.broadcast %add3A_196 : f32 to vector<16xf32>
        %add3A_198 = arith.addf %add3A_197, %exp3A : vector<16xf32>
        %div3A = arith.constant 1.000000e+00 : f32
        %div3A_199 = vector.broadcast %div3A : f32 to vector<16xf32>
        %div3A_200 = arith.divf %div3A_199, %add3A_198 : vector<16xf32>
        %swap3A = arith.index_cast %mul3A_184 : i32 to index
        %swap3A_201 = tpu.vector_load %arg16[%swap3A] {strides = array<i32>} : memref<80xf32, #tpu.memory_space<vmem>>, vector<16xf32>,
        tpu.vector_store %arg16[%swap3A], %div3A_200 {strides = array<i32>} : memref<80xf32, #tpu.memory_space<vmem>>, vector<16xf32>,
      }
      %scan3A_111 = arith.constant 5 : i32
      %mul3A_112 = arith.constant 80 : i32
      %mul3A_113 = arith.muli %add3A_95, %mul3A_112 : i32
      %add3A_114 = arith.addi %mul3A_2, %mul3A_113 : i32
      "tpu.region"() ({
        %run_scoped3A = tpu.sem_alloc : memref<!tpu.dma_semaphore, #tpu.memory_space<semaphore_mem>>
        %dma_start3A_182 = tpu.memref_slice %arg5[%add3A_114] : memref<320000xf32, #tpu.memory_space<hbm>> -> memref<80xf32, #tpu.memory_space<hbm>>
        %dma_start3A_183 = tpu.memref_slice %arg5[%add3A_114] : memref<320000xf32, #tpu.memory_space<hbm>> -> memref<80xf32, #tpu.memory_space<hbm>>
        tpu.enqueue_dma source(%arg16 : memref<80xf32, #tpu.memory_space<vmem>>) target(%dma_start3A_183 : memref<80xf32, #tpu.memory_space<hbm>>) target_semaphore(%run_scoped3A : memref<!tpu.dma_semaphore, #tpu.memory_space<semaphore_mem>>)
        %dma_wait3A_184 = tpu.memref_slice %arg5[%add3A_114] : memref<320000xf32, #tpu.memory_space<hbm>> -> memref<80xf32, #tpu.memory_space<hbm>>
        %dma_wait3A_185 = tpu.memref_slice %arg5[%add3A_114] : memref<320000xf32, #tpu.memory_space<hbm>> -> memref<80xf32, #tpu.memory_space<hbm>>
        tpu.wait_dma2 semaphore(%run_scoped3A : memref<!tpu.dma_semaphore, #tpu.memory_space<semaphore_mem>>) src(%arg16 : memref<80xf32, #tpu.memory_space<vmem>>) dst(%dma_wait3A_185 : memref<80xf32, #tpu.memory_space<hbm>>)
        tpu.yield
      }) : () -> ()
      %add3A_115 = arith.constant 4 : i32
      %add3A_116 = arith.addi %add3A_95, %add3A_115 : i32
      %lt3A_117 = arith.constant 125 : i32
      %lt3A_118 = arith.cmpi slt, %add3A_116, %lt3A_117 : i32
      %convert_element_type3A_119 = arith.extui %lt3A_118 : i1 to i32
      %cond3A_120 = arith.constant 0 : i32
      %cond3A_121 = arith.cmpi ne, %convert_element_type3A_119, %cond3A_120 : i32
      scf.if %cond3A_121 {
        %add3A_182 = arith.constant 4 : i32
        %add3A_183 = arith.addi %add3A_95, %add3A_182 : i32
        %mul3A_184 = arith.constant 80 : i32
        %mul3A_185 = arith.muli %add3A_183, %mul3A_184 : i32
        %dma_start3A_186 = tpu.memref_slice %arg6[%mul3A_185] : memref<10000xi32, #tpu.memory_space<vmem>> -> memref<80xi32, #tpu.memory_space<vmem>>
        %dma_start3A_187 = arith.constant 0 : i32
        %dma_start3A_188 = arith.constant 0 : i32
        %dma_start3A_189 = tpu.memref_slice %arg2[%dma_start3A_187, %dma_start3A_188] : memref<10000x128xf32, #tpu.memory_space<hbm>> -> memref<10000x128xf32, #tpu.memory_space<hbm>>
        tpu.enqueue_indirect_dma source(%dma_start3A_189 : memref<10000x128xf32, #tpu.memory_space<hbm>>) target(%arg9 : memref<80x128xf32, #tpu.memory_space<vmem>>) offsets(%dma_start3A_186 : memref<80xi32, #tpu.memory_space<vmem>>) semaphore(%arg18 : memref<!tpu.dma_semaphore, #tpu.memory_space<semaphore_mem>>)
        %dma_start3A_190 = tpu.memref_slice %arg7[%mul3A_185] : memref<10000xi32, #tpu.memory_space<vmem>> -> memref<80xi32, #tpu.memory_space<vmem>>
        %dma_start3A_191 = arith.constant 0 : i32
        %dma_start3A_192 = arith.constant 0 : i32
        %dma_start3A_193 = tpu.memref_slice %arg2[%dma_start3A_191, %dma_start3A_192] : memref<10000x128xf32, #tpu.memory_space<hbm>> -> memref<10000x128xf32, #tpu.memory_space<hbm>>
        tpu.enqueue_indirect_dma source(%dma_start3A_193 : memref<10000x128xf32, #tpu.memory_space<hbm>>) target(%arg13 : memref<80x128xf32, #tpu.memory_space<vmem>>) offsets(%dma_start3A_190 : memref<80xi32, #tpu.memory_space<vmem>>) semaphore(%arg22 : memref<!tpu.dma_semaphore, #tpu.memory_space<semaphore_mem>>)
      } else {
      }
      %mul3A_122 = arith.constant 4 : i32
      %mul3A_123 = arith.muli %scan3A_64, %mul3A_122 : i32
      %add3A_124 = arith.constant 2 : i32
      %add3A_125 = arith.addi %mul3A_123, %add3A_124 : i32
      %dma_wait3A_126 = arith.constant 0 : i32
      %dma_wait3A_127 = tpu.memref_slice %arg6[%dma_wait3A_126] : memref<10000xi32, #tpu.memory_space<vmem>> -> memref<80xi32, #tpu.memory_space<vmem>>
      %dma_wait3A_128 = arith.constant 0 : i32
      %dma_wait3A_129 = arith.constant 0 : i32
      %dma_wait3A_130 = tpu.memref_slice %arg2[%dma_wait3A_128, %dma_wait3A_129] : memref<10000x128xf32, #tpu.memory_space<hbm>> -> memref<10000x128xf32, #tpu.memory_space<hbm>>
      tpu.wait_indirect_dma semaphore(%arg19 : memref<!tpu.dma_semaphore, #tpu.memory_space<semaphore_mem>>) src(%dma_wait3A_130 : memref<10000x128xf32, #tpu.memory_space<hbm>>) dst(%arg10 : memref<80x128xf32, #tpu.memory_space<vmem>>)
      %dma_wait3A_131 = arith.constant 0 : i32
      %dma_wait3A_132 = tpu.memref_slice %arg7[%dma_wait3A_131] : memref<10000xi32, #tpu.memory_space<vmem>> -> memref<80xi32, #tpu.memory_space<vmem>>
      %dma_wait3A_133 = arith.constant 0 : i32
      %dma_wait3A_134 = arith.constant 0 : i32
      %dma_wait3A_135 = tpu.memref_slice %arg2[%dma_wait3A_133, %dma_wait3A_134] : memref<10000x128xf32, #tpu.memory_space<hbm>> -> memref<10000x128xf32, #tpu.memory_space<hbm>>
      tpu.wait_indirect_dma semaphore(%arg23 : memref<!tpu.dma_semaphore, #tpu.memory_space<semaphore_mem>>) src(%dma_wait3A_135 : memref<10000x128xf32, #tpu.memory_space<hbm>>) dst(%arg14 : memref<80x128xf32, #tpu.memory_space<vmem>>)
      %scan3A_136 = arith.constant 0 : i32
      %scan3A_137 = arith.constant 0 : i32
      %scan3A_138 = arith.constant 5 : i32
      %scan3A_139 = arith.addi %scan3A_137, %scan3A_138 : i32
      %scan3A_140 = arith.constant 1 : i32
      scf.for %scan3A_182 = %scan3A_137 to %scan3A_139 step %scan3A_140  : i32 {
        %mul3A_183 = arith.constant 16 : i32
        %mul3A_184 = arith.muli %scan3A_182, %mul3A_183 : i32
        %add3A_185 = vector.broadcast %mul3A_184 : i32 to vector<16xi32>
        %add3A_186 = arith.addi %add3A_185, %iota3A : vector<16xi32>
        %broadcast_in_dim3A = arith.constant 0.000000e+00 : f32
        %broadcast_in_dim3A_187 = vector.broadcast %broadcast_in_dim3A : f32 to vector<16xf32>
        %scan3A_188 = arith.constant 0 : i32
        %scan3A_189 = arith.constant 128 : i32
        %scan3A_190 = arith.addi %scan3A_188, %scan3A_189 : i32
        %scan3A_191 = arith.constant 16 : i32
        %scan3A_192 = scf.for %scan3A_202 = %scan3A_188 to %scan3A_190 step %scan3A_191 iter_args(%scan3A_203 = %broadcast_in_dim3A_187) -> (vector<16xf32>)  : i32 {
          %add3A_204 = vector.broadcast %scan3A_202 : i32 to vector<16xi32>
          %add3A_205 = arith.addi %iota3A, %add3A_204 : vector<16xi32>
          %and3A = arith.constant 127 : i32
          %and3A_206 = vector.broadcast %and3A : i32 to vector<16xi32>
          %and3A_207 = arith.andi %add3A_205, %and3A_206 : vector<16xi32>
          %gather3A = tpu.vector_load_idx %arg10[%add3A_186, %and3A_207] : memref<80x128xf32, #tpu.memory_space<vmem>>[vector<16xi32>, vector<16xi32>], vector<16xf32>,
          %gather3A_208 = tpu.vector_load_idx %arg14[%add3A_186, %and3A_207] : memref<80x128xf32, #tpu.memory_space<vmem>>[vector<16xi32>, vector<16xi32>], vector<16xf32>,
          %mul3A_209 = arith.mulf %gather3A, %gather3A_208 : vector<16xf32>
          %add3A_210 = arith.addf %scan3A_203, %mul3A_209 : vector<16xf32>
          %scan3A_211 = arith.constant 1 : i32
          %scan3A_212 = arith.addi %scan3A_202, %scan3A_211 : i32
          %add3A_213 = vector.broadcast %scan3A_212 : i32 to vector<16xi32>
          %add3A_214 = arith.addi %iota3A, %add3A_213 : vector<16xi32>
          %and3A_215 = arith.constant 127 : i32
          %and3A_216 = vector.broadcast %and3A_215 : i32 to vector<16xi32>
          %and3A_217 = arith.andi %add3A_214, %and3A_216 : vector<16xi32>
          %gather3A_218 = tpu.vector_load_idx %arg10[%add3A_186, %and3A_217] : memref<80x128xf32, #tpu.memory_space<vmem>>[vector<16xi32>, vector<16xi32>], vector<16xf32>,
          %gather3A_219 = tpu.vector_load_idx %arg14[%add3A_186, %and3A_217] : memref<80x128xf32, #tpu.memory_space<vmem>>[vector<16xi32>, vector<16xi32>], vector<16xf32>,
          %mul3A_220 = arith.mulf %gather3A_218, %gather3A_219 : vector<16xf32>
          %add3A_221 = arith.addf %add3A_210, %mul3A_220 : vector<16xf32>
          %scan3A_222 = arith.constant 2 : i32
          %scan3A_223 = arith.addi %scan3A_202, %scan3A_222 : i32
          %add3A_224 = vector.broadcast %scan3A_223 : i32 to vector<16xi32>
          %add3A_225 = arith.addi %iota3A, %add3A_224 : vector<16xi32>
          %and3A_226 = arith.constant 127 : i32
          %and3A_227 = vector.broadcast %and3A_226 : i32 to vector<16xi32>
          %and3A_228 = arith.andi %add3A_225, %and3A_227 : vector<16xi32>
          %gather3A_229 = tpu.vector_load_idx %arg10[%add3A_186, %and3A_228] : memref<80x128xf32, #tpu.memory_space<vmem>>[vector<16xi32>, vector<16xi32>], vector<16xf32>,
          %gather3A_230 = tpu.vector_load_idx %arg14[%add3A_186, %and3A_228] : memref<80x128xf32, #tpu.memory_space<vmem>>[vector<16xi32>, vector<16xi32>], vector<16xf32>,
          %mul3A_231 = arith.mulf %gather3A_229, %gather3A_230 : vector<16xf32>
          %add3A_232 = arith.addf %add3A_221, %mul3A_231 : vector<16xf32>
          %scan3A_233 = arith.constant 3 : i32
          %scan3A_234 = arith.addi %scan3A_202, %scan3A_233 : i32
          %add3A_235 = vector.broadcast %scan3A_234 : i32 to vector<16xi32>
          %add3A_236 = arith.addi %iota3A, %add3A_235 : vector<16xi32>
          %and3A_237 = arith.constant 127 : i32
          %and3A_238 = vector.broadcast %and3A_237 : i32 to vector<16xi32>
          %and3A_239 = arith.andi %add3A_236, %and3A_238 : vector<16xi32>
          %gather3A_240 = tpu.vector_load_idx %arg10[%add3A_186, %and3A_239] : memref<80x128xf32, #tpu.memory_space<vmem>>[vector<16xi32>, vector<16xi32>], vector<16xf32>,
          %gather3A_241 = tpu.vector_load_idx %arg14[%add3A_186, %and3A_239] : memref<80x128xf32, #tpu.memory_space<vmem>>[vector<16xi32>, vector<16xi32>], vector<16xf32>,
          %mul3A_242 = arith.mulf %gather3A_240, %gather3A_241 : vector<16xf32>
          %add3A_243 = arith.addf %add3A_232, %mul3A_242 : vector<16xf32>
          %scan3A_244 = arith.constant 4 : i32
          %scan3A_245 = arith.addi %scan3A_202, %scan3A_244 : i32
          %add3A_246 = vector.broadcast %scan3A_245 : i32 to vector<16xi32>
          %add3A_247 = arith.addi %iota3A, %add3A_246 : vector<16xi32>
          %and3A_248 = arith.constant 127 : i32
          %and3A_249 = vector.broadcast %and3A_248 : i32 to vector<16xi32>
          %and3A_250 = arith.andi %add3A_247, %and3A_249 : vector<16xi32>
          %gather3A_251 = tpu.vector_load_idx %arg10[%add3A_186, %and3A_250] : memref<80x128xf32, #tpu.memory_space<vmem>>[vector<16xi32>, vector<16xi32>], vector<16xf32>,
          %gather3A_252 = tpu.vector_load_idx %arg14[%add3A_186, %and3A_250] : memref<80x128xf32, #tpu.memory_space<vmem>>[vector<16xi32>, vector<16xi32>], vector<16xf32>,
          %mul3A_253 = arith.mulf %gather3A_251, %gather3A_252 : vector<16xf32>
          %add3A_254 = arith.addf %add3A_243, %mul3A_253 : vector<16xf32>
          %scan3A_255 = arith.constant 5 : i32
          %scan3A_256 = arith.addi %scan3A_202, %scan3A_255 : i32
          %add3A_257 = vector.broadcast %scan3A_256 : i32 to vector<16xi32>
          %add3A_258 = arith.addi %iota3A, %add3A_257 : vector<16xi32>
          %and3A_259 = arith.constant 127 : i32
          %and3A_260 = vector.broadcast %and3A_259 : i32 to vector<16xi32>
          %and3A_261 = arith.andi %add3A_258, %and3A_260 : vector<16xi32>
          %gather3A_262 = tpu.vector_load_idx %arg10[%add3A_186, %and3A_261] : memref<80x128xf32, #tpu.memory_space<vmem>>[vector<16xi32>, vector<16xi32>], vector<16xf32>,
          %gather3A_263 = tpu.vector_load_idx %arg14[%add3A_186, %and3A_261] : memref<80x128xf32, #tpu.memory_space<vmem>>[vector<16xi32>, vector<16xi32>], vector<16xf32>,
          %mul3A_264 = arith.mulf %gather3A_262, %gather3A_263 : vector<16xf32>
          %add3A_265 = arith.addf %add3A_254, %mul3A_264 : vector<16xf32>
          %scan3A_266 = arith.constant 6 : i32
          %scan3A_267 = arith.addi %scan3A_202, %scan3A_266 : i32
          %add3A_268 = vector.broadcast %scan3A_267 : i32 to vector<16xi32>
          %add3A_269 = arith.addi %iota3A, %add3A_268 : vector<16xi32>
          %and3A_270 = arith.constant 127 : i32
          %and3A_271 = vector.broadcast %and3A_270 : i32 to vector<16xi32>
          %and3A_272 = arith.andi %add3A_269, %and3A_271 : vector<16xi32>
          %gather3A_273 = tpu.vector_load_idx %arg10[%add3A_186, %and3A_272] : memref<80x128xf32, #tpu.memory_space<vmem>>[vector<16xi32>, vector<16xi32>], vector<16xf32>,
          %gather3A_274 = tpu.vector_load_idx %arg14[%add3A_186, %and3A_272] : memref<80x128xf32, #tpu.memory_space<vmem>>[vector<16xi32>, vector<16xi32>], vector<16xf32>,
          %mul3A_275 = arith.mulf %gather3A_273, %gather3A_274 : vector<16xf32>
          %add3A_276 = arith.addf %add3A_265, %mul3A_275 : vector<16xf32>
          %scan3A_277 = arith.constant 7 : i32
          %scan3A_278 = arith.addi %scan3A_202, %scan3A_277 : i32
          %add3A_279 = vector.broadcast %scan3A_278 : i32 to vector<16xi32>
          %add3A_280 = arith.addi %iota3A, %add3A_279 : vector<16xi32>
          %and3A_281 = arith.constant 127 : i32
          %and3A_282 = vector.broadcast %and3A_281 : i32 to vector<16xi32>
          %and3A_283 = arith.andi %add3A_280, %and3A_282 : vector<16xi32>
          %gather3A_284 = tpu.vector_load_idx %arg10[%add3A_186, %and3A_283] : memref<80x128xf32, #tpu.memory_space<vmem>>[vector<16xi32>, vector<16xi32>], vector<16xf32>,
          %gather3A_285 = tpu.vector_load_idx %arg14[%add3A_186, %and3A_283] : memref<80x128xf32, #tpu.memory_space<vmem>>[vector<16xi32>, vector<16xi32>], vector<16xf32>,
          %mul3A_286 = arith.mulf %gather3A_284, %gather3A_285 : vector<16xf32>
          %add3A_287 = arith.addf %add3A_276, %mul3A_286 : vector<16xf32>
          %scan3A_288 = arith.constant 8 : i32
          %scan3A_289 = arith.addi %scan3A_202, %scan3A_288 : i32
          %add3A_290 = vector.broadcast %scan3A_289 : i32 to vector<16xi32>
          %add3A_291 = arith.addi %iota3A, %add3A_290 : vector<16xi32>
          %and3A_292 = arith.constant 127 : i32
          %and3A_293 = vector.broadcast %and3A_292 : i32 to vector<16xi32>
          %and3A_294 = arith.andi %add3A_291, %and3A_293 : vector<16xi32>
          %gather3A_295 = tpu.vector_load_idx %arg10[%add3A_186, %and3A_294] : memref<80x128xf32, #tpu.memory_space<vmem>>[vector<16xi32>, vector<16xi32>], vector<16xf32>,
          %gather3A_296 = tpu.vector_load_idx %arg14[%add3A_186, %and3A_294] : memref<80x128xf32, #tpu.memory_space<vmem>>[vector<16xi32>, vector<16xi32>], vector<16xf32>,
          %mul3A_297 = arith.mulf %gather3A_295, %gather3A_296 : vector<16xf32>
          %add3A_298 = arith.addf %add3A_287, %mul3A_297 : vector<16xf32>
          %scan3A_299 = arith.constant 9 : i32
          %scan3A_300 = arith.addi %scan3A_202, %scan3A_299 : i32
          %add3A_301 = vector.broadcast %scan3A_300 : i32 to vector<16xi32>
          %add3A_302 = arith.addi %iota3A, %add3A_301 : vector<16xi32>
          %and3A_303 = arith.constant 127 : i32
          %and3A_304 = vector.broadcast %and3A_303 : i32 to vector<16xi32>
          %and3A_305 = arith.andi %add3A_302, %and3A_304 : vector<16xi32>
          %gather3A_306 = tpu.vector_load_idx %arg10[%add3A_186, %and3A_305] : memref<80x128xf32, #tpu.memory_space<vmem>>[vector<16xi32>, vector<16xi32>], vector<16xf32>,
          %gather3A_307 = tpu.vector_load_idx %arg14[%add3A_186, %and3A_305] : memref<80x128xf32, #tpu.memory_space<vmem>>[vector<16xi32>, vector<16xi32>], vector<16xf32>,
          %mul3A_308 = arith.mulf %gather3A_306, %gather3A_307 : vector<16xf32>
          %add3A_309 = arith.addf %add3A_298, %mul3A_308 : vector<16xf32>
          %scan3A_310 = arith.constant 10 : i32
          %scan3A_311 = arith.addi %scan3A_202, %scan3A_310 : i32
          %add3A_312 = vector.broadcast %scan3A_311 : i32 to vector<16xi32>
          %add3A_313 = arith.addi %iota3A, %add3A_312 : vector<16xi32>
          %and3A_314 = arith.constant 127 : i32
          %and3A_315 = vector.broadcast %and3A_314 : i32 to vector<16xi32>
          %and3A_316 = arith.andi %add3A_313, %and3A_315 : vector<16xi32>
          %gather3A_317 = tpu.vector_load_idx %arg10[%add3A_186, %and3A_316] : memref<80x128xf32, #tpu.memory_space<vmem>>[vector<16xi32>, vector<16xi32>], vector<16xf32>,
          %gather3A_318 = tpu.vector_load_idx %arg14[%add3A_186, %and3A_316] : memref<80x128xf32, #tpu.memory_space<vmem>>[vector<16xi32>, vector<16xi32>], vector<16xf32>,
          %mul3A_319 = arith.mulf %gather3A_317, %gather3A_318 : vector<16xf32>
          %add3A_320 = arith.addf %add3A_309, %mul3A_319 : vector<16xf32>
          %scan3A_321 = arith.constant 11 : i32
          %scan3A_322 = arith.addi %scan3A_202, %scan3A_321 : i32
          %add3A_323 = vector.broadcast %scan3A_322 : i32 to vector<16xi32>
          %add3A_324 = arith.addi %iota3A, %add3A_323 : vector<16xi32>
          %and3A_325 = arith.constant 127 : i32
          %and3A_326 = vector.broadcast %and3A_325 : i32 to vector<16xi32>
          %and3A_327 = arith.andi %add3A_324, %and3A_326 : vector<16xi32>
          %gather3A_328 = tpu.vector_load_idx %arg10[%add3A_186, %and3A_327] : memref<80x128xf32, #tpu.memory_space<vmem>>[vector<16xi32>, vector<16xi32>], vector<16xf32>,
          %gather3A_329 = tpu.vector_load_idx %arg14[%add3A_186, %and3A_327] : memref<80x128xf32, #tpu.memory_space<vmem>>[vector<16xi32>, vector<16xi32>], vector<16xf32>,
          %mul3A_330 = arith.mulf %gather3A_328, %gather3A_329 : vector<16xf32>
          %add3A_331 = arith.addf %add3A_320, %mul3A_330 : vector<16xf32>
          %scan3A_332 = arith.constant 12 : i32
          %scan3A_333 = arith.addi %scan3A_202, %scan3A_332 : i32
          %add3A_334 = vector.broadcast %scan3A_333 : i32 to vector<16xi32>
          %add3A_335 = arith.addi %iota3A, %add3A_334 : vector<16xi32>
          %and3A_336 = arith.constant 127 : i32
          %and3A_337 = vector.broadcast %and3A_336 : i32 to vector<16xi32>
          %and3A_338 = arith.andi %add3A_335, %and3A_337 : vector<16xi32>
          %gather3A_339 = tpu.vector_load_idx %arg10[%add3A_186, %and3A_338] : memref<80x128xf32, #tpu.memory_space<vmem>>[vector<16xi32>, vector<16xi32>], vector<16xf32>,
          %gather3A_340 = tpu.vector_load_idx %arg14[%add3A_186, %and3A_338] : memref<80x128xf32, #tpu.memory_space<vmem>>[vector<16xi32>, vector<16xi32>], vector<16xf32>,
          %mul3A_341 = arith.mulf %gather3A_339, %gather3A_340 : vector<16xf32>
          %add3A_342 = arith.addf %add3A_331, %mul3A_341 : vector<16xf32>
          %scan3A_343 = arith.constant 13 : i32
          %scan3A_344 = arith.addi %scan3A_202, %scan3A_343 : i32
          %add3A_345 = vector.broadcast %scan3A_344 : i32 to vector<16xi32>
          %add3A_346 = arith.addi %iota3A, %add3A_345 : vector<16xi32>
          %and3A_347 = arith.constant 127 : i32
          %and3A_348 = vector.broadcast %and3A_347 : i32 to vector<16xi32>
          %and3A_349 = arith.andi %add3A_346, %and3A_348 : vector<16xi32>
          %gather3A_350 = tpu.vector_load_idx %arg10[%add3A_186, %and3A_349] : memref<80x128xf32, #tpu.memory_space<vmem>>[vector<16xi32>, vector<16xi32>], vector<16xf32>,
          %gather3A_351 = tpu.vector_load_idx %arg14[%add3A_186, %and3A_349] : memref<80x128xf32, #tpu.memory_space<vmem>>[vector<16xi32>, vector<16xi32>], vector<16xf32>,
          %mul3A_352 = arith.mulf %gather3A_350, %gather3A_351 : vector<16xf32>
          %add3A_353 = arith.addf %add3A_342, %mul3A_352 : vector<16xf32>
          %scan3A_354 = arith.constant 14 : i32
          %scan3A_355 = arith.addi %scan3A_202, %scan3A_354 : i32
          %add3A_356 = vector.broadcast %scan3A_355 : i32 to vector<16xi32>
          %add3A_357 = arith.addi %iota3A, %add3A_356 : vector<16xi32>
          %and3A_358 = arith.constant 127 : i32
          %and3A_359 = vector.broadcast %and3A_358 : i32 to vector<16xi32>
          %and3A_360 = arith.andi %add3A_357, %and3A_359 : vector<16xi32>
          %gather3A_361 = tpu.vector_load_idx %arg10[%add3A_186, %and3A_360] : memref<80x128xf32, #tpu.memory_space<vmem>>[vector<16xi32>, vector<16xi32>], vector<16xf32>,
          %gather3A_362 = tpu.vector_load_idx %arg14[%add3A_186, %and3A_360] : memref<80x128xf32, #tpu.memory_space<vmem>>[vector<16xi32>, vector<16xi32>], vector<16xf32>,
          %mul3A_363 = arith.mulf %gather3A_361, %gather3A_362 : vector<16xf32>
          %add3A_364 = arith.addf %add3A_353, %mul3A_363 : vector<16xf32>
          %scan3A_365 = arith.constant 15 : i32
          %scan3A_366 = arith.addi %scan3A_202, %scan3A_365 : i32
          %add3A_367 = vector.broadcast %scan3A_366 : i32 to vector<16xi32>
          %add3A_368 = arith.addi %iota3A, %add3A_367 : vector<16xi32>
          %and3A_369 = arith.constant 127 : i32
          %and3A_370 = vector.broadcast %and3A_369 : i32 to vector<16xi32>
          %and3A_371 = arith.andi %add3A_368, %and3A_370 : vector<16xi32>
          %gather3A_372 = tpu.vector_load_idx %arg10[%add3A_186, %and3A_371] : memref<80x128xf32, #tpu.memory_space<vmem>>[vector<16xi32>, vector<16xi32>], vector<16xf32>,
          %gather3A_373 = tpu.vector_load_idx %arg14[%add3A_186, %and3A_371] : memref<80x128xf32, #tpu.memory_space<vmem>>[vector<16xi32>, vector<16xi32>], vector<16xf32>,
          %mul3A_374 = arith.mulf %gather3A_372, %gather3A_373 : vector<16xf32>
          %add3A_375 = arith.addf %add3A_364, %mul3A_374 : vector<16xf32>
          scf.yield %add3A_375 : vector<16xf32>
        }
        %scan3A_193 = arith.constant 128 : i32
        %neg3A = arith.constant 0.000000e+00 : f32
        %neg3A_194 = vector.broadcast %neg3A : f32 to vector<16xf32>
        %neg3A_195 = arith.subf %neg3A_194, %scan3A_192 : vector<16xf32>
        %exp3A = math.exp %neg3A_195 : vector<16xf32>
        %add3A_196 = arith.constant 1.000000e+00 : f32
        %add3A_197 = vector.broadcast %add3A_196 : f32 to vector<16xf32>
        %add3A_198 = arith.addf %add3A_197, %exp3A : vector<16xf32>
        %div3A = arith.constant 1.000000e+00 : f32
        %div3A_199 = vector.broadcast %div3A : f32 to vector<16xf32>
        %div3A_200 = arith.divf %div3A_199, %add3A_198 : vector<16xf32>
        %swap3A = arith.index_cast %mul3A_184 : i32 to index
        %swap3A_201 = tpu.vector_load %arg16[%swap3A] {strides = array<i32>} : memref<80xf32, #tpu.memory_space<vmem>>, vector<16xf32>,
        tpu.vector_store %arg16[%swap3A], %div3A_200 {strides = array<i32>} : memref<80xf32, #tpu.memory_space<vmem>>, vector<16xf32>,
      }
      %scan3A_141 = arith.constant 5 : i32
      %mul3A_142 = arith.constant 80 : i32
      %mul3A_143 = arith.muli %add3A_125, %mul3A_142 : i32
      %add3A_144 = arith.addi %mul3A_2, %mul3A_143 : i32
      "tpu.region"() ({
        %run_scoped3A = tpu.sem_alloc : memref<!tpu.dma_semaphore, #tpu.memory_space<semaphore_mem>>
        %dma_start3A_182 = tpu.memref_slice %arg5[%add3A_144] : memref<320000xf32, #tpu.memory_space<hbm>> -> memref<80xf32, #tpu.memory_space<hbm>>
        %dma_start3A_183 = tpu.memref_slice %arg5[%add3A_144] : memref<320000xf32, #tpu.memory_space<hbm>> -> memref<80xf32, #tpu.memory_space<hbm>>
        tpu.enqueue_dma source(%arg16 : memref<80xf32, #tpu.memory_space<vmem>>) target(%dma_start3A_183 : memref<80xf32, #tpu.memory_space<hbm>>) target_semaphore(%run_scoped3A : memref<!tpu.dma_semaphore, #tpu.memory_space<semaphore_mem>>)
        %dma_wait3A_184 = tpu.memref_slice %arg5[%add3A_144] : memref<320000xf32, #tpu.memory_space<hbm>> -> memref<80xf32, #tpu.memory_space<hbm>>
        %dma_wait3A_185 = tpu.memref_slice %arg5[%add3A_144] : memref<320000xf32, #tpu.memory_space<hbm>> -> memref<80xf32, #tpu.memory_space<hbm>>
        tpu.wait_dma2 semaphore(%run_scoped3A : memref<!tpu.dma_semaphore, #tpu.memory_space<semaphore_mem>>) src(%arg16 : memref<80xf32, #tpu.memory_space<vmem>>) dst(%dma_wait3A_185 : memref<80xf32, #tpu.memory_space<hbm>>)
        tpu.yield
      }) : () -> ()
      %add3A_145 = arith.constant 4 : i32
      %add3A_146 = arith.addi %add3A_125, %add3A_145 : i32
      %lt3A_147 = arith.constant 125 : i32
      %lt3A_148 = arith.cmpi slt, %add3A_146, %lt3A_147 : i32
      %convert_element_type3A_149 = arith.extui %lt3A_148 : i1 to i32
      %cond3A_150 = arith.constant 0 : i32
      %cond3A_151 = arith.cmpi ne, %convert_element_type3A_149, %cond3A_150 : i32
      scf.if %cond3A_151 {
        %add3A_182 = arith.constant 4 : i32
        %add3A_183 = arith.addi %add3A_125, %add3A_182 : i32
        %mul3A_184 = arith.constant 80 : i32
        %mul3A_185 = arith.muli %add3A_183, %mul3A_184 : i32
        %dma_start3A_186 = tpu.memref_slice %arg6[%mul3A_185] : memref<10000xi32, #tpu.memory_space<vmem>> -> memref<80xi32, #tpu.memory_space<vmem>>
        %dma_start3A_187 = arith.constant 0 : i32
        %dma_start3A_188 = arith.constant 0 : i32
        %dma_start3A_189 = tpu.memref_slice %arg2[%dma_start3A_187, %dma_start3A_188] : memref<10000x128xf32, #tpu.memory_space<hbm>> -> memref<10000x128xf32, #tpu.memory_space<hbm>>
        tpu.enqueue_indirect_dma source(%dma_start3A_189 : memref<10000x128xf32, #tpu.memory_space<hbm>>) target(%arg10 : memref<80x128xf32, #tpu.memory_space<vmem>>) offsets(%dma_start3A_186 : memref<80xi32, #tpu.memory_space<vmem>>) semaphore(%arg19 : memref<!tpu.dma_semaphore, #tpu.memory_space<semaphore_mem>>)
        %dma_start3A_190 = tpu.memref_slice %arg7[%mul3A_185] : memref<10000xi32, #tpu.memory_space<vmem>> -> memref<80xi32, #tpu.memory_space<vmem>>
        %dma_start3A_191 = arith.constant 0 : i32
        %dma_start3A_192 = arith.constant 0 : i32
        %dma_start3A_193 = tpu.memref_slice %arg2[%dma_start3A_191, %dma_start3A_192] : memref<10000x128xf32, #tpu.memory_space<hbm>> -> memref<10000x128xf32, #tpu.memory_space<hbm>>
        tpu.enqueue_indirect_dma source(%dma_start3A_193 : memref<10000x128xf32, #tpu.memory_space<hbm>>) target(%arg14 : memref<80x128xf32, #tpu.memory_space<vmem>>) offsets(%dma_start3A_190 : memref<80xi32, #tpu.memory_space<vmem>>) semaphore(%arg23 : memref<!tpu.dma_semaphore, #tpu.memory_space<semaphore_mem>>)
      } else {
      }
      %mul3A_152 = arith.constant 4 : i32
      %mul3A_153 = arith.muli %scan3A_64, %mul3A_152 : i32
      %add3A_154 = arith.constant 3 : i32
      %add3A_155 = arith.addi %mul3A_153, %add3A_154 : i32
      %dma_wait3A_156 = arith.constant 0 : i32
      %dma_wait3A_157 = tpu.memref_slice %arg6[%dma_wait3A_156] : memref<10000xi32, #tpu.memory_space<vmem>> -> memref<80xi32, #tpu.memory_space<vmem>>
      %dma_wait3A_158 = arith.constant 0 : i32
      %dma_wait3A_159 = arith.constant 0 : i32
      %dma_wait3A_160 = tpu.memref_slice %arg2[%dma_wait3A_158, %dma_wait3A_159] : memref<10000x128xf32, #tpu.memory_space<hbm>> -> memref<10000x128xf32, #tpu.memory_space<hbm>>
      tpu.wait_indirect_dma semaphore(%arg20 : memref<!tpu.dma_semaphore, #tpu.memory_space<semaphore_mem>>) src(%dma_wait3A_160 : memref<10000x128xf32, #tpu.memory_space<hbm>>) dst(%arg11 : memref<80x128xf32, #tpu.memory_space<vmem>>)
      %dma_wait3A_161 = arith.constant 0 : i32
      %dma_wait3A_162 = tpu.memref_slice %arg7[%dma_wait3A_161] : memref<10000xi32, #tpu.memory_space<vmem>> -> memref<80xi32, #tpu.memory_space<vmem>>
      %dma_wait3A_163 = arith.constant 0 : i32
      %dma_wait3A_164 = arith.constant 0 : i32
      %dma_wait3A_165 = tpu.memref_slice %arg2[%dma_wait3A_163, %dma_wait3A_164] : memref<10000x128xf32, #tpu.memory_space<hbm>> -> memref<10000x128xf32, #tpu.memory_space<hbm>>
      tpu.wait_indirect_dma semaphore(%arg24 : memref<!tpu.dma_semaphore, #tpu.memory_space<semaphore_mem>>) src(%dma_wait3A_165 : memref<10000x128xf32, #tpu.memory_space<hbm>>) dst(%arg15 : memref<80x128xf32, #tpu.memory_space<vmem>>)
      %scan3A_166 = arith.constant 0 : i32
      %scan3A_167 = arith.constant 0 : i32
      %scan3A_168 = arith.constant 5 : i32
      %scan3A_169 = arith.addi %scan3A_167, %scan3A_168 : i32
      %scan3A_170 = arith.constant 1 : i32
      scf.for %scan3A_182 = %scan3A_167 to %scan3A_169 step %scan3A_170  : i32 {
        %mul3A_183 = arith.constant 16 : i32
        %mul3A_184 = arith.muli %scan3A_182, %mul3A_183 : i32
        %add3A_185 = vector.broadcast %mul3A_184 : i32 to vector<16xi32>
        %add3A_186 = arith.addi %add3A_185, %iota3A : vector<16xi32>
        %broadcast_in_dim3A = arith.constant 0.000000e+00 : f32
        %broadcast_in_dim3A_187 = vector.broadcast %broadcast_in_dim3A : f32 to vector<16xf32>
        %scan3A_188 = arith.constant 0 : i32
        %scan3A_189 = arith.constant 128 : i32
        %scan3A_190 = arith.addi %scan3A_188, %scan3A_189 : i32
        %scan3A_191 = arith.constant 16 : i32
        %scan3A_192 = scf.for %scan3A_202 = %scan3A_188 to %scan3A_190 step %scan3A_191 iter_args(%scan3A_203 = %broadcast_in_dim3A_187) -> (vector<16xf32>)  : i32 {
          %add3A_204 = vector.broadcast %scan3A_202 : i32 to vector<16xi32>
          %add3A_205 = arith.addi %iota3A, %add3A_204 : vector<16xi32>
          %and3A = arith.constant 127 : i32
          %and3A_206 = vector.broadcast %and3A : i32 to vector<16xi32>
          %and3A_207 = arith.andi %add3A_205, %and3A_206 : vector<16xi32>
          %gather3A = tpu.vector_load_idx %arg11[%add3A_186, %and3A_207] : memref<80x128xf32, #tpu.memory_space<vmem>>[vector<16xi32>, vector<16xi32>], vector<16xf32>,
          %gather3A_208 = tpu.vector_load_idx %arg15[%add3A_186, %and3A_207] : memref<80x128xf32, #tpu.memory_space<vmem>>[vector<16xi32>, vector<16xi32>], vector<16xf32>,
          %mul3A_209 = arith.mulf %gather3A, %gather3A_208 : vector<16xf32>
          %add3A_210 = arith.addf %scan3A_203, %mul3A_209 : vector<16xf32>
          %scan3A_211 = arith.constant 1 : i32
          %scan3A_212 = arith.addi %scan3A_202, %scan3A_211 : i32
          %add3A_213 = vector.broadcast %scan3A_212 : i32 to vector<16xi32>
          %add3A_214 = arith.addi %iota3A, %add3A_213 : vector<16xi32>
          %and3A_215 = arith.constant 127 : i32
          %and3A_216 = vector.broadcast %and3A_215 : i32 to vector<16xi32>
          %and3A_217 = arith.andi %add3A_214, %and3A_216 : vector<16xi32>
          %gather3A_218 = tpu.vector_load_idx %arg11[%add3A_186, %and3A_217] : memref<80x128xf32, #tpu.memory_space<vmem>>[vector<16xi32>, vector<16xi32>], vector<16xf32>,
          %gather3A_219 = tpu.vector_load_idx %arg15[%add3A_186, %and3A_217] : memref<80x128xf32, #tpu.memory_space<vmem>>[vector<16xi32>, vector<16xi32>], vector<16xf32>,
          %mul3A_220 = arith.mulf %gather3A_218, %gather3A_219 : vector<16xf32>
          %add3A_221 = arith.addf %add3A_210, %mul3A_220 : vector<16xf32>
          %scan3A_222 = arith.constant 2 : i32
          %scan3A_223 = arith.addi %scan3A_202, %scan3A_222 : i32
          %add3A_224 = vector.broadcast %scan3A_223 : i32 to vector<16xi32>
          %add3A_225 = arith.addi %iota3A, %add3A_224 : vector<16xi32>
          %and3A_226 = arith.constant 127 : i32
          %and3A_227 = vector.broadcast %and3A_226 : i32 to vector<16xi32>
          %and3A_228 = arith.andi %add3A_225, %and3A_227 : vector<16xi32>
          %gather3A_229 = tpu.vector_load_idx %arg11[%add3A_186, %and3A_228] : memref<80x128xf32, #tpu.memory_space<vmem>>[vector<16xi32>, vector<16xi32>], vector<16xf32>,
          %gather3A_230 = tpu.vector_load_idx %arg15[%add3A_186, %and3A_228] : memref<80x128xf32, #tpu.memory_space<vmem>>[vector<16xi32>, vector<16xi32>], vector<16xf32>,
          %mul3A_231 = arith.mulf %gather3A_229, %gather3A_230 : vector<16xf32>
          %add3A_232 = arith.addf %add3A_221, %mul3A_231 : vector<16xf32>
          %scan3A_233 = arith.constant 3 : i32
          %scan3A_234 = arith.addi %scan3A_202, %scan3A_233 : i32
          %add3A_235 = vector.broadcast %scan3A_234 : i32 to vector<16xi32>
          %add3A_236 = arith.addi %iota3A, %add3A_235 : vector<16xi32>
          %and3A_237 = arith.constant 127 : i32
          %and3A_238 = vector.broadcast %and3A_237 : i32 to vector<16xi32>
          %and3A_239 = arith.andi %add3A_236, %and3A_238 : vector<16xi32>
          %gather3A_240 = tpu.vector_load_idx %arg11[%add3A_186, %and3A_239] : memref<80x128xf32, #tpu.memory_space<vmem>>[vector<16xi32>, vector<16xi32>], vector<16xf32>,
          %gather3A_241 = tpu.vector_load_idx %arg15[%add3A_186, %and3A_239] : memref<80x128xf32, #tpu.memory_space<vmem>>[vector<16xi32>, vector<16xi32>], vector<16xf32>,
          %mul3A_242 = arith.mulf %gather3A_240, %gather3A_241 : vector<16xf32>
          %add3A_243 = arith.addf %add3A_232, %mul3A_242 : vector<16xf32>
          %scan3A_244 = arith.constant 4 : i32
          %scan3A_245 = arith.addi %scan3A_202, %scan3A_244 : i32
          %add3A_246 = vector.broadcast %scan3A_245 : i32 to vector<16xi32>
          %add3A_247 = arith.addi %iota3A, %add3A_246 : vector<16xi32>
          %and3A_248 = arith.constant 127 : i32
          %and3A_249 = vector.broadcast %and3A_248 : i32 to vector<16xi32>
          %and3A_250 = arith.andi %add3A_247, %and3A_249 : vector<16xi32>
          %gather3A_251 = tpu.vector_load_idx %arg11[%add3A_186, %and3A_250] : memref<80x128xf32, #tpu.memory_space<vmem>>[vector<16xi32>, vector<16xi32>], vector<16xf32>,
          %gather3A_252 = tpu.vector_load_idx %arg15[%add3A_186, %and3A_250] : memref<80x128xf32, #tpu.memory_space<vmem>>[vector<16xi32>, vector<16xi32>], vector<16xf32>,
          %mul3A_253 = arith.mulf %gather3A_251, %gather3A_252 : vector<16xf32>
          %add3A_254 = arith.addf %add3A_243, %mul3A_253 : vector<16xf32>
          %scan3A_255 = arith.constant 5 : i32
          %scan3A_256 = arith.addi %scan3A_202, %scan3A_255 : i32
          %add3A_257 = vector.broadcast %scan3A_256 : i32 to vector<16xi32>
          %add3A_258 = arith.addi %iota3A, %add3A_257 : vector<16xi32>
          %and3A_259 = arith.constant 127 : i32
          %and3A_260 = vector.broadcast %and3A_259 : i32 to vector<16xi32>
          %and3A_261 = arith.andi %add3A_258, %and3A_260 : vector<16xi32>
          %gather3A_262 = tpu.vector_load_idx %arg11[%add3A_186, %and3A_261] : memref<80x128xf32, #tpu.memory_space<vmem>>[vector<16xi32>, vector<16xi32>], vector<16xf32>,
          %gather3A_263 = tpu.vector_load_idx %arg15[%add3A_186, %and3A_261] : memref<80x128xf32, #tpu.memory_space<vmem>>[vector<16xi32>, vector<16xi32>], vector<16xf32>,
          %mul3A_264 = arith.mulf %gather3A_262, %gather3A_263 : vector<16xf32>
          %add3A_265 = arith.addf %add3A_254, %mul3A_264 : vector<16xf32>
          %scan3A_266 = arith.constant 6 : i32
          %scan3A_267 = arith.addi %scan3A_202, %scan3A_266 : i32
          %add3A_268 = vector.broadcast %scan3A_267 : i32 to vector<16xi32>
          %add3A_269 = arith.addi %iota3A, %add3A_268 : vector<16xi32>
          %and3A_270 = arith.constant 127 : i32
          %and3A_271 = vector.broadcast %and3A_270 : i32 to vector<16xi32>
          %and3A_272 = arith.andi %add3A_269, %and3A_271 : vector<16xi32>
          %gather3A_273 = tpu.vector_load_idx %arg11[%add3A_186, %and3A_272] : memref<80x128xf32, #tpu.memory_space<vmem>>[vector<16xi32>, vector<16xi32>], vector<16xf32>,
          %gather3A_274 = tpu.vector_load_idx %arg15[%add3A_186, %and3A_272] : memref<80x128xf32, #tpu.memory_space<vmem>>[vector<16xi32>, vector<16xi32>], vector<16xf32>,
          %mul3A_275 = arith.mulf %gather3A_273, %gather3A_274 : vector<16xf32>
          %add3A_276 = arith.addf %add3A_265, %mul3A_275 : vector<16xf32>
          %scan3A_277 = arith.constant 7 : i32
          %scan3A_278 = arith.addi %scan3A_202, %scan3A_277 : i32
          %add3A_279 = vector.broadcast %scan3A_278 : i32 to vector<16xi32>
          %add3A_280 = arith.addi %iota3A, %add3A_279 : vector<16xi32>
          %and3A_281 = arith.constant 127 : i32
          %and3A_282 = vector.broadcast %and3A_281 : i32 to vector<16xi32>
          %and3A_283 = arith.andi %add3A_280, %and3A_282 : vector<16xi32>
          %gather3A_284 = tpu.vector_load_idx %arg11[%add3A_186, %and3A_283] : memref<80x128xf32, #tpu.memory_space<vmem>>[vector<16xi32>, vector<16xi32>], vector<16xf32>,
          %gather3A_285 = tpu.vector_load_idx %arg15[%add3A_186, %and3A_283] : memref<80x128xf32, #tpu.memory_space<vmem>>[vector<16xi32>, vector<16xi32>], vector<16xf32>,
          %mul3A_286 = arith.mulf %gather3A_284, %gather3A_285 : vector<16xf32>
          %add3A_287 = arith.addf %add3A_276, %mul3A_286 : vector<16xf32>
          %scan3A_288 = arith.constant 8 : i32
          %scan3A_289 = arith.addi %scan3A_202, %scan3A_288 : i32
          %add3A_290 = vector.broadcast %scan3A_289 : i32 to vector<16xi32>
          %add3A_291 = arith.addi %iota3A, %add3A_290 : vector<16xi32>
          %and3A_292 = arith.constant 127 : i32
          %and3A_293 = vector.broadcast %and3A_292 : i32 to vector<16xi32>
          %and3A_294 = arith.andi %add3A_291, %and3A_293 : vector<16xi32>
          %gather3A_295 = tpu.vector_load_idx %arg11[%add3A_186, %and3A_294] : memref<80x128xf32, #tpu.memory_space<vmem>>[vector<16xi32>, vector<16xi32>], vector<16xf32>,
          %gather3A_296 = tpu.vector_load_idx %arg15[%add3A_186, %and3A_294] : memref<80x128xf32, #tpu.memory_space<vmem>>[vector<16xi32>, vector<16xi32>], vector<16xf32>,
          %mul3A_297 = arith.mulf %gather3A_295, %gather3A_296 : vector<16xf32>
          %add3A_298 = arith.addf %add3A_287, %mul3A_297 : vector<16xf32>
          %scan3A_299 = arith.constant 9 : i32
          %scan3A_300 = arith.addi %scan3A_202, %scan3A_299 : i32
          %add3A_301 = vector.broadcast %scan3A_300 : i32 to vector<16xi32>
          %add3A_302 = arith.addi %iota3A, %add3A_301 : vector<16xi32>
          %and3A_303 = arith.constant 127 : i32
          %and3A_304 = vector.broadcast %and3A_303 : i32 to vector<16xi32>
          %and3A_305 = arith.andi %add3A_302, %and3A_304 : vector<16xi32>
          %gather3A_306 = tpu.vector_load_idx %arg11[%add3A_186, %and3A_305] : memref<80x128xf32, #tpu.memory_space<vmem>>[vector<16xi32>, vector<16xi32>], vector<16xf32>,
          %gather3A_307 = tpu.vector_load_idx %arg15[%add3A_186, %and3A_305] : memref<80x128xf32, #tpu.memory_space<vmem>>[vector<16xi32>, vector<16xi32>], vector<16xf32>,
          %mul3A_308 = arith.mulf %gather3A_306, %gather3A_307 : vector<16xf32>
          %add3A_309 = arith.addf %add3A_298, %mul3A_308 : vector<16xf32>
          %scan3A_310 = arith.constant 10 : i32
          %scan3A_311 = arith.addi %scan3A_202, %scan3A_310 : i32
          %add3A_312 = vector.broadcast %scan3A_311 : i32 to vector<16xi32>
          %add3A_313 = arith.addi %iota3A, %add3A_312 : vector<16xi32>
          %and3A_314 = arith.constant 127 : i32
          %and3A_315 = vector.broadcast %and3A_314 : i32 to vector<16xi32>
          %and3A_316 = arith.andi %add3A_313, %and3A_315 : vector<16xi32>
          %gather3A_317 = tpu.vector_load_idx %arg11[%add3A_186, %and3A_316] : memref<80x128xf32, #tpu.memory_space<vmem>>[vector<16xi32>, vector<16xi32>], vector<16xf32>,
          %gather3A_318 = tpu.vector_load_idx %arg15[%add3A_186, %and3A_316] : memref<80x128xf32, #tpu.memory_space<vmem>>[vector<16xi32>, vector<16xi32>], vector<16xf32>,
          %mul3A_319 = arith.mulf %gather3A_317, %gather3A_318 : vector<16xf32>
          %add3A_320 = arith.addf %add3A_309, %mul3A_319 : vector<16xf32>
          %scan3A_321 = arith.constant 11 : i32
          %scan3A_322 = arith.addi %scan3A_202, %scan3A_321 : i32
          %add3A_323 = vector.broadcast %scan3A_322 : i32 to vector<16xi32>
          %add3A_324 = arith.addi %iota3A, %add3A_323 : vector<16xi32>
          %and3A_325 = arith.constant 127 : i32
          %and3A_326 = vector.broadcast %and3A_325 : i32 to vector<16xi32>
          %and3A_327 = arith.andi %add3A_324, %and3A_326 : vector<16xi32>
          %gather3A_328 = tpu.vector_load_idx %arg11[%add3A_186, %and3A_327] : memref<80x128xf32, #tpu.memory_space<vmem>>[vector<16xi32>, vector<16xi32>], vector<16xf32>,
          %gather3A_329 = tpu.vector_load_idx %arg15[%add3A_186, %and3A_327] : memref<80x128xf32, #tpu.memory_space<vmem>>[vector<16xi32>, vector<16xi32>], vector<16xf32>,
          %mul3A_330 = arith.mulf %gather3A_328, %gather3A_329 : vector<16xf32>
          %add3A_331 = arith.addf %add3A_320, %mul3A_330 : vector<16xf32>
          %scan3A_332 = arith.constant 12 : i32
          %scan3A_333 = arith.addi %scan3A_202, %scan3A_332 : i32
          %add3A_334 = vector.broadcast %scan3A_333 : i32 to vector<16xi32>
          %add3A_335 = arith.addi %iota3A, %add3A_334 : vector<16xi32>
          %and3A_336 = arith.constant 127 : i32
          %and3A_337 = vector.broadcast %and3A_336 : i32 to vector<16xi32>
          %and3A_338 = arith.andi %add3A_335, %and3A_337 : vector<16xi32>
          %gather3A_339 = tpu.vector_load_idx %arg11[%add3A_186, %and3A_338] : memref<80x128xf32, #tpu.memory_space<vmem>>[vector<16xi32>, vector<16xi32>], vector<16xf32>,
          %gather3A_340 = tpu.vector_load_idx %arg15[%add3A_186, %and3A_338] : memref<80x128xf32, #tpu.memory_space<vmem>>[vector<16xi32>, vector<16xi32>], vector<16xf32>,
          %mul3A_341 = arith.mulf %gather3A_339, %gather3A_340 : vector<16xf32>
          %add3A_342 = arith.addf %add3A_331, %mul3A_341 : vector<16xf32>
          %scan3A_343 = arith.constant 13 : i32
          %scan3A_344 = arith.addi %scan3A_202, %scan3A_343 : i32
          %add3A_345 = vector.broadcast %scan3A_344 : i32 to vector<16xi32>
          %add3A_346 = arith.addi %iota3A, %add3A_345 : vector<16xi32>
          %and3A_347 = arith.constant 127 : i32
          %and3A_348 = vector.broadcast %and3A_347 : i32 to vector<16xi32>
          %and3A_349 = arith.andi %add3A_346, %and3A_348 : vector<16xi32>
          %gather3A_350 = tpu.vector_load_idx %arg11[%add3A_186, %and3A_349] : memref<80x128xf32, #tpu.memory_space<vmem>>[vector<16xi32>, vector<16xi32>], vector<16xf32>,
          %gather3A_351 = tpu.vector_load_idx %arg15[%add3A_186, %and3A_349] : memref<80x128xf32, #tpu.memory_space<vmem>>[vector<16xi32>, vector<16xi32>], vector<16xf32>,
          %mul3A_352 = arith.mulf %gather3A_350, %gather3A_351 : vector<16xf32>
          %add3A_353 = arith.addf %add3A_342, %mul3A_352 : vector<16xf32>
          %scan3A_354 = arith.constant 14 : i32
          %scan3A_355 = arith.addi %scan3A_202, %scan3A_354 : i32
          %add3A_356 = vector.broadcast %scan3A_355 : i32 to vector<16xi32>
          %add3A_357 = arith.addi %iota3A, %add3A_356 : vector<16xi32>
          %and3A_358 = arith.constant 127 : i32
          %and3A_359 = vector.broadcast %and3A_358 : i32 to vector<16xi32>
          %and3A_360 = arith.andi %add3A_357, %and3A_359 : vector<16xi32>
          %gather3A_361 = tpu.vector_load_idx %arg11[%add3A_186, %and3A_360] : memref<80x128xf32, #tpu.memory_space<vmem>>[vector<16xi32>, vector<16xi32>], vector<16xf32>,
          %gather3A_362 = tpu.vector_load_idx %arg15[%add3A_186, %and3A_360] : memref<80x128xf32, #tpu.memory_space<vmem>>[vector<16xi32>, vector<16xi32>], vector<16xf32>,
          %mul3A_363 = arith.mulf %gather3A_361, %gather3A_362 : vector<16xf32>
          %add3A_364 = arith.addf %add3A_353, %mul3A_363 : vector<16xf32>
          %scan3A_365 = arith.constant 15 : i32
          %scan3A_366 = arith.addi %scan3A_202, %scan3A_365 : i32
          %add3A_367 = vector.broadcast %scan3A_366 : i32 to vector<16xi32>
          %add3A_368 = arith.addi %iota3A, %add3A_367 : vector<16xi32>
          %and3A_369 = arith.constant 127 : i32
          %and3A_370 = vector.broadcast %and3A_369 : i32 to vector<16xi32>
          %and3A_371 = arith.andi %add3A_368, %and3A_370 : vector<16xi32>
          %gather3A_372 = tpu.vector_load_idx %arg11[%add3A_186, %and3A_371] : memref<80x128xf32, #tpu.memory_space<vmem>>[vector<16xi32>, vector<16xi32>], vector<16xf32>,
          %gather3A_373 = tpu.vector_load_idx %arg15[%add3A_186, %and3A_371] : memref<80x128xf32, #tpu.memory_space<vmem>>[vector<16xi32>, vector<16xi32>], vector<16xf32>,
          %mul3A_374 = arith.mulf %gather3A_372, %gather3A_373 : vector<16xf32>
          %add3A_375 = arith.addf %add3A_364, %mul3A_374 : vector<16xf32>
          scf.yield %add3A_375 : vector<16xf32>
        }
        %scan3A_193 = arith.constant 128 : i32
        %neg3A = arith.constant 0.000000e+00 : f32
        %neg3A_194 = vector.broadcast %neg3A : f32 to vector<16xf32>
        %neg3A_195 = arith.subf %neg3A_194, %scan3A_192 : vector<16xf32>
        %exp3A = math.exp %neg3A_195 : vector<16xf32>
        %add3A_196 = arith.constant 1.000000e+00 : f32
        %add3A_197 = vector.broadcast %add3A_196 : f32 to vector<16xf32>
        %add3A_198 = arith.addf %add3A_197, %exp3A : vector<16xf32>
        %div3A = arith.constant 1.000000e+00 : f32
        %div3A_199 = vector.broadcast %div3A : f32 to vector<16xf32>
        %div3A_200 = arith.divf %div3A_199, %add3A_198 : vector<16xf32>
        %swap3A = arith.index_cast %mul3A_184 : i32 to index
        %swap3A_201 = tpu.vector_load %arg16[%swap3A] {strides = array<i32>} : memref<80xf32, #tpu.memory_space<vmem>>, vector<16xf32>,
        tpu.vector_store %arg16[%swap3A], %div3A_200 {strides = array<i32>} : memref<80xf32, #tpu.memory_space<vmem>>, vector<16xf32>,
      }
      %scan3A_171 = arith.constant 5 : i32
      %mul3A_172 = arith.constant 80 : i32
      %mul3A_173 = arith.muli %add3A_155, %mul3A_172 : i32
      %add3A_174 = arith.addi %mul3A_2, %mul3A_173 : i32
      "tpu.region"() ({
        %run_scoped3A = tpu.sem_alloc : memref<!tpu.dma_semaphore, #tpu.memory_space<semaphore_mem>>
        %dma_start3A_182 = tpu.memref_slice %arg5[%add3A_174] : memref<320000xf32, #tpu.memory_space<hbm>> -> memref<80xf32, #tpu.memory_space<hbm>>
        %dma_start3A_183 = tpu.memref_slice %arg5[%add3A_174] : memref<320000xf32, #tpu.memory_space<hbm>> -> memref<80xf32, #tpu.memory_space<hbm>>
        tpu.enqueue_dma source(%arg16 : memref<80xf32, #tpu.memory_space<vmem>>) target(%dma_start3A_183 : memref<80xf32, #tpu.memory_space<hbm>>) target_semaphore(%run_scoped3A : memref<!tpu.dma_semaphore, #tpu.memory_space<semaphore_mem>>)
        %dma_wait3A_184 = tpu.memref_slice %arg5[%add3A_174] : memref<320000xf32, #tpu.memory_space<hbm>> -> memref<80xf32, #tpu.memory_space<hbm>>
        %dma_wait3A_185 = tpu.memref_slice %arg5[%add3A_174] : memref<320000xf32, #tpu.memory_space<hbm>> -> memref<80xf32, #tpu.memory_space<hbm>>
        tpu.wait_dma2 semaphore(%run_scoped3A : memref<!tpu.dma_semaphore, #tpu.memory_space<semaphore_mem>>) src(%arg16 : memref<80xf32, #tpu.memory_space<vmem>>) dst(%dma_wait3A_185 : memref<80xf32, #tpu.memory_space<hbm>>)
        tpu.yield
      }) : () -> ()
      %add3A_175 = arith.constant 4 : i32
      %add3A_176 = arith.addi %add3A_155, %add3A_175 : i32
      %lt3A_177 = arith.constant 125 : i32
      %lt3A_178 = arith.cmpi slt, %add3A_176, %lt3A_177 : i32
      %convert_element_type3A_179 = arith.extui %lt3A_178 : i1 to i32
      %cond3A_180 = arith.constant 0 : i32
      %cond3A_181 = arith.cmpi ne, %convert_element_type3A_179, %cond3A_180 : i32
      scf.if %cond3A_181 {
        %add3A_182 = arith.constant 4 : i32
        %add3A_183 = arith.addi %add3A_155, %add3A_182 : i32
        %mul3A_184 = arith.constant 80 : i32
        %mul3A_185 = arith.muli %add3A_183, %mul3A_184 : i32
        %dma_start3A_186 = tpu.memref_slice %arg6[%mul3A_185] : memref<10000xi32, #tpu.memory_space<vmem>> -> memref<80xi32, #tpu.memory_space<vmem>>
        %dma_start3A_187 = arith.constant 0 : i32
        %dma_start3A_188 = arith.constant 0 : i32
        %dma_start3A_189 = tpu.memref_slice %arg2[%dma_start3A_187, %dma_start3A_188] : memref<10000x128xf32, #tpu.memory_space<hbm>> -> memref<10000x128xf32, #tpu.memory_space<hbm>>
        tpu.enqueue_indirect_dma source(%dma_start3A_189 : memref<10000x128xf32, #tpu.memory_space<hbm>>) target(%arg11 : memref<80x128xf32, #tpu.memory_space<vmem>>) offsets(%dma_start3A_186 : memref<80xi32, #tpu.memory_space<vmem>>) semaphore(%arg20 : memref<!tpu.dma_semaphore, #tpu.memory_space<semaphore_mem>>)
        %dma_start3A_190 = tpu.memref_slice %arg7[%mul3A_185] : memref<10000xi32, #tpu.memory_space<vmem>> -> memref<80xi32, #tpu.memory_space<vmem>>
        %dma_start3A_191 = arith.constant 0 : i32
        %dma_start3A_192 = arith.constant 0 : i32
        %dma_start3A_193 = tpu.memref_slice %arg2[%dma_start3A_191, %dma_start3A_192] : memref<10000x128xf32, #tpu.memory_space<hbm>> -> memref<10000x128xf32, #tpu.memory_space<hbm>>
        tpu.enqueue_indirect_dma source(%dma_start3A_193 : memref<10000x128xf32, #tpu.memory_space<hbm>>) target(%arg15 : memref<80x128xf32, #tpu.memory_space<vmem>>) offsets(%dma_start3A_190 : memref<80xi32, #tpu.memory_space<vmem>>) semaphore(%arg24 : memref<!tpu.dma_semaphore, #tpu.memory_space<semaphore_mem>>)
      } else {
      }
    }
    %scan3A_46 = arith.constant 31 : i32
    %dma_wait3A = arith.constant 0 : i32
    %dma_wait3A_47 = tpu.memref_slice %arg6[%dma_wait3A] : memref<10000xi32, #tpu.memory_space<vmem>> -> memref<80xi32, #tpu.memory_space<vmem>>
    %dma_wait3A_48 = arith.constant 0 : i32
    %dma_wait3A_49 = arith.constant 0 : i32
    %dma_wait3A_50 = tpu.memref_slice %arg2[%dma_wait3A_48, %dma_wait3A_49] : memref<10000x128xf32, #tpu.memory_space<hbm>> -> memref<10000x128xf32, #tpu.memory_space<hbm>>
    tpu.wait_indirect_dma semaphore(%arg17 : memref<!tpu.dma_semaphore, #tpu.memory_space<semaphore_mem>>) src(%dma_wait3A_50 : memref<10000x128xf32, #tpu.memory_space<hbm>>) dst(%arg8 : memref<80x128xf32, #tpu.memory_space<vmem>>)
    %dma_wait3A_51 = arith.constant 0 : i32
    %dma_wait3A_52 = tpu.memref_slice %arg7[%dma_wait3A_51] : memref<10000xi32, #tpu.memory_space<vmem>> -> memref<80xi32, #tpu.memory_space<vmem>>
    %dma_wait3A_53 = arith.constant 0 : i32
    %dma_wait3A_54 = arith.constant 0 : i32
    %dma_wait3A_55 = tpu.memref_slice %arg2[%dma_wait3A_53, %dma_wait3A_54] : memref<10000x128xf32, #tpu.memory_space<hbm>> -> memref<10000x128xf32, #tpu.memory_space<hbm>>
    tpu.wait_indirect_dma semaphore(%arg21 : memref<!tpu.dma_semaphore, #tpu.memory_space<semaphore_mem>>) src(%dma_wait3A_55 : memref<10000x128xf32, #tpu.memory_space<hbm>>) dst(%arg12 : memref<80x128xf32, #tpu.memory_space<vmem>>)
    %scan3A_56 = arith.constant 0 : i32
    %scan3A_57 = arith.constant 0 : i32
    %scan3A_58 = arith.constant 5 : i32
    %scan3A_59 = arith.addi %scan3A_57, %scan3A_58 : i32
    %scan3A_60 = arith.constant 1 : i32
    scf.for %scan3A_64 = %scan3A_57 to %scan3A_59 step %scan3A_60  : i32 {
      %mul3A_65 = arith.constant 16 : i32
      %mul3A_66 = arith.muli %scan3A_64, %mul3A_65 : i32
      %add3A_67 = vector.broadcast %mul3A_66 : i32 to vector<16xi32>
      %add3A_68 = arith.addi %add3A_67, %iota3A : vector<16xi32>
      %broadcast_in_dim3A = arith.constant 0.000000e+00 : f32
      %broadcast_in_dim3A_69 = vector.broadcast %broadcast_in_dim3A : f32 to vector<16xf32>
      %scan3A_70 = arith.constant 0 : i32
      %scan3A_71 = arith.constant 128 : i32
      %scan3A_72 = arith.addi %scan3A_70, %scan3A_71 : i32
      %scan3A_73 = arith.constant 16 : i32
      %scan3A_74 = scf.for %scan3A_84 = %scan3A_70 to %scan3A_72 step %scan3A_73 iter_args(%scan3A_85 = %broadcast_in_dim3A_69) -> (vector<16xf32>)  : i32 {
        %add3A_86 = vector.broadcast %scan3A_84 : i32 to vector<16xi32>
        %add3A_87 = arith.addi %iota3A, %add3A_86 : vector<16xi32>
        %and3A = arith.constant 127 : i32
        %and3A_88 = vector.broadcast %and3A : i32 to vector<16xi32>
        %and3A_89 = arith.andi %add3A_87, %and3A_88 : vector<16xi32>
        %gather3A = tpu.vector_load_idx %arg8[%add3A_68, %and3A_89] : memref<80x128xf32, #tpu.memory_space<vmem>>[vector<16xi32>, vector<16xi32>], vector<16xf32>,
        %gather3A_90 = tpu.vector_load_idx %arg12[%add3A_68, %and3A_89] : memref<80x128xf32, #tpu.memory_space<vmem>>[vector<16xi32>, vector<16xi32>], vector<16xf32>,
        %mul3A_91 = arith.mulf %gather3A, %gather3A_90 : vector<16xf32>
        %add3A_92 = arith.addf %scan3A_85, %mul3A_91 : vector<16xf32>
        %scan3A_93 = arith.constant 1 : i32
        %scan3A_94 = arith.addi %scan3A_84, %scan3A_93 : i32
        %add3A_95 = vector.broadcast %scan3A_94 : i32 to vector<16xi32>
        %add3A_96 = arith.addi %iota3A, %add3A_95 : vector<16xi32>
        %and3A_97 = arith.constant 127 : i32
        %and3A_98 = vector.broadcast %and3A_97 : i32 to vector<16xi32>
        %and3A_99 = arith.andi %add3A_96, %and3A_98 : vector<16xi32>
        %gather3A_100 = tpu.vector_load_idx %arg8[%add3A_68, %and3A_99] : memref<80x128xf32, #tpu.memory_space<vmem>>[vector<16xi32>, vector<16xi32>], vector<16xf32>,
        %gather3A_101 = tpu.vector_load_idx %arg12[%add3A_68, %and3A_99] : memref<80x128xf32, #tpu.memory_space<vmem>>[vector<16xi32>, vector<16xi32>], vector<16xf32>,
        %mul3A_102 = arith.mulf %gather3A_100, %gather3A_101 : vector<16xf32>
        %add3A_103 = arith.addf %add3A_92, %mul3A_102 : vector<16xf32>
        %scan3A_104 = arith.constant 2 : i32
        %scan3A_105 = arith.addi %scan3A_84, %scan3A_104 : i32
        %add3A_106 = vector.broadcast %scan3A_105 : i32 to vector<16xi32>
        %add3A_107 = arith.addi %iota3A, %add3A_106 : vector<16xi32>
        %and3A_108 = arith.constant 127 : i32
        %and3A_109 = vector.broadcast %and3A_108 : i32 to vector<16xi32>
        %and3A_110 = arith.andi %add3A_107, %and3A_109 : vector<16xi32>
        %gather3A_111 = tpu.vector_load_idx %arg8[%add3A_68, %and3A_110] : memref<80x128xf32, #tpu.memory_space<vmem>>[vector<16xi32>, vector<16xi32>], vector<16xf32>,
        %gather3A_112 = tpu.vector_load_idx %arg12[%add3A_68, %and3A_110] : memref<80x128xf32, #tpu.memory_space<vmem>>[vector<16xi32>, vector<16xi32>], vector<16xf32>,
        %mul3A_113 = arith.mulf %gather3A_111, %gather3A_112 : vector<16xf32>
        %add3A_114 = arith.addf %add3A_103, %mul3A_113 : vector<16xf32>
        %scan3A_115 = arith.constant 3 : i32
        %scan3A_116 = arith.addi %scan3A_84, %scan3A_115 : i32
        %add3A_117 = vector.broadcast %scan3A_116 : i32 to vector<16xi32>
        %add3A_118 = arith.addi %iota3A, %add3A_117 : vector<16xi32>
        %and3A_119 = arith.constant 127 : i32
        %and3A_120 = vector.broadcast %and3A_119 : i32 to vector<16xi32>
        %and3A_121 = arith.andi %add3A_118, %and3A_120 : vector<16xi32>
        %gather3A_122 = tpu.vector_load_idx %arg8[%add3A_68, %and3A_121] : memref<80x128xf32, #tpu.memory_space<vmem>>[vector<16xi32>, vector<16xi32>], vector<16xf32>,
        %gather3A_123 = tpu.vector_load_idx %arg12[%add3A_68, %and3A_121] : memref<80x128xf32, #tpu.memory_space<vmem>>[vector<16xi32>, vector<16xi32>], vector<16xf32>,
        %mul3A_124 = arith.mulf %gather3A_122, %gather3A_123 : vector<16xf32>
        %add3A_125 = arith.addf %add3A_114, %mul3A_124 : vector<16xf32>
        %scan3A_126 = arith.constant 4 : i32
        %scan3A_127 = arith.addi %scan3A_84, %scan3A_126 : i32
        %add3A_128 = vector.broadcast %scan3A_127 : i32 to vector<16xi32>
        %add3A_129 = arith.addi %iota3A, %add3A_128 : vector<16xi32>
        %and3A_130 = arith.constant 127 : i32
        %and3A_131 = vector.broadcast %and3A_130 : i32 to vector<16xi32>
        %and3A_132 = arith.andi %add3A_129, %and3A_131 : vector<16xi32>
        %gather3A_133 = tpu.vector_load_idx %arg8[%add3A_68, %and3A_132] : memref<80x128xf32, #tpu.memory_space<vmem>>[vector<16xi32>, vector<16xi32>], vector<16xf32>,
        %gather3A_134 = tpu.vector_load_idx %arg12[%add3A_68, %and3A_132] : memref<80x128xf32, #tpu.memory_space<vmem>>[vector<16xi32>, vector<16xi32>], vector<16xf32>,
        %mul3A_135 = arith.mulf %gather3A_133, %gather3A_134 : vector<16xf32>
        %add3A_136 = arith.addf %add3A_125, %mul3A_135 : vector<16xf32>
        %scan3A_137 = arith.constant 5 : i32
        %scan3A_138 = arith.addi %scan3A_84, %scan3A_137 : i32
        %add3A_139 = vector.broadcast %scan3A_138 : i32 to vector<16xi32>
        %add3A_140 = arith.addi %iota3A, %add3A_139 : vector<16xi32>
        %and3A_141 = arith.constant 127 : i32
        %and3A_142 = vector.broadcast %and3A_141 : i32 to vector<16xi32>
        %and3A_143 = arith.andi %add3A_140, %and3A_142 : vector<16xi32>
        %gather3A_144 = tpu.vector_load_idx %arg8[%add3A_68, %and3A_143] : memref<80x128xf32, #tpu.memory_space<vmem>>[vector<16xi32>, vector<16xi32>], vector<16xf32>,
        %gather3A_145 = tpu.vector_load_idx %arg12[%add3A_68, %and3A_143] : memref<80x128xf32, #tpu.memory_space<vmem>>[vector<16xi32>, vector<16xi32>], vector<16xf32>,
        %mul3A_146 = arith.mulf %gather3A_144, %gather3A_145 : vector<16xf32>
        %add3A_147 = arith.addf %add3A_136, %mul3A_146 : vector<16xf32>
        %scan3A_148 = arith.constant 6 : i32
        %scan3A_149 = arith.addi %scan3A_84, %scan3A_148 : i32
        %add3A_150 = vector.broadcast %scan3A_149 : i32 to vector<16xi32>
        %add3A_151 = arith.addi %iota3A, %add3A_150 : vector<16xi32>
        %and3A_152 = arith.constant 127 : i32
        %and3A_153 = vector.broadcast %and3A_152 : i32 to vector<16xi32>
        %and3A_154 = arith.andi %add3A_151, %and3A_153 : vector<16xi32>
        %gather3A_155 = tpu.vector_load_idx %arg8[%add3A_68, %and3A_154] : memref<80x128xf32, #tpu.memory_space<vmem>>[vector<16xi32>, vector<16xi32>], vector<16xf32>,
        %gather3A_156 = tpu.vector_load_idx %arg12[%add3A_68, %and3A_154] : memref<80x128xf32, #tpu.memory_space<vmem>>[vector<16xi32>, vector<16xi32>], vector<16xf32>,
        %mul3A_157 = arith.mulf %gather3A_155, %gather3A_156 : vector<16xf32>
        %add3A_158 = arith.addf %add3A_147, %mul3A_157 : vector<16xf32>
        %scan3A_159 = arith.constant 7 : i32
        %scan3A_160 = arith.addi %scan3A_84, %scan3A_159 : i32
        %add3A_161 = vector.broadcast %scan3A_160 : i32 to vector<16xi32>
        %add3A_162 = arith.addi %iota3A, %add3A_161 : vector<16xi32>
        %and3A_163 = arith.constant 127 : i32
        %and3A_164 = vector.broadcast %and3A_163 : i32 to vector<16xi32>
        %and3A_165 = arith.andi %add3A_162, %and3A_164 : vector<16xi32>
        %gather3A_166 = tpu.vector_load_idx %arg8[%add3A_68, %and3A_165] : memref<80x128xf32, #tpu.memory_space<vmem>>[vector<16xi32>, vector<16xi32>], vector<16xf32>,
        %gather3A_167 = tpu.vector_load_idx %arg12[%add3A_68, %and3A_165] : memref<80x128xf32, #tpu.memory_space<vmem>>[vector<16xi32>, vector<16xi32>], vector<16xf32>,
        %mul3A_168 = arith.mulf %gather3A_166, %gather3A_167 : vector<16xf32>
        %add3A_169 = arith.addf %add3A_158, %mul3A_168 : vector<16xf32>
        %scan3A_170 = arith.constant 8 : i32
        %scan3A_171 = arith.addi %scan3A_84, %scan3A_170 : i32
        %add3A_172 = vector.broadcast %scan3A_171 : i32 to vector<16xi32>
        %add3A_173 = arith.addi %iota3A, %add3A_172 : vector<16xi32>
        %and3A_174 = arith.constant 127 : i32
        %and3A_175 = vector.broadcast %and3A_174 : i32 to vector<16xi32>
        %and3A_176 = arith.andi %add3A_173, %and3A_175 : vector<16xi32>
        %gather3A_177 = tpu.vector_load_idx %arg8[%add3A_68, %and3A_176] : memref<80x128xf32, #tpu.memory_space<vmem>>[vector<16xi32>, vector<16xi32>], vector<16xf32>,
        %gather3A_178 = tpu.vector_load_idx %arg12[%add3A_68, %and3A_176] : memref<80x128xf32, #tpu.memory_space<vmem>>[vector<16xi32>, vector<16xi32>], vector<16xf32>,
        %mul3A_179 = arith.mulf %gather3A_177, %gather3A_178 : vector<16xf32>
        %add3A_180 = arith.addf %add3A_169, %mul3A_179 : vector<16xf32>
        %scan3A_181 = arith.constant 9 : i32
        %scan3A_182 = arith.addi %scan3A_84, %scan3A_181 : i32
        %add3A_183 = vector.broadcast %scan3A_182 : i32 to vector<16xi32>
        %add3A_184 = arith.addi %iota3A, %add3A_183 : vector<16xi32>
        %and3A_185 = arith.constant 127 : i32
        %and3A_186 = vector.broadcast %and3A_185 : i32 to vector<16xi32>
        %and3A_187 = arith.andi %add3A_184, %and3A_186 : vector<16xi32>
        %gather3A_188 = tpu.vector_load_idx %arg8[%add3A_68, %and3A_187] : memref<80x128xf32, #tpu.memory_space<vmem>>[vector<16xi32>, vector<16xi32>], vector<16xf32>,
        %gather3A_189 = tpu.vector_load_idx %arg12[%add3A_68, %and3A_187] : memref<80x128xf32, #tpu.memory_space<vmem>>[vector<16xi32>, vector<16xi32>], vector<16xf32>,
        %mul3A_190 = arith.mulf %gather3A_188, %gather3A_189 : vector<16xf32>
        %add3A_191 = arith.addf %add3A_180, %mul3A_190 : vector<16xf32>
        %scan3A_192 = arith.constant 10 : i32
        %scan3A_193 = arith.addi %scan3A_84, %scan3A_192 : i32
        %add3A_194 = vector.broadcast %scan3A_193 : i32 to vector<16xi32>
        %add3A_195 = arith.addi %iota3A, %add3A_194 : vector<16xi32>
        %and3A_196 = arith.constant 127 : i32
        %and3A_197 = vector.broadcast %and3A_196 : i32 to vector<16xi32>
        %and3A_198 = arith.andi %add3A_195, %and3A_197 : vector<16xi32>
        %gather3A_199 = tpu.vector_load_idx %arg8[%add3A_68, %and3A_198] : memref<80x128xf32, #tpu.memory_space<vmem>>[vector<16xi32>, vector<16xi32>], vector<16xf32>,
        %gather3A_200 = tpu.vector_load_idx %arg12[%add3A_68, %and3A_198] : memref<80x128xf32, #tpu.memory_space<vmem>>[vector<16xi32>, vector<16xi32>], vector<16xf32>,
        %mul3A_201 = arith.mulf %gather3A_199, %gather3A_200 : vector<16xf32>
        %add3A_202 = arith.addf %add3A_191, %mul3A_201 : vector<16xf32>
        %scan3A_203 = arith.constant 11 : i32
        %scan3A_204 = arith.addi %scan3A_84, %scan3A_203 : i32
        %add3A_205 = vector.broadcast %scan3A_204 : i32 to vector<16xi32>
        %add3A_206 = arith.addi %iota3A, %add3A_205 : vector<16xi32>
        %and3A_207 = arith.constant 127 : i32
        %and3A_208 = vector.broadcast %and3A_207 : i32 to vector<16xi32>
        %and3A_209 = arith.andi %add3A_206, %and3A_208 : vector<16xi32>
        %gather3A_210 = tpu.vector_load_idx %arg8[%add3A_68, %and3A_209] : memref<80x128xf32, #tpu.memory_space<vmem>>[vector<16xi32>, vector<16xi32>], vector<16xf32>,
        %gather3A_211 = tpu.vector_load_idx %arg12[%add3A_68, %and3A_209] : memref<80x128xf32, #tpu.memory_space<vmem>>[vector<16xi32>, vector<16xi32>], vector<16xf32>,
        %mul3A_212 = arith.mulf %gather3A_210, %gather3A_211 : vector<16xf32>
        %add3A_213 = arith.addf %add3A_202, %mul3A_212 : vector<16xf32>
        %scan3A_214 = arith.constant 12 : i32
        %scan3A_215 = arith.addi %scan3A_84, %scan3A_214 : i32
        %add3A_216 = vector.broadcast %scan3A_215 : i32 to vector<16xi32>
        %add3A_217 = arith.addi %iota3A, %add3A_216 : vector<16xi32>
        %and3A_218 = arith.constant 127 : i32
        %and3A_219 = vector.broadcast %and3A_218 : i32 to vector<16xi32>
        %and3A_220 = arith.andi %add3A_217, %and3A_219 : vector<16xi32>
        %gather3A_221 = tpu.vector_load_idx %arg8[%add3A_68, %and3A_220] : memref<80x128xf32, #tpu.memory_space<vmem>>[vector<16xi32>, vector<16xi32>], vector<16xf32>,
        %gather3A_222 = tpu.vector_load_idx %arg12[%add3A_68, %and3A_220] : memref<80x128xf32, #tpu.memory_space<vmem>>[vector<16xi32>, vector<16xi32>], vector<16xf32>,
        %mul3A_223 = arith.mulf %gather3A_221, %gather3A_222 : vector<16xf32>
        %add3A_224 = arith.addf %add3A_213, %mul3A_223 : vector<16xf32>
        %scan3A_225 = arith.constant 13 : i32
        %scan3A_226 = arith.addi %scan3A_84, %scan3A_225 : i32
        %add3A_227 = vector.broadcast %scan3A_226 : i32 to vector<16xi32>
        %add3A_228 = arith.addi %iota3A, %add3A_227 : vector<16xi32>
        %and3A_229 = arith.constant 127 : i32
        %and3A_230 = vector.broadcast %and3A_229 : i32 to vector<16xi32>
        %and3A_231 = arith.andi %add3A_228, %and3A_230 : vector<16xi32>
        %gather3A_232 = tpu.vector_load_idx %arg8[%add3A_68, %and3A_231] : memref<80x128xf32, #tpu.memory_space<vmem>>[vector<16xi32>, vector<16xi32>], vector<16xf32>,
        %gather3A_233 = tpu.vector_load_idx %arg12[%add3A_68, %and3A_231] : memref<80x128xf32, #tpu.memory_space<vmem>>[vector<16xi32>, vector<16xi32>], vector<16xf32>,
        %mul3A_234 = arith.mulf %gather3A_232, %gather3A_233 : vector<16xf32>
        %add3A_235 = arith.addf %add3A_224, %mul3A_234 : vector<16xf32>
        %scan3A_236 = arith.constant 14 : i32
        %scan3A_237 = arith.addi %scan3A_84, %scan3A_236 : i32
        %add3A_238 = vector.broadcast %scan3A_237 : i32 to vector<16xi32>
        %add3A_239 = arith.addi %iota3A, %add3A_238 : vector<16xi32>
        %and3A_240 = arith.constant 127 : i32
        %and3A_241 = vector.broadcast %and3A_240 : i32 to vector<16xi32>
        %and3A_242 = arith.andi %add3A_239, %and3A_241 : vector<16xi32>
        %gather3A_243 = tpu.vector_load_idx %arg8[%add3A_68, %and3A_242] : memref<80x128xf32, #tpu.memory_space<vmem>>[vector<16xi32>, vector<16xi32>], vector<16xf32>,
        %gather3A_244 = tpu.vector_load_idx %arg12[%add3A_68, %and3A_242] : memref<80x128xf32, #tpu.memory_space<vmem>>[vector<16xi32>, vector<16xi32>], vector<16xf32>,
        %mul3A_245 = arith.mulf %gather3A_243, %gather3A_244 : vector<16xf32>
        %add3A_246 = arith.addf %add3A_235, %mul3A_245 : vector<16xf32>
        %scan3A_247 = arith.constant 15 : i32
        %scan3A_248 = arith.addi %scan3A_84, %scan3A_247 : i32
        %add3A_249 = vector.broadcast %scan3A_248 : i32 to vector<16xi32>
        %add3A_250 = arith.addi %iota3A, %add3A_249 : vector<16xi32>
        %and3A_251 = arith.constant 127 : i32
        %and3A_252 = vector.broadcast %and3A_251 : i32 to vector<16xi32>
        %and3A_253 = arith.andi %add3A_250, %and3A_252 : vector<16xi32>
        %gather3A_254 = tpu.vector_load_idx %arg8[%add3A_68, %and3A_253] : memref<80x128xf32, #tpu.memory_space<vmem>>[vector<16xi32>, vector<16xi32>], vector<16xf32>,
        %gather3A_255 = tpu.vector_load_idx %arg12[%add3A_68, %and3A_253] : memref<80x128xf32, #tpu.memory_space<vmem>>[vector<16xi32>, vector<16xi32>], vector<16xf32>,
        %mul3A_256 = arith.mulf %gather3A_254, %gather3A_255 : vector<16xf32>
        %add3A_257 = arith.addf %add3A_246, %mul3A_256 : vector<16xf32>
        scf.yield %add3A_257 : vector<16xf32>
      }
      %scan3A_75 = arith.constant 128 : i32
      %neg3A = arith.constant 0.000000e+00 : f32
      %neg3A_76 = vector.broadcast %neg3A : f32 to vector<16xf32>
      %neg3A_77 = arith.subf %neg3A_76, %scan3A_74 : vector<16xf32>
      %exp3A = math.exp %neg3A_77 : vector<16xf32>
      %add3A_78 = arith.constant 1.000000e+00 : f32
      %add3A_79 = vector.broadcast %add3A_78 : f32 to vector<16xf32>
      %add3A_80 = arith.addf %add3A_79, %exp3A : vector<16xf32>
      %div3A = arith.constant 1.000000e+00 : f32
      %div3A_81 = vector.broadcast %div3A : f32 to vector<16xf32>
      %div3A_82 = arith.divf %div3A_81, %add3A_80 : vector<16xf32>
      %swap3A = arith.index_cast %mul3A_66 : i32 to index
      %swap3A_83 = tpu.vector_load %arg16[%swap3A] {strides = array<i32>} : memref<80xf32, #tpu.memory_space<vmem>>, vector<16xf32>,
      tpu.vector_store %arg16[%swap3A], %div3A_82 {strides = array<i32>} : memref<80xf32, #tpu.memory_space<vmem>>, vector<16xf32>,
    }
    %scan3A_61 = arith.constant 5 : i32
    %add3A_62 = arith.constant 9920 : i32
    %add3A_63 = arith.addi %mul3A_2, %add3A_62 : i32
    "tpu.region"() ({
      %run_scoped3A = tpu.sem_alloc : memref<!tpu.dma_semaphore, #tpu.memory_space<semaphore_mem>>
      %dma_start3A_64 = tpu.memref_slice %arg5[%add3A_63] : memref<320000xf32, #tpu.memory_space<hbm>> -> memref<80xf32, #tpu.memory_space<hbm>>
      %dma_start3A_65 = tpu.memref_slice %arg5[%add3A_63] : memref<320000xf32, #tpu.memory_space<hbm>> -> memref<80xf32, #tpu.memory_space<hbm>>
      tpu.enqueue_dma source(%arg16 : memref<80xf32, #tpu.memory_space<vmem>>) target(%dma_start3A_65 : memref<80xf32, #tpu.memory_space<hbm>>) target_semaphore(%run_scoped3A : memref<!tpu.dma_semaphore, #tpu.memory_space<semaphore_mem>>)
      %dma_wait3A_66 = tpu.memref_slice %arg5[%add3A_63] : memref<320000xf32, #tpu.memory_space<hbm>> -> memref<80xf32, #tpu.memory_space<hbm>>
      %dma_wait3A_67 = tpu.memref_slice %arg5[%add3A_63] : memref<320000xf32, #tpu.memory_space<hbm>> -> memref<80xf32, #tpu.memory_space<hbm>>
      tpu.wait_dma2 semaphore(%run_scoped3A : memref<!tpu.dma_semaphore, #tpu.memory_space<semaphore_mem>>) src(%arg16 : memref<80xf32, #tpu.memory_space<vmem>>) dst(%dma_wait3A_67 : memref<80xf32, #tpu.memory_space<hbm>>)
      tpu.yield
    }) : () -> ()
    return
  }
}

</mosaic_0001>

<sc_bundles>
// kernel: kernel.3.cloned.1.call-start
scs
__scs_entry_jumppad:
0x0: {  	(pc) =	sbr.rel $0x88, $3  }
0x1: {  	(tag) =	ssettag $0x0;
	lr =	simm.s32 $0x1  }
0x2: {  	[smem:$0x3F9F] =	sst lr;
	_ =	strace $0xD0000000  }
0x3: {  	_ = 	snop  }
0x4: {  	_ = 	snop  }
0x5: {  	_ = 	snop  }
0x6: {  	_ = 	snop  }
0x7: {  	_ = 	snop  }
__scs_overlays_trampoline_lowered:
0x8: {  	[smem:$0x3FAE] =	sst s0  }
0x9: {  	[smem:$0x3FAF] =	sst s1  }
0xa: {  	[smem:$0x3FB0] =	sst s2  }
0xb: {  	[smem:$0x3FB1] =	sst s3  }
0xc: {  	[smem:$0x3FB2] =	sst s4  }
0xd: {  	[smem:$0x3FB3] =	sst s5  }
0xe: {  	[smem:$0x3FB4] =	sst s6  }
0xf: {  	[smem:$0x3FB5] =	sst s7  }
0x10: {  	[smem:$0x3FB6] =	sst s8  }
0x11: {  	[smem:$0x3FB7] =	sst s9;
	s0 =	simm.s32 @!p0 $0x0  }
0x12: {  	s1 =	sld [smem:$0x3F9D];
	s0 =	simm.s32 @p0 $0x1  }
0x13: {  	[smem:$0x3FB8] =	sst s0;
	s0 =	simm.s32 @!p1 $0x0  }
0x14: {  	s2 =	sld [smem:$0x3F9C];
	s0 =	simm.s32 @p1 $0x1  }
0x15: {  	[smem:$0x3FB9] =	sst s0;
	s0 =	simm.s32 @!p2 $0x0  }
0x16: {  	s3 =	sld [smem:$0x3FDB];
	s0 =	simm.s32 @p2 $0x1  }
0x17: {  	s4 =	simm.s32 $0x1BF5;
	[smem:$0x3FBB] =	sst s0  }
0x18: {  	s0 =	sld [smem:$0x3F9E];
	_ =	swait.ge [sflag:s4], $0x0  }
0x19: {  	s7 =	sld [smem:$0x3F9F]  }
0x1a: {  	s8 =	sadd.s32 $0xFFFFE003, lr  }
0x1b: {  	s9 =	sadd.s32 $0xFFFFFEF7, lr;
	s5 =	simm.s32 $0xFFFFFFFF;
	p2 =	slt.u32 s8, $0xFFFFF086  }
0x1c: {  	p1 =	slt.u32 s9, $0xF7A;
	s5 =	simm.s32 @!p2 $0x0  }
0x1d: {  	s5 =	simm.s32 @p1 $0x1;
	p0 =	seq.s32 s7, s2  }
0x1e: {  	s7 =	smul.u32 @!p0 $0xF7A, s2;
	p2 =	seq.s32 @!p0 s5, $0x0  }
0x1f: {  	s9 =	smul.u32 $0xF7A, s1;
	s8 =	simm.s32 @!p0 $0x1BF5;
	p2 =	por !p2, p0  }
0x20: {  	[sflag:s8] =	ssyncset.s32 @!p0 $0xFFFFF086;
	s6 =	sadd.s32 @!p0 s3, s7;
	s7 =	simm.s32 @!p0 $0x108  }
0x21: {  	s3 =	sadd.s32 s3, s9;
	s6 =	sadd.s32 @!p0 $0x88, s6;
	s7 =	simm.s32 @p2 $0x1082  }
0x22: {  	[simem:s7], [sflag:s8] =	dma.local @!p0 [hbm:s6], $0xF7A  }
0x23: {  	s9 =	sor.u32 $0xD0000000, s2;
	s6 =	simm.s32 $0x108;
	_ =	swait.ge @!p0 [sflag:s8], $0x0  }
0x24: {  	s3 =	sadd.s32 $0x88, s3;
	s6 =	simm.s32 @!p1 $0x1082;
	[sflag:s4] =	ssyncset.s32 $0xFFFFF086  }
0x25: {  	[simem:s6], [sflag:s4] =	dma.local [hbm:s3], $0xF7A  }
0x26: {  	[smem:$0x3F9F] =	sst s1;
	(tag) =	ssettag s2;
	_ =	strace s9  }
0x27: {  	s1 =	sld [smem:$0x3FAF]  }
0x28: {  	s2 =	sld [smem:$0x3FB0]  }
0x29: {  	s4 =	sld [smem:$0x3FB2]  }
0x2a: {  	p0 =	seq.s32 s5, $0x0;
	s5 =	sld [smem:$0x3FB3]  }
0x2b: {  	s6 =	sld [smem:$0x3FB4]  }
0x2c: {  	s7 =	sld [smem:$0x3FB5]  }
0x2d: {  	s3 =	simm.s32 $0x108;
	s8 =	sld [smem:$0x3FB6]  }
0x2e: {  	s3 =	simm.s32 @!p0 $0x1082;
	s9 =	sld [smem:$0x3FB7]  }
0x2f: {  	lr =	sadd.s32 s0, s3;
	s0 =	sld [smem:$0x3FAE]  }
0x30: {  	s3 =	sld [smem:$0x3FB1]  }
0x31: {  	[smem:$0x3FBA] =	sst s10  }
0x32: {  	s10 =	sld [smem:$0x3FB8];
	_ =	sdelay $0x3  }
0x33: {  	p0 =	seq.s32 s10, $0x1;
	s10 =	sld [smem:$0x3FBA];
	_ =	sdelay $0x3  }
0x34: {  	[smem:$0x3FBA] =	sst s10  }
0x35: {  	s10 =	sld [smem:$0x3FB9];
	_ =	sdelay $0x3  }
0x36: {  	p1 =	seq.s32 s10, $0x1;
	s10 =	sld [smem:$0x3FBA];
	_ =	sdelay $0x3  }
0x37: {  	[smem:$0x3FBA] =	sst s10  }
0x38: {  	s10 =	sld [smem:$0x3FBB]  }
0x39: {  	_ = 	snop;
	(pc) =	sbr.ind lr, $3  }
0x3a: {  	_ = 	snop  }
0x3b: {  	_ = 	snop  }
0x3c: {  	p2 =	seq.s32 s10, $0x1;
	s10 =	sld [smem:$0x3FBA]  }
0x3d: {  	_ =	shalt  }
0x3e: {  	_ =	shalt  }
0x3f: {  	_ =	shalt  }
0x40: {  	_ =	shalt  }
0x41: {  	_ =	shalt  }
0x42: {  	_ =	shalt  }
0x43: {  	_ =	shalt  }
0x44: {  	_ =	shalt  }
0x45: {  	_ =	shalt  }
0x46: {  	_ =	shalt  }
0x47: {  	_ =	shalt  }
0x48: {  	_ =	shalt  }
0x49: {  	_ =	shalt  }
0x4a: {  	_ =	shalt  }
0x4b: {  	_ =	shalt  }
0x4c: {  	_ =	shalt  }
0x4d: {  	_ =	shalt  }
0x4e: {  	_ =	shalt  }
0x4f: {  	_ =	shalt  }
0x50: {  	_ =	shalt  }
0x51: {  	_ =	shalt  }
0x52: {  	_ =	shalt  }
0x53: {  	_ =	shalt  }
0x54: {  	_ =	shalt  }
0x55: {  	_ =	shalt  }
0x56: {  	_ =	shalt  }
0x57: {  	_ =	shalt  }
0x58: {  	_ =	shalt  }
0x59: {  	_ =	shalt  }
0x5a: {  	_ =	shalt  }
0x5b: {  	_ =	shalt  }
0x5c: {  	_ =	shalt  }
0x5d: {  	_ =	shalt  }
0x5e: {  	_ =	shalt  }
0x5f: {  	_ =	shalt  }
0x60: {  	_ =	shalt  }
0x61: {  	_ =	shalt  }
0x62: {  	_ =	shalt  }
0x63: {  	_ =	shalt  }
0x64: {  	_ =	shalt  }
0x65: {  	_ =	shalt  }
0x66: {  	_ =	shalt  }
0x67: {  	_ =	shalt  }
0x68: {  	_ =	shalt  }
0x69: {  	_ =	shalt  }
0x6a: {  	_ =	shalt  }
0x6b: {  	_ =	shalt  }
0x6c: {  	_ =	shalt  }
0x6d: {  	_ =	shalt  }
0x6e: {  	_ =	shalt  }
0x6f: {  	_ =	shalt  }
0x70: {  	_ =	shalt  }
0x71: {  	_ =	shalt  }
0x72: {  	_ =	shalt  }
0x73: {  	_ =	shalt  }
0x74: {  	_ =	shalt  }
0x75: {  	_ =	shalt  }
0x76: {  	_ =	shalt  }
0x77: {  	_ =	shalt  }
0x78: {  	_ =	shalt  }
0x79: {  	_ =	shalt  }
0x7a: {  	_ =	shalt  }
0x7b: {  	_ =	shalt  }
0x7c: {  	_ =	shalt  }
0x7d: {  	_ =	shalt  }
0x7e: {  	_ =	shalt  }
0x7f: {  	_ =	shalt  }
0x80: {  	_ =	shalt  }
0x81: {  	_ =	shalt  }
0x82: {  	_ =	shalt  }
0x83: {  	_ =	shalt  }
0x84: {  	_ =	shalt  }
0x85: {  	_ =	shalt  }
0x86: {  	_ =	shalt  }
0x87: {  	_ =	shalt  }
.Lfunc_end0:
.L_simem_size_0:
called_computation_lowered:
.L_overlay_start_0:
0x88: {  	s2 =	sld [smem:$0x3FD9]  }
0x89: {  	s3 =	sld [smem:$0x3FFE];
	_ =	sdelay $0x1  }
0x8a: {  	s1 =	srdreg.scid  }
0x8b: {  	s0 =	sand.u32 $0x1, s1  }
0x8c: {  	s17 =	sshll.u32 s0, $0xA;
	s2 =	sadd.s32 s3, s2  }
0x8d: {  	s2 =	sadd.s32 s2, s17  }
0x8e: {  	[smem:$0x3FC6] =	sst s2  }
0x8f: {  	_ = 	snop  }
0x90: {  	s2 =	sld [smem:$0x3FC9]  }
0x91: {  	s18 =	sld [smem:$0x3FD0];
	(tm) =	ssettm $0x1  }
0x92: {  	s4 =	sld [smem:$0x3FFB];
	_ =	sdelay $0x3  }
0x93: {  	_ =	strace s4  }
0x94: {  	s4 =	sld [smem:$0x3FFC];
	_ =	sdelay $0x3  }
0x95: {  	_ =	strace s4  }
0x96: {  	s4 =	sld [smem:$0x3FFD];
	_ =	sdelay $0x3  }
0x97: {  	_ =	strace s4  }
0x98: {  	_ =	strace $0x8FFFFFFF  }
0x99: {  	s19 =	sld [smem:$0x3FDB];
	_ =	sdelay $0x1  }
0x9a: {  	s5 =	simm.s32 $_scs_section_size  }
0x9b: {  	s6 =	simm.s32 $_size__tile_overlayer_lowered;
	s7 =	simm.s32 $_tile_overlayer_lowered  }
0x9c: {  	s22 =	simm.s32 $0x1BFF;
	s21 =	sshll.u32 s7, $0x1;
	s4 =	sadd.s32 s5, s19  }
0x9d: {  	s8 =	simm.s32 $0x0;
	s20 =	sshll.u32 s6, $0x1;
	s6 =	sadd.s32 s21, s4  }
0x9e: {  	[timem:s8], [sflag:s22] =	dma.local [hbm:s6], s20  }
0x9f: {  	_ =	swait.ge [sflag:s22], s20  }
0xa0: {  	s5 =	ssub.s32 $0x0, s20;
	[sflag:s22] =	ssyncset.done $0x0  }
0xa1: {  	[sflag:s22] =	ssyncadd.s32 s5;
	_ =	sdelay $0x1  }
0xa2: {  	s23 =	simm.s32 $0x1B8B  }
0xa3: {  	_ =	swait.ge [sflag:s23], $0x1  }
0xa4: {  	[sflag:s23] =	ssyncset.done $0x0  }
0xa5: {  	s25 =	simm.s32 $0x1B8E;
	s24 =	sld [smem:$0x3FFE];
	[sflag:s23] =	ssyncadd.s32 $0xFFFFFFFF  }
0xa6: {  	s26 =	simm.s32 $execute0_lowered;
	[smem:$0x3FD2] =	sst s25  }
0xa7: {  	s6 =	sshll.u32 s26, $0x1;
	_ =	strace $0x80000046;
	[dreg:$0x1] =	wrdreg $0xFFFFFFFF  }
0xa8: {  	s28 =	simm.s32 $_size_execute0_lowered;
	s4 =	sadd.s32 s4, s6;
	[dreg:$0x0] =	wrdreg $0x0  }
0xa9: {  	s6 =	sshll.u32 s28, $0x1;
	[dreg:$0x2] =	wrdreg s4  }
0xaa: {  	[dreg:$0x3] =	wrdreg s6  }
0xab: {  	[dreg:$0x4] =	wrdreg $0xC0  }
0xac: {  	_ =	task [dreg:s8], $0x5FFFF  }
0xad: {  	[dreg:$0x1] =	wrdreg $0xFFFFFFFF  }
0xae: {  	[dreg:$0x0] =	wrdreg $0x60  }
0xaf: {  	[dreg:$0x2] =	wrdreg s2  }
0xb0: {  	[dreg:$0x3] =	wrdreg s24  }
0xb1: {  	[dreg:$0x4] =	wrdreg s18  }
0xb2: {  	[dreg:$0x5] =	wrdreg $0x9  }
0xb3: {  	_ =	task.clear_ibuf [dreg:s8], $0x6FFFF;
	_ =	strace $0x90000046  }
0xb4: {  	s29 =	simm.s32 $0x9;
	_ =	strace $0x80000048  }
0xb5: {  	_ =	swait.ge [sflag:s29], $0x1  }
0xb6: {  	[sflag:s29] =	ssyncadd.s32 $0xFFFFFFFF  }
0xb7: {  	_ =	strace $0x90000048  }
0xb8: {  	_ =	sfence  }
0xb9: {  	s30 =	sld [smem:$0x0];
	_ =	sdelay $0x2  }
0xba: {  	s31 =	sshll.u32 s1, $0xD;
	s1 =	sshrl.u32 s1, $0x2  }
0xbb: {  	s3 =	sand.u32 $0x4000, s31;
	s1 =	sadd.s32 s1, s30  }
0xbc: {  	s0 =	sor.u32 s3, s0;
	s1 =	sshll.u32 s1, $0x11  }
0xbd: {  	s0 =	sor.u32 s1, s0  }
0xbe: {  	s0 =	sadd.s32 $0x8F2B, s0  }
0xbf: {  	[sflag:s0] =	ssyncadd.remote.s32 $0x1  }
0xc0: {  	_ =	sfence.sel $0xFFFF  }
0xc1: {  	[dreg:$0x0] =	wrdreg $0xFFFFFFFF;
	(pc) =	sbr.abs _section_cstart, $3  }
0xc2: {  	[dreg:$0x1] =	wrdreg $0xFFFFFFFF  }
0xc3: {  	_ =	task.clear_ibuf [dreg:s8], $0x2FFFF;
	_ =	strace $0x9FFFFFFF  }
0xc4: {  	(tm) =	ssettm $0x7FFFFFFF  }
0xc5: {  	_ =	shalt  }
tec
execute0_lowered:
.L_overlay_start_1:
0x0: {  	(tag) =	ssettag $0x1  }
0x1: {  	s0 =	srdreg.scid;
	s1 =	rddreg [dreg:$0x0]  }
0x2: {  	s2 =	stileid.u32;
	s4 =	rddreg [dreg:$0x1]  }
0x3: {  	s3 =	rddreg [dreg:$0x2];
	s5 =	simm.s32 $0x0;
	s13 =	simm.s32 $0x9  }
0x4: {  	s15 =	simm.s32 $0x50;
	s16 =	simm.s32 $0x4F00;
	s17 =	simm.s32 $0xEF00  }
0x5: {  	s18 =	simm.s32 $0x7700;
	s20 =	simm.s32 $0x11700;
	s29 =	simm.s32 $0x16700  }
0x6: {  	s30 =	simm.s32 $0x1;
	s0 =	sand.u32 $0x1, s0;
	s2 =	sshll.u32 s2, $0x1  }
0x7: {  	s31 =	simm.s32 $0x5;
	s19 =	simm.s32 $0x6;
	s2 =	sor.u32 s0, s2  }
0x8: {  	[smem:$0x7FF] =	sst s5;
	s0 =	ssub.s32 $0x2, s0;
	s7 =	smul.u32 $0x2710, s2  }
0x9: {  	s28 =	simm.s32 $0x8;
	_ =	strace $0x80000047;
	s21 =	sshrl.u32 s0, $0x1  }
0xa: {  	s0 =	ssub.s32 s0, s21;
	s21 =	simm.s32 $0x3;
	s23 =	sadd.s32 $0x50, s7  }
0xb: {  	s6 =	sshrl.u32 s7, $0x3;
	s25 =	sadd.s32 $0xA0, s7;
	[dreg:$0x6] =	wrdreg s23  }
0xc: {  	s10 =	smov.u32 s7;
	s26 =	sadd.s32 $0xF0, s7;
	[dreg:$0x7] =	wrdreg s25  }
0xd: {  	s0 =	smax.u32 s0, $0x1;
	s22 =	sadd.s32 s4, s6;
	[dreg:$0x8] =	wrdreg s26  }
0xe: {  	s24 =	sadd.s32 s3, s6;
	[dreg:$0xa] =	wrdreg s0;
	s26 =	simm.s32 $0xC700  }
0xf: {  	s0 =	simm.s32 $0x2;
	s23 =	simm.s32 $0x7;
	s25 =	simm.s32 $0x4  }
0x10: {  	s6 =	simm.s32 $0x0;
	[dreg:$0x4] =	wrdreg s22;
	s2 =	sadd.s32 $0x9E00, s22  }
0x11: {  	v0 =	vlaneseq.u32;
	s22 =	simm.s32 $0x9F00;
	[dreg:$0x5] =	wrdreg s2;
	s2 =	sadd.s32 $0x4D8, s24  }
0x12: {  	v1 =	vmul.u32 $0x80, v0;
	s24 =	simm.s32 $0x13F00;
	[dreg:$0x9] =	wrdreg s2;
	s2 =	simm.s32 $0x18F00  }
.LBB2_1:
0x13: {  	[dreg:$0xb] =	wrdreg s6  }
0x14: {  	s4 =	rddreg [dreg:$0x5]  }
0x15: {  	[tilespmem:s5], [sflag:$0x9] =	stream.linear.gather [hbm4b:s4+s5], $0x2710, $0x38;
	[tilespmem:$0x18F80] =	vst v63  }
0x16: {  	_ =	swait.ge [sflag:s13], $0x2710  }
0x17: {  	[sflag:s13] =	ssyncset.done $0x0  }
0x18: {  	s7 =	simm.s32 $0x2780;
	s6 =	rddreg [dreg:$0x4];
	[sflag:s13] =	ssyncadd.s32 $0xFFFFD8F0  }
0x19: {  	[tilespmem:s7], [sflag:$0x9] =	stream.linear.gather [hbm4b:s6+s5], $0x2710, $0x38;
	[tilespmem:$0x18F80] =	vst v63  }
0x1a: {  	_ =	swait.ge [sflag:s13], $0x2710  }
0x1b: {  	[sflag:s13] =	ssyncset.done $0x0  }
0x1c: {  	[sflag:s13] =	ssyncadd.s32 $0xFFFFD8F0  }
0x1d: {  	[tilespmem:s16], [sflag:$0x1] =	stream.indirect.gather [hbm4b:s1+s15], $0x80, s5, s15, $0xb8;
	[tilespmem:$0x18F80] =	vst v63  }
0x1e: {  	_ = 	snop  }
0x1f: {  	[tilespmem:s17], [sflag:$0x5] =	stream.indirect.gather [hbm4b:s1+s15], $0x80, s7, s15, $0xb8;
	[tilespmem:$0x18F80] =	vst v63  }
0x20: {  	_ = 	snop  }
0x21: {  	[tilespmem:s18], [sflag:$0x2] =	stream.indirect.gather [hbm4b:s1+s15], $0x80, s15, s15, $0xb8;
	[tilespmem:$0x18F80] =	vst v63  }
0x22: {  	s8 =	simm.s32 $0x27D0  }
0x23: {  	[tilespmem:s20], [sflag:$0x6] =	stream.indirect.gather [hbm4b:s1+s15], $0x80, s8, s15, $0xb8;
	[tilespmem:$0x18F80] =	vst v63  }
0x24: {  	s9 =	simm.s32 $0xA0  }
0x25: {  	[tilespmem:s22], [sflag:$0x3] =	stream.indirect.gather [hbm4b:s1+s15], $0x80, s9, s15, $0xb8;
	[tilespmem:$0x18F80] =	vst v63  }
0x26: {  	s11 =	simm.s32 $0x2820  }
0x27: {  	[tilespmem:s24], [sflag:$0x7] =	stream.indirect.gather [hbm4b:s1+s15], $0x80, s11, s15, $0xb8;
	[tilespmem:$0x18F80] =	vst v63  }
0x28: {  	s12 =	simm.s32 $0xF0  }
0x29: {  	[tilespmem:s26], [sflag:$0x4] =	stream.indirect.gather [hbm4b:s1+s15], $0x80, s12, s15, $0xb8;
	[tilespmem:$0x18F80] =	vst v63  }
0x2a: {  	s14 =	simm.s32 $0x2870;
	s7 =	simm.s32 $0x0  }
0x2b: {  	[tilespmem:s29], [sflag:$0x8] =	stream.indirect.gather [hbm4b:s1+s15], $0x80, s14, s15, $0xb8;
	[tilespmem:$0x18F80] =	vst v63  }
.LBB2_2:
0x2c: {  	_ =	swait.ge [sflag:s30], $0x2800  }
0x2d: {  	[sflag:s30] =	ssyncset.done $0x0  }
0x2e: {  	[sflag:s30] =	ssyncadd.s32 $0xFFFFD800  }
0x2f: {  	_ =	swait.ge [sflag:s31], $0x2800  }
0x30: {  	[sflag:s31] =	ssyncset.done $0x0  }
0x31: {  	s11 =	simm.s32 $0x0;
	s12 =	simm.s32 $0x0;
	[sflag:s31] =	ssyncadd.s32 $0xFFFFD800  }
.LBB2_3:
0x32: {  	s6 =	sshll.u32 s12, $0x4  }
0x33: {  	v2 =	vmov s6  }
0x34: {  	v2 =	vshll.u32 v2, $0x7  }
0x35: {  	v2 =	vor.u32 v1, v2  }
0x36: {  	s4 =	simm.s32 $0x1;
	v3 =	vor.u32 v0, v2  }
0x37: {  	v5 =	vadd.s32 s4, v0;
	v4 =	vor.u32 s11, v3  }
0x38: {  	s14 =	simm.s32 $0x2;
	v5 =	vand.u32 $0x7F, v5  }
0x39: {  	v6 =	vadd.s32 s14, v0;
	v5 =	vor.u32 v2, v5  }
0x3a: {  	s8 =	simm.s32 $0x3;
	v6 =	vand.u32 $0x7F, v6  }
0x3b: {  	v7 =	vadd.s32 s8, v0;
	v6 =	vor.u32 v2, v6  }
0x3c: {  	s9 =	simm.s32 $0x4;
	v7 =	vand.u32 $0x7F, v7;
	v8 =	vld.idx.msk [tilespmem:v4+s16+$0x0], $0xffff  }
0x3d: {  	v9 =	vadd.s32 s9, v0;
	v7 =	vor.u32 v2, v7;
	v4 =	vld.idx.msk [tilespmem:v4+s17+$0x0], $0xffff  }
0x3e: {  	s14 =	simm.s32 $0x5;
	v9 =	vand.u32 $0x7F, v9;
	v10 =	vld.idx.msk [tilespmem:v5+s16+$0x0], $0xffff  }
0x3f: {  	v11 =	vadd.s32 s14, v0;
	v9 =	vor.u32 v2, v9;
	v5 =	vld.idx.msk [tilespmem:v5+s17+$0x0], $0xffff  }
0x40: {  	s8 =	simm.s32 $0x6;
	v11 =	vand.u32 $0x7F, v11;
	v12 =	vld.idx.msk [tilespmem:v6+s16+$0x0], $0xffff  }
0x41: {  	v13 =	vadd.s32 s8, v0;
	v11 =	vor.u32 v2, v11;
	v6 =	vld.idx.msk [tilespmem:v6+s17+$0x0], $0xffff  }
0x42: {  	s9 =	simm.s32 $0x7;
	v13 =	vand.u32 $0x7F, v13;
	v14 =	vld.idx.msk [tilespmem:v7+s16+$0x0], $0xffff;
	v4 =	vmul.f32 v4, v8  }
0x43: {  	v15 =	vadd.s32 s9, v0;
	v7 =	vld.idx.msk [tilespmem:v7+s17+$0x0], $0xffff;
	v8 =	vor.u32 v2, v13;
	v13 =	vimm.f32 $0.0e+00  }
0x44: {  	s14 =	simm.s32 $0x8;
	v15 =	vand.u32 $0x7F, v15;
	v16 =	vld.idx.msk [tilespmem:v9+s16+$0x0], $0xffff;
	v5 =	vmul.f32 v5, v10;
	v4 =	vadd.f32 v4, v13  }
0x45: {  	v17 =	vadd.s32 s14, v0;
	v9 =	vld.idx.msk [tilespmem:v9+s17+$0x0], $0xffff;
	v10 =	vor.u32 v2, v15  }
0x46: {  	s8 =	simm.s32 $0x9;
	v15 =	vand.u32 $0x7F, v17;
	v13 =	vld.idx.msk [tilespmem:v11+s16+$0x0], $0xffff;
	v4 =	vadd.f32 v5, v4;
	v5 =	vmul.f32 v6, v12  }
0x47: {  	v17 =	vadd.s32 s8, v0;
	v6 =	vld.idx.msk [tilespmem:v11+s17+$0x0], $0xffff;
	v11 =	vor.u32 v2, v15  }
0x48: {  	s9 =	simm.s32 $0xA;
	v15 =	vand.u32 $0x7F, v17;
	v12 =	vld.idx.msk [tilespmem:v8+s16+$0x0], $0xffff;
	v4 =	vadd.f32 v5, v4;
	v5 =	vmul.f32 v7, v14  }
0x49: {  	v17 =	vadd.s32 s9, v0;
	v7 =	vld.idx.msk [tilespmem:v8+s17+$0x0], $0xffff;
	v8 =	vor.u32 v2, v15  }
0x4a: {  	s14 =	simm.s32 $0xB;
	v14 =	vld.idx.msk [tilespmem:v10+s16+$0x0], $0xffff;
	v15 =	vand.u32 $0x7F, v17;
	v4 =	vadd.f32 v5, v4;
	v5 =	vmul.f32 v9, v16  }
0x4b: {  	v17 =	vadd.s32 s14, v0;
	v9 =	vld.idx.msk [tilespmem:v10+s17+$0x0], $0xffff;
	v10 =	vor.u32 v2, v15  }
0x4c: {  	s8 =	simm.s32 $0xC;
	v16 =	vand.u32 $0x7F, v17;
	v15 =	vld.idx.msk [tilespmem:v11+s16+$0x0], $0xffff;
	v4 =	vadd.f32 v5, v4;
	v5 =	vmul.f32 v6, v13  }
0x4d: {  	s9 =	simm.s32 $0xD;
	v17 =	vadd.s32 s8, v0;
	v11 =	vld.idx.msk [tilespmem:v11+s17+$0x0], $0xffff;
	v13 =	vor.u32 v2, v16  }
0x4e: {  	v6 =	vand.u32 $0x7F, v17;
	v17 =	vadd.s32 s9, v0;
	v16 =	vld.idx.msk [tilespmem:v8+s16+$0x0], $0xffff;
	v4 =	vadd.f32 v5, v4  }
0x4f: {  	v5 =	vmul.f32 v7, v12;
	v7 =	vld.idx.msk [tilespmem:v8+s17+$0x0], $0xffff;
	v8 =	vor.u32 v2, v6;
	v6 =	vand.u32 $0x7F, v17  }
0x50: {  	s14 =	simm.s32 $0xE;
	v18 =	vld.idx.msk [tilespmem:v10+s16+$0x0], $0xffff;
	v19 =	vor.u32 v2, v6  }
0x51: {  	v17 =	vld.idx.msk [tilespmem:v10+s17+$0x0], $0xffff;
	v4 =	vadd.f32 v5, v4;
	v5 =	vmul.f32 v9, v14;
	v9 =	vadd.s32 s14, v0  }
0x52: {  	s8 =	simm.s32 $0xF;
	v11 =	vmul.f32 v11, v15;
	v6 =	vld.idx.msk [tilespmem:v13+s16+$0x0], $0xffff;
	v12 =	vand.u32 $0x7F, v9  }
0x53: {  	v10 =	vld.idx.msk [tilespmem:v13+s17+$0x0], $0xffff;
	v9 =	vadd.s32 s8, v0;
	v4 =	vadd.f32 v5, v4;
	v12 =	vor.u32 v2, v12  }
0x54: {  	v13 =	vand.u32 $0x7F, v9;
	v5 =	vld.idx.msk [tilespmem:v8+s16+$0x0], $0xffff  }
0x55: {  	s9 =	simm.s32 $0x11;
	v15 =	vmul.f32 v7, v16;
	v9 =	vld.idx.msk [tilespmem:v8+s17+$0x0], $0xffff;
	v8 =	vor.u32 v2, v13;
	v11 =	vadd.f32 v11, v4  }
0x56: {  	s14 =	simm.s32 $0x10;
	v14 =	vadd.s32 s9, v0;
	v7 =	vld.idx.msk [tilespmem:v19+s16+$0x0], $0xffff  }
0x57: {  	s4 =	simm.s32 $0x20;
	s8 =	simm.s32 $0x12;
	v4 =	vor.u32 s14, v3;
	v13 =	vadd.f32 v15, v11;
	v15 =	vmul.f32 v17, v18;
	v11 =	vld.idx.msk [tilespmem:v19+s17+$0x0], $0xffff  }
.LBB2_4:
0x58: {  	p0 =	slt.u32 s4, $0x70;
	v14 =	vand.u32 $0x7F, v14;
	v16 =	vadd.s32 s8, v0;
	v17 =	vld.idx.msk [tilespmem:v12+s16+$0x0], $0xffff  }
0x59: {  	s8 =	sadd.s32 $0x3, s14;
	v6 =	vmul.f32 v10, v6;
	v14 =	vor.u32 v2, v14;
	v13 =	vadd.f32 v15, v13;
	v10 =	vld.idx.msk [tilespmem:v12+s17+$0x0], $0xffff  }
0x5a: {  	v12 =	vand.u32 $0x7F, v16;
	v15 =	vadd.s32 s8, v0;
	v16 =	vld.idx.msk [tilespmem:v8+s16+$0x0], $0xffff  }
0x5b: {  	s8 =	sadd.s32 $0x4, s14;
	v12 =	vor.u32 v2, v12;
	v5 =	vmul.f32 v9, v5;
	v6 =	vadd.f32 v6, v13;
	v8 =	vld.idx.msk [tilespmem:v8+s17+$0x0], $0xffff  }
0x5c: {  	v13 =	vand.u32 $0x7F, v15;
	v15 =	vadd.s32 s8, v0;
	v9 =	vld.idx.msk [tilespmem:v4+s16+$0x0], $0xffff  }
0x5d: {  	s8 =	sadd.s32 $0x5, s14;
	v13 =	vor.u32 v2, v13;
	v4 =	vld.idx.msk [tilespmem:v4+s17+$0x0], $0xffff;
	v5 =	vadd.f32 v5, v6;
	v6 =	vmul.f32 v11, v7  }
0x5e: {  	v11 =	vand.u32 $0x7F, v15;
	v15 =	vadd.s32 s8, v0;
	v7 =	vld.idx.msk [tilespmem:v14+s16+$0x0], $0xffff  }
0x5f: {  	s8 =	sadd.s32 $0x6, s14;
	v11 =	vor.u32 v2, v11;
	v14 =	vld.idx.msk [tilespmem:v14+s17+$0x0], $0xffff;
	v5 =	vadd.f32 v6, v5;
	v6 =	vmul.f32 v10, v17  }
0x60: {  	v15 =	vand.u32 $0x7F, v15;
	v17 =	vadd.s32 s8, v0;
	v10 =	vld.idx.msk [tilespmem:v12+s16+$0x0], $0xffff  }
0x61: {  	v15 =	vor.u32 v2, v15;
	s8 =	sadd.s32 $0x7, s14;
	v12 =	vld.idx.msk [tilespmem:v12+s17+$0x0], $0xffff;
	v5 =	vadd.f32 v6, v5;
	v6 =	vmul.f32 v8, v16  }
0x62: {  	v16 =	vand.u32 $0x7F, v17;
	v17 =	vadd.s32 s8, v0;
	v8 =	vld.idx.msk [tilespmem:v13+s16+$0x0], $0xffff  }
0x63: {  	s8 =	sadd.s32 $0x8, s14;
	v4 =	vmul.f32 v4, v9;
	v9 =	vld.idx.msk [tilespmem:v13+s17+$0x0], $0xffff;
	v13 =	vor.u32 v2, v16;
	v5 =	vadd.f32 v6, v5  }
0x64: {  	v16 =	vand.u32 $0x7F, v17;
	v17 =	vadd.s32 s8, v0;
	v6 =	vld.idx.msk [tilespmem:v11+s16+$0x0], $0xffff  }
0x65: {  	s8 =	sadd.s32 $0x9, s14;
	v4 =	vadd.f32 v4, v5;
	v5 =	vmul.f32 v14, v7;
	v7 =	vld.idx.msk [tilespmem:v11+s17+$0x0], $0xffff;
	v11 =	vor.u32 v2, v16  }
0x66: {  	v16 =	vand.u32 $0x7F, v17;
	v17 =	vadd.s32 s8, v0;
	v14 =	vld.idx.msk [tilespmem:v15+s16+$0x0], $0xffff  }
0x67: {  	s8 =	sadd.s32 $0xA, s14;
	v4 =	vadd.f32 v5, v4;
	v5 =	vmul.f32 v12, v10;
	v10 =	vld.idx.msk [tilespmem:v15+s17+$0x0], $0xffff;
	v12 =	vor.u32 v2, v16  }
0x68: {  	v16 =	vand.u32 $0x7F, v17;
	v17 =	vadd.s32 s8, v0;
	v15 =	vld.idx.msk [tilespmem:v13+s16+$0x0], $0xffff  }
0x69: {  	s8 =	sadd.s32 $0xB, s14;
	v4 =	vadd.f32 v5, v4;
	v5 =	vmul.f32 v9, v8;
	v8 =	vld.idx.msk [tilespmem:v13+s17+$0x0], $0xffff;
	v9 =	vor.u32 v2, v16  }
0x6a: {  	v16 =	vand.u32 $0x7F, v17;
	v17 =	vadd.s32 s8, v0;
	v13 =	vld.idx.msk [tilespmem:v11+s16+$0x0], $0xffff  }
0x6b: {  	s8 =	sadd.s32 $0xC, s14;
	v4 =	vadd.f32 v5, v4;
	v5 =	vmul.f32 v7, v6;
	v6 =	vld.idx.msk [tilespmem:v11+s17+$0x0], $0xffff;
	v7 =	vor.u32 v2, v16  }
0x6c: {  	v16 =	vand.u32 $0x7F, v17;
	v17 =	vadd.s32 s8, v0;
	v11 =	vld.idx.msk [tilespmem:v12+s16+$0x0], $0xffff  }
0x6d: {  	s8 =	sadd.s32 $0xD, s14;
	v4 =	vadd.f32 v5, v4;
	v5 =	vmul.f32 v10, v14;
	v10 =	vld.idx.msk [tilespmem:v12+s17+$0x0], $0xffff;
	v12 =	vor.u32 v2, v16  }
0x6e: {  	v16 =	vand.u32 $0x7F, v17;
	v17 =	vadd.s32 s8, v0;
	v14 =	vld.idx.msk [tilespmem:v9+s16+$0x0], $0xffff  }
0x6f: {  	s8 =	sadd.s32 $0xE, s14;
	v4 =	vadd.f32 v5, v4;
	v5 =	vmul.f32 v8, v15;
	v8 =	vld.idx.msk [tilespmem:v9+s17+$0x0], $0xffff;
	v9 =	vor.u32 v2, v16  }
0x70: {  	v16 =	vand.u32 $0x7F, v17;
	v17 =	vadd.s32 s8, v0;
	v15 =	vld.idx.msk [tilespmem:v7+s16+$0x0], $0xffff  }
0x71: {  	s8 =	sadd.s32 $0xF, s14;
	s14 =	smov.u32 s4;
	v16 =	vor.u32 v2, v16;
	v4 =	vadd.f32 v5, v4;
	v5 =	vmul.f32 v6, v13;
	v18 =	vld.idx.msk [tilespmem:v7+s17+$0x0], $0xffff  }
0x72: {  	v7 =	vand.u32 $0x7F, v17;
	v13 =	vadd.s32 s8, v0;
	v6 =	vld.idx.msk [tilespmem:v12+s16+$0x0], $0xffff  }
.Ltmp0:
0x73: {  	v11 =	vmul.f32 v10, v11;
	v4 =	vadd.f32 v5, v4;
	v10 =	vld.idx.msk [tilespmem:v12+s17+$0x0], $0xffff;
	v12 =	vor.u32 v2, v7;
	(pc) =	sbr.rel @p0 .LBB2_4-.Ltmp0, $4  }
0x74: {  	v7 =	vand.u32 $0x7F, v13;
	v5 =	vld.idx.msk [tilespmem:v9+s16+$0x0], $0xffff  }
0x75: {  	v13 =	vmul.f32 v8, v14;
	v8 =	vor.u32 v2, v7;
	v11 =	vadd.f32 v11, v4;
	v9 =	vld.idx.msk [tilespmem:v9+s17+$0x0], $0xffff  }
0x76: {  	s8 =	sadd.s32 $0x1, s4;
	v4 =	vor.u32 s4, v3;
	v7 =	vld.idx.msk [tilespmem:v16+s16+$0x0], $0xffff  }
0x77: {  	v14 =	vadd.s32 s8, v0;
	s8 =	sadd.s32 $0x2, s14;
	s4 =	sadd.s32 $0x10, s4;
	v15 =	vmul.f32 v18, v15;
	v13 =	vadd.f32 v13, v11;
	v11 =	vld.idx.msk [tilespmem:v16+s17+$0x0], $0xffff  }
0x78: {  	_ =	sdelay $0x3  }
0x79: {  	v3 =	vand.u32 $0x7F, v14;
	v60 =	vld.idx.msk [tilespmem:v12+s16+$0x0], $0xffff;
	v6 =	vmul.f32 v10, v6;
	v13 =	vadd.f32 v15, v13  }
0x7a: {  	v61 =	vadd.s32 s8, v0;
	v62 =	vld.idx.msk [tilespmem:v12+s17+$0x0], $0xffff;
	v3 =	vor.u32 v2, v3  }
0x7b: {  	s4 =	sadd.s32 $0x3, s14;
	v63 =	vld.idx.msk [tilespmem:v8+s16+$0x0], $0xffff;
	v10 =	vand.u32 $0x7F, v61;
	v5 =	vmul.f32 v9, v5;
	v6 =	vadd.f32 v6, v13  }
0x7c: {  	v17 =	vld.idx.msk [tilespmem:v8+s17+$0x0], $0xffff;
	v16 =	vadd.s32 s4, v0;
	v10 =	vor.u32 v2, v10  }
0x7d: {  	s9 =	sadd.s32 $0x4, s14;
	v18 =	vld.idx.msk [tilespmem:v4+s16+$0x0], $0xffff;
	v9 =	vand.u32 $0x7F, v16;
	v19 =	vmul.f32 v11, v7;
	v5 =	vadd.f32 v5, v6  }
0x7e: {  	v21 =	vld.idx.msk [tilespmem:v4+s17+$0x0], $0xffff;
	v20 =	vadd.s32 s9, v0;
	v9 =	vor.u32 v2, v9  }
0x7f: {  	s8 =	sadd.s32 $0x5, s14;
	v7 =	vand.u32 $0x7F, v20;
	v23 =	vmul.f32 v62, v60;
	v22 =	vld.idx.msk [tilespmem:v3+s16+$0x0], $0xffff;
	v5 =	vadd.f32 v19, v5  }
0x80: {  	v24 =	vadd.s32 s8, v0;
	v7 =	vor.u32 v2, v7;
	v3 =	vld.idx.msk [tilespmem:v3+s17+$0x0], $0xffff  }
0x81: {  	s9 =	sadd.s32 $0x6, s14;
	v12 =	vand.u32 $0x7F, v24;
	v26 =	vmul.f32 v17, v63;
	v25 =	vld.idx.msk [tilespmem:v10+s16+$0x0], $0xffff;
	v5 =	vadd.f32 v23, v5  }
0x82: {  	v27 =	vadd.s32 s9, v0;
	v12 =	vor.u32 v2, v12;
	v10 =	vld.idx.msk [tilespmem:v10+s17+$0x0], $0xffff  }
0x83: {  	s8 =	sadd.s32 $0x7, s14;
	v8 =	vand.u32 $0x7F, v27;
	v4 =	vmul.f32 v21, v18;
	v28 =	vld.idx.msk [tilespmem:v9+s16+$0x0], $0xffff;
	v5 =	vadd.f32 v26, v5  }
0x84: {  	v29 =	vadd.s32 s8, v0;
	v8 =	vor.u32 v2, v8;
	v9 =	vld.idx.msk [tilespmem:v9+s17+$0x0], $0xffff  }
0x85: {  	s9 =	sadd.s32 $0x8, s14;
	v6 =	vand.u32 $0x7F, v29;
	v30 =	vld.idx.msk [tilespmem:v7+s16+$0x0], $0xffff;
	v3 =	vmul.f32 v3, v22;
	v4 =	vadd.f32 v4, v5  }
0x86: {  	v31 =	vadd.s32 s9, v0;
	v6 =	vor.u32 v2, v6;
	v7 =	vld.idx.msk [tilespmem:v7+s17+$0x0], $0xffff  }
0x87: {  	s8 =	sadd.s32 $0x9, s14;
	v32 =	vld.idx.msk [tilespmem:v12+s16+$0x0], $0xffff;
	v33 =	vmul.f32 v10, v25;
	v5 =	vand.u32 $0x7F, v31;
	v3 =	vadd.f32 v3, v4  }
0x88: {  	v34 =	vadd.s32 s8, v0;
	v12 =	vld.idx.msk [tilespmem:v12+s17+$0x0], $0xffff;
	v5 =	vor.u32 v2, v5  }
0x89: {  	s9 =	sadd.s32 $0xA, s14;
	v35 =	vld.idx.msk [tilespmem:v8+s16+$0x0], $0xffff;
	v10 =	vand.u32 $0x7F, v34;
	v36 =	vmul.f32 v9, v28;
	v3 =	vadd.f32 v33, v3  }
0x8a: {  	v37 =	vadd.s32 s9, v0;
	v8 =	vld.idx.msk [tilespmem:v8+s17+$0x0], $0xffff;
	v10 =	vor.u32 v2, v10  }
0x8b: {  	s8 =	sadd.s32 $0xB, s14;
	v38 =	vld.idx.msk [tilespmem:v6+s16+$0x0], $0xffff;
	v9 =	vand.u32 $0x7F, v37;
	v39 =	vmul.f32 v7, v30;
	v3 =	vadd.f32 v36, v3  }
0x8c: {  	v40 =	vadd.s32 s8, v0;
	v6 =	vld.idx.msk [tilespmem:v6+s17+$0x0], $0xffff;
	v9 =	vor.u32 v2, v9  }
0x8d: {  	s9 =	sadd.s32 $0xC, s14;
	v42 =	vmul.f32 v12, v32;
	v7 =	vand.u32 $0x7F, v40;
	v41 =	vld.idx.msk [tilespmem:v5+s16+$0x0], $0xffff;
	v3 =	vadd.f32 v39, v3  }
0x8e: {  	v43 =	vadd.s32 s9, v0;
	v7 =	vor.u32 v2, v7;
	v5 =	vld.idx.msk [tilespmem:v5+s17+$0x0], $0xffff  }
0x8f: {  	s8 =	sadd.s32 $0xD, s14;
	v11 =	vand.u32 $0x7F, v43;
	v45 =	vmul.f32 v8, v35;
	v44 =	vld.idx.msk [tilespmem:v10+s16+$0x0], $0xffff;
	v3 =	vadd.f32 v42, v3  }
0x90: {  	v46 =	vadd.s32 s8, v0;
	v11 =	vor.u32 v2, v11;
	v10 =	vld.idx.msk [tilespmem:v10+s17+$0x0], $0xffff  }
0x91: {  	s9 =	sadd.s32 $0xE, s14;
	v8 =	vand.u32 $0x7F, v46;
	v48 =	vmul.f32 v6, v38;
	v47 =	vld.idx.msk [tilespmem:v9+s16+$0x0], $0xffff;
	v3 =	vadd.f32 v45, v3  }
0x92: {  	v49 =	vadd.s32 s9, v0;
	v8 =	vor.u32 v2, v8;
	v9 =	vld.idx.msk [tilespmem:v9+s17+$0x0], $0xffff  }
0x93: {  	s14 =	sadd.s32 $0xF, s14;
	v6 =	vand.u32 $0x7F, v49;
	v50 =	vld.idx.msk [tilespmem:v7+s16+$0x0], $0xffff;
	v51 =	vmul.f32 v5, v41;
	v3 =	vadd.f32 v48, v3  }
0x94: {  	v52 =	vadd.s32 s14, v0;
	v6 =	vor.u32 v2, v6;
	v7 =	vld.idx.msk [tilespmem:v7+s17+$0x0], $0xffff  }
0x95: {  	v53 =	vld.idx.msk [tilespmem:v11+s16+$0x0], $0xffff;
	v54 =	vmul.f32 v10, v44;
	v5 =	vand.u32 $0x7F, v52;
	v3 =	vadd.f32 v51, v3  }
0x96: {  	v55 =	vld.idx.msk [tilespmem:v11+s17+$0x0], $0xffff;
	v2 =	vor.u32 v2, v5  }
0x97: {  	v56 =	vld.idx.msk [tilespmem:v8+s16+$0x0], $0xffff;
	v57 =	vmul.f32 v9, v47;
	v3 =	vadd.f32 v54, v3  }
0x98: {  	v8 =	vld.idx.msk [tilespmem:v8+s17+$0x0], $0xffff  }
0x99: {  	v58 =	vld.idx.msk [tilespmem:v6+s16+$0x0], $0xffff;
	v59 =	vmul.f32 v7, v50;
	v3 =	vadd.f32 v57, v3  }
0x9a: {  	v6 =	vld.idx.msk [tilespmem:v6+s17+$0x0], $0xffff  }
0x9b: {  	v61 =	vmul.f32 v55, v53;
	v60 =	vld.idx.msk [tilespmem:v2+s16+$0x0], $0xffff;
	v3 =	vadd.f32 v59, v3  }
0x9c: {  	v2 =	vld.idx.msk [tilespmem:v2+s17+$0x0], $0xffff  }
0x9d: {  	v62 =	vmul.f32 v8, v56;
	v3 =	vadd.f32 v61, v3;
	_ =	sdelay $0x1  }
0x9e: {  	v63 =	vmul.f32 v6, v58;
	v3 =	vadd.f32 v62, v3;
	_ =	sdelay $0x1  }
0x9f: {  	v2 =	vmul.f32 v2, v60;
	v3 =	vadd.f32 v63, v3;
	_ =	sdelay $0x1  }
0xa0: {  	v2 =	vadd.f32 v2, v3;
	_ =	sdelay $0x1  }
0xa1: {  	v2 =	vsub.f32 $0.0e+00, v2;
	_ =	sdelay $0x1  }
0xa2: {  	v2 =	vmul.f32 $1.442695020e+00, v2;
	_ =	sdelay $0x1  }
0xa3: {  	(erf) = vpow2.f32 v2;
	_ =	sdelay $0x8  }
0xa4: {  	v2 =	vpop (erf)  }
0xa5: {  	v2 =	vadd.f32 $1.000000000e+00, v2;
	_ =	sdelay $0x1  }
0xa6: {  	(erf) = vrcp.f32 v2;
	_ =	sdelay $0x3  }
0xa7: {  	s12 =	sadd.s32 $0x1, s12  }
0xa8: {  	p0 =	sne.s32 s12, $0x5  }
.Ltmp1:
0xa9: {  	_ = 	snop;
	(pc) =	sbr.rel @p0 .LBB2_3-.Ltmp1, $3  }
0xaa: {  	_ =	sdelay $0x1  }
0xab: {  	v2 =	vpop (erf)  }
0xac: {  	[tilespmem:s6+$0x18F00] =	vst v2  }
0xad: {  	s11 =	smul.u32 $0x140, s7;
	_ =	sdelay $0x1  }
0xae: {  	s4 =	sadd.s32 s10, s11  }
0xaf: {  	s4 =	sshrl.u32 s4, $0x3  }
0xb0: {  	s12 =	simm.s32 $0x0;
	s4 =	sadd.s32 s3, s4  }
0xb1: {  	[hbm4b:s4+s12] =	stream.linear.scatter [tilespmem:s2], [sflag:$0x9], $0x50, $0x38;
	[tilespmem:$0x18F80] =	vst v63  }
0xb2: {  	_ =	swait.ge [sflag:s13], $0x50  }
0xb3: {  	[sflag:s13] =	ssyncset.done $0x0  }
0xb4: {  	s9 =	sadd.s32 $0x140, s11;
	[sflag:s13] =	ssyncadd.s32 $0xFFFFFFB0  }
0xb5: {  	[tilespmem:s16], [sflag:$0x1] =	stream.indirect.gather [hbm4b:s1+s15], $0x80, s9, s15, $0xb8;
	[tilespmem:$0x18F80] =	vst v63  }
0xb6: {  	s14 =	sadd.s32 $0x28C0, s11  }
0xb7: {  	[tilespmem:s17], [sflag:$0x5] =	stream.indirect.gather [hbm4b:s1+s15], $0x80, s14, s15, $0xb8;
	[tilespmem:$0x18F80] =	vst v63  }
0xb8: {  	_ =	swait.ge [sflag:s0], $0x2800  }
0xb9: {  	[sflag:s0] =	ssyncset.done $0x0  }
0xba: {  	[sflag:s0] =	ssyncadd.s32 $0xFFFFD800  }
0xbb: {  	_ =	swait.ge [sflag:s19], $0x2800  }
0xbc: {  	[sflag:s19] =	ssyncset.done $0x0  }
0xbd: {  	s6 =	simm.s32 $0x0;
	[sflag:s19] =	ssyncadd.s32 $0xFFFFD800  }
.LBB2_7:
0xbe: {  	s14 =	sshll.u32 s6, $0x4  }
0xbf: {  	v2 =	vmov s14  }
0xc0: {  	v2 =	vshll.u32 v2, $0x7  }
0xc1: {  	v2 =	vor.u32 v1, v2  }
0xc2: {  	s4 =	simm.s32 $0x1;
	v3 =	vor.u32 v0, v2  }
0xc3: {  	v5 =	vadd.s32 s4, v0;
	v4 =	vor.u32 s12, v3  }
0xc4: {  	s8 =	simm.s32 $0x2;
	v5 =	vand.u32 $0x7F, v5  }
0xc5: {  	v6 =	vadd.s32 s8, v0;
	v5 =	vor.u32 v2, v5  }
0xc6: {  	s9 =	simm.s32 $0x3;
	v6 =	vand.u32 $0x7F, v6  }
0xc7: {  	v7 =	vadd.s32 s9, v0;
	v6 =	vor.u32 v2, v6  }
0xc8: {  	s8 =	simm.s32 $0x4;
	v7 =	vand.u32 $0x7F, v7;
	v8 =	vld.idx.msk [tilespmem:v4+s18+$0x0], $0xffff  }
0xc9: {  	v9 =	vadd.s32 s8, v0;
	v7 =	vor.u32 v2, v7;
	v4 =	vld.idx.msk [tilespmem:v4+s20+$0x0], $0xffff  }
0xca: {  	s9 =	simm.s32 $0x5;
	v9 =	vand.u32 $0x7F, v9;
	v10 =	vld.idx.msk [tilespmem:v5+s18+$0x0], $0xffff  }
0xcb: {  	v11 =	vadd.s32 s9, v0;
	v9 =	vor.u32 v2, v9;
	v5 =	vld.idx.msk [tilespmem:v5+s20+$0x0], $0xffff  }
0xcc: {  	s8 =	simm.s32 $0x6;
	v11 =	vand.u32 $0x7F, v11;
	v12 =	vld.idx.msk [tilespmem:v6+s18+$0x0], $0xffff  }
0xcd: {  	v13 =	vadd.s32 s8, v0;
	v11 =	vor.u32 v2, v11;
	v6 =	vld.idx.msk [tilespmem:v6+s20+$0x0], $0xffff  }
0xce: {  	s9 =	simm.s32 $0x7;
	v13 =	vand.u32 $0x7F, v13;
	v14 =	vld.idx.msk [tilespmem:v7+s18+$0x0], $0xffff;
	v4 =	vmul.f32 v4, v8  }
0xcf: {  	v15 =	vadd.s32 s9, v0;
	v7 =	vld.idx.msk [tilespmem:v7+s20+$0x0], $0xffff;
	v8 =	vor.u32 v2, v13;
	v13 =	vimm.f32 $0.0e+00  }
0xd0: {  	s8 =	simm.s32 $0x8;
	v15 =	vand.u32 $0x7F, v15;
	v16 =	vld.idx.msk [tilespmem:v9+s18+$0x0], $0xffff;
	v5 =	vmul.f32 v5, v10;
	v4 =	vadd.f32 v4, v13  }
0xd1: {  	v17 =	vadd.s32 s8, v0;
	v9 =	vld.idx.msk [tilespmem:v9+s20+$0x0], $0xffff;
	v10 =	vor.u32 v2, v15  }
0xd2: {  	s9 =	simm.s32 $0x9;
	v15 =	vand.u32 $0x7F, v17;
	v13 =	vld.idx.msk [tilespmem:v11+s18+$0x0], $0xffff;
	v4 =	vadd.f32 v5, v4;
	v5 =	vmul.f32 v6, v12  }
0xd3: {  	v17 =	vadd.s32 s9, v0;
	v6 =	vld.idx.msk [tilespmem:v11+s20+$0x0], $0xffff;
	v11 =	vor.u32 v2, v15  }
0xd4: {  	s8 =	simm.s32 $0xA;
	v15 =	vand.u32 $0x7F, v17;
	v12 =	vld.idx.msk [tilespmem:v8+s18+$0x0], $0xffff;
	v4 =	vadd.f32 v5, v4;
	v5 =	vmul.f32 v7, v14  }
0xd5: {  	v17 =	vadd.s32 s8, v0;
	v7 =	vld.idx.msk [tilespmem:v8+s20+$0x0], $0xffff;
	v8 =	vor.u32 v2, v15  }
0xd6: {  	s9 =	simm.s32 $0xB;
	v14 =	vld.idx.msk [tilespmem:v10+s18+$0x0], $0xffff;
	v15 =	vand.u32 $0x7F, v17;
	v4 =	vadd.f32 v5, v4;
	v5 =	vmul.f32 v9, v16  }
0xd7: {  	v17 =	vadd.s32 s9, v0;
	v9 =	vld.idx.msk [tilespmem:v10+s20+$0x0], $0xffff;
	v10 =	vor.u32 v2, v15  }
0xd8: {  	s8 =	simm.s32 $0xC;
	v16 =	vand.u32 $0x7F, v17;
	v15 =	vld.idx.msk [tilespmem:v11+s18+$0x0], $0xffff;
	v4 =	vadd.f32 v5, v4;
	v5 =	vmul.f32 v6, v13  }
0xd9: {  	s9 =	simm.s32 $0xD;
	v17 =	vadd.s32 s8, v0;
	v11 =	vld.idx.msk [tilespmem:v11+s20+$0x0], $0xffff;
	v13 =	vor.u32 v2, v16  }
0xda: {  	v6 =	vand.u32 $0x7F, v17;
	v17 =	vadd.s32 s9, v0;
	v16 =	vld.idx.msk [tilespmem:v8+s18+$0x0], $0xffff;
	v4 =	vadd.f32 v5, v4  }
0xdb: {  	v5 =	vmul.f32 v7, v12;
	v7 =	vld.idx.msk [tilespmem:v8+s20+$0x0], $0xffff;
	v8 =	vor.u32 v2, v6;
	v6 =	vand.u32 $0x7F, v17  }
0xdc: {  	s8 =	simm.s32 $0xE;
	v18 =	vld.idx.msk [tilespmem:v10+s18+$0x0], $0xffff;
	v19 =	vor.u32 v2, v6  }
0xdd: {  	v17 =	vld.idx.msk [tilespmem:v10+s20+$0x0], $0xffff;
	v4 =	vadd.f32 v5, v4;
	v5 =	vmul.f32 v9, v14;
	v9 =	vadd.s32 s8, v0  }
0xde: {  	s9 =	simm.s32 $0xF;
	v11 =	vmul.f32 v11, v15;
	v6 =	vld.idx.msk [tilespmem:v13+s18+$0x0], $0xffff;
	v12 =	vand.u32 $0x7F, v9  }
0xdf: {  	v10 =	vld.idx.msk [tilespmem:v13+s20+$0x0], $0xffff;
	v9 =	vadd.s32 s9, v0;
	v4 =	vadd.f32 v5, v4;
	v12 =	vor.u32 v2, v12  }
0xe0: {  	v13 =	vand.u32 $0x7F, v9;
	v5 =	vld.idx.msk [tilespmem:v8+s18+$0x0], $0xffff  }
0xe1: {  	s8 =	simm.s32 $0x11;
	v15 =	vmul.f32 v7, v16;
	v9 =	vld.idx.msk [tilespmem:v8+s20+$0x0], $0xffff;
	v8 =	vor.u32 v2, v13;
	v11 =	vadd.f32 v11, v4  }
0xe2: {  	s4 =	simm.s32 $0x10;
	v14 =	vadd.s32 s8, v0;
	v7 =	vld.idx.msk [tilespmem:v19+s18+$0x0], $0xffff  }
0xe3: {  	s9 =	simm.s32 $0x12;
	s8 =	simm.s32 $0x20;
	v4 =	vor.u32 s4, v3;
	v13 =	vadd.f32 v15, v11;
	v15 =	vmul.f32 v17, v18;
	v11 =	vld.idx.msk [tilespmem:v19+s20+$0x0], $0xffff  }
.LBB2_8:
0xe4: {  	p0 =	slt.u32 s8, $0x70;
	v14 =	vand.u32 $0x7F, v14;
	v16 =	vadd.s32 s9, v0;
	v17 =	vld.idx.msk [tilespmem:v12+s18+$0x0], $0xffff  }
0xe5: {  	s9 =	sadd.s32 $0x3, s4;
	v6 =	vmul.f32 v10, v6;
	v14 =	vor.u32 v2, v14;
	v13 =	vadd.f32 v15, v13;
	v10 =	vld.idx.msk [tilespmem:v12+s20+$0x0], $0xffff  }
0xe6: {  	v12 =	vand.u32 $0x7F, v16;
	v15 =	vadd.s32 s9, v0;
	v16 =	vld.idx.msk [tilespmem:v8+s18+$0x0], $0xffff  }
0xe7: {  	s9 =	sadd.s32 $0x4, s4;
	v12 =	vor.u32 v2, v12;
	v5 =	vmul.f32 v9, v5;
	v6 =	vadd.f32 v6, v13;
	v8 =	vld.idx.msk [tilespmem:v8+s20+$0x0], $0xffff  }
0xe8: {  	v13 =	vand.u32 $0x7F, v15;
	v15 =	vadd.s32 s9, v0;
	v9 =	vld.idx.msk [tilespmem:v4+s18+$0x0], $0xffff  }
0xe9: {  	s9 =	sadd.s32 $0x5, s4;
	v13 =	vor.u32 v2, v13;
	v4 =	vld.idx.msk [tilespmem:v4+s20+$0x0], $0xffff;
	v5 =	vadd.f32 v5, v6;
	v6 =	vmul.f32 v11, v7  }
0xea: {  	v11 =	vand.u32 $0x7F, v15;
	v15 =	vadd.s32 s9, v0;
	v7 =	vld.idx.msk [tilespmem:v14+s18+$0x0], $0xffff  }
0xeb: {  	s9 =	sadd.s32 $0x6, s4;
	v11 =	vor.u32 v2, v11;
	v14 =	vld.idx.msk [tilespmem:v14+s20+$0x0], $0xffff;
	v5 =	vadd.f32 v6, v5;
	v6 =	vmul.f32 v10, v17  }
0xec: {  	v15 =	vand.u32 $0x7F, v15;
	v17 =	vadd.s32 s9, v0;
	v10 =	vld.idx.msk [tilespmem:v12+s18+$0x0], $0xffff  }
0xed: {  	v15 =	vor.u32 v2, v15;
	s9 =	sadd.s32 $0x7, s4;
	v12 =	vld.idx.msk [tilespmem:v12+s20+$0x0], $0xffff;
	v5 =	vadd.f32 v6, v5;
	v6 =	vmul.f32 v8, v16  }
0xee: {  	v16 =	vand.u32 $0x7F, v17;
	v17 =	vadd.s32 s9, v0;
	v8 =	vld.idx.msk [tilespmem:v13+s18+$0x0], $0xffff  }
0xef: {  	s9 =	sadd.s32 $0x8, s4;
	v4 =	vmul.f32 v4, v9;
	v9 =	vld.idx.msk [tilespmem:v13+s20+$0x0], $0xffff;
	v13 =	vor.u32 v2, v16;
	v5 =	vadd.f32 v6, v5  }
0xf0: {  	v16 =	vand.u32 $0x7F, v17;
	v17 =	vadd.s32 s9, v0;
	v6 =	vld.idx.msk [tilespmem:v11+s18+$0x0], $0xffff  }
0xf1: {  	s9 =	sadd.s32 $0x9, s4;
	v4 =	vadd.f32 v4, v5;
	v5 =	vmul.f32 v14, v7;
	v7 =	vld.idx.msk [tilespmem:v11+s20+$0x0], $0xffff;
	v11 =	vor.u32 v2, v16  }
0xf2: {  	v16 =	vand.u32 $0x7F, v17;
	v17 =	vadd.s32 s9, v0;
	v14 =	vld.idx.msk [tilespmem:v15+s18+$0x0], $0xffff  }
0xf3: {  	s9 =	sadd.s32 $0xA, s4;
	v4 =	vadd.f32 v5, v4;
	v5 =	vmul.f32 v12, v10;
	v10 =	vld.idx.msk [tilespmem:v15+s20+$0x0], $0xffff;
	v12 =	vor.u32 v2, v16  }
0xf4: {  	v16 =	vand.u32 $0x7F, v17;
	v17 =	vadd.s32 s9, v0;
	v15 =	vld.idx.msk [tilespmem:v13+s18+$0x0], $0xffff  }
0xf5: {  	s9 =	sadd.s32 $0xB, s4;
	v4 =	vadd.f32 v5, v4;
	v5 =	vmul.f32 v9, v8;
	v8 =	vld.idx.msk [tilespmem:v13+s20+$0x0], $0xffff;
	v9 =	vor.u32 v2, v16  }
0xf6: {  	v16 =	vand.u32 $0x7F, v17;
	v17 =	vadd.s32 s9, v0;
	v13 =	vld.idx.msk [tilespmem:v11+s18+$0x0], $0xffff  }
0xf7: {  	s9 =	sadd.s32 $0xC, s4;
	v4 =	vadd.f32 v5, v4;
	v5 =	vmul.f32 v7, v6;
	v6 =	vld.idx.msk [tilespmem:v11+s20+$0x0], $0xffff;
	v7 =	vor.u32 v2, v16  }
0xf8: {  	v16 =	vand.u32 $0x7F, v17;
	v17 =	vadd.s32 s9, v0;
	v11 =	vld.idx.msk [tilespmem:v12+s18+$0x0], $0xffff  }
0xf9: {  	s9 =	sadd.s32 $0xD, s4;
	v4 =	vadd.f32 v5, v4;
	v5 =	vmul.f32 v10, v14;
	v10 =	vld.idx.msk [tilespmem:v12+s20+$0x0], $0xffff;
	v12 =	vor.u32 v2, v16  }
0xfa: {  	v16 =	vand.u32 $0x7F, v17;
	v17 =	vadd.s32 s9, v0;
	v14 =	vld.idx.msk [tilespmem:v9+s18+$0x0], $0xffff  }
0xfb: {  	s9 =	sadd.s32 $0xE, s4;
	v4 =	vadd.f32 v5, v4;
	v5 =	vmul.f32 v8, v15;
	v8 =	vld.idx.msk [tilespmem:v9+s20+$0x0], $0xffff;
	v9 =	vor.u32 v2, v16  }
0xfc: {  	v16 =	vand.u32 $0x7F, v17;
	v17 =	vadd.s32 s9, v0;
	v15 =	vld.idx.msk [tilespmem:v7+s18+$0x0], $0xffff  }
0xfd: {  	s9 =	sadd.s32 $0xF, s4;
	s4 =	smov.u32 s8;
	v16 =	vor.u32 v2, v16;
	v4 =	vadd.f32 v5, v4;
	v5 =	vmul.f32 v6, v13;
	v18 =	vld.idx.msk [tilespmem:v7+s20+$0x0], $0xffff  }
0xfe: {  	v7 =	vand.u32 $0x7F, v17;
	v13 =	vadd.s32 s9, v0;
	v6 =	vld.idx.msk [tilespmem:v12+s18+$0x0], $0xffff  }
.Ltmp2:
0xff: {  	v11 =	vmul.f32 v10, v11;
	v4 =	vadd.f32 v5, v4;
	v10 =	vld.idx.msk [tilespmem:v12+s20+$0x0], $0xffff;
	v12 =	vor.u32 v2, v7;
	(pc) =	sbr.rel @p0 .LBB2_8-.Ltmp2, $4  }
0x100: {  	v7 =	vand.u32 $0x7F, v13;
	v5 =	vld.idx.msk [tilespmem:v9+s18+$0x0], $0xffff  }
0x101: {  	v13 =	vmul.f32 v8, v14;
	v8 =	vor.u32 v2, v7;
	v11 =	vadd.f32 v11, v4;
	v9 =	vld.idx.msk [tilespmem:v9+s20+$0x0], $0xffff  }
0x102: {  	s9 =	sadd.s32 $0x1, s8;
	v4 =	vor.u32 s8, v3;
	v7 =	vld.idx.msk [tilespmem:v16+s18+$0x0], $0xffff  }
0x103: {  	v14 =	vadd.s32 s9, v0;
	s9 =	sadd.s32 $0x2, s4;
	s8 =	sadd.s32 $0x10, s8;
	v15 =	vmul.f32 v18, v15;
	v13 =	vadd.f32 v13, v11;
	v11 =	vld.idx.msk [tilespmem:v16+s20+$0x0], $0xffff  }
0x104: {  	_ =	sdelay $0x3  }
0x105: {  	v3 =	vand.u32 $0x7F, v14;
	v60 =	vld.idx.msk [tilespmem:v12+s18+$0x0], $0xffff;
	v6 =	vmul.f32 v10, v6;
	v13 =	vadd.f32 v15, v13  }
0x106: {  	v61 =	vadd.s32 s9, v0;
	v62 =	vld.idx.msk [tilespmem:v12+s20+$0x0], $0xffff;
	v3 =	vor.u32 v2, v3  }
0x107: {  	s8 =	sadd.s32 $0x3, s4;
	v63 =	vld.idx.msk [tilespmem:v8+s18+$0x0], $0xffff;
	v10 =	vand.u32 $0x7F, v61;
	v5 =	vmul.f32 v9, v5;
	v6 =	vadd.f32 v6, v13  }
0x108: {  	v17 =	vld.idx.msk [tilespmem:v8+s20+$0x0], $0xffff;
	v16 =	vadd.s32 s8, v0;
	v10 =	vor.u32 v2, v10  }
0x109: {  	s9 =	sadd.s32 $0x4, s4;
	v18 =	vld.idx.msk [tilespmem:v4+s18+$0x0], $0xffff;
	v9 =	vand.u32 $0x7F, v16;
	v19 =	vmul.f32 v11, v7;
	v5 =	vadd.f32 v5, v6  }
0x10a: {  	v21 =	vld.idx.msk [tilespmem:v4+s20+$0x0], $0xffff;
	v20 =	vadd.s32 s9, v0;
	v9 =	vor.u32 v2, v9  }
0x10b: {  	s9 =	sadd.s32 $0x5, s4;
	v7 =	vand.u32 $0x7F, v20;
	v23 =	vmul.f32 v62, v60;
	v22 =	vld.idx.msk [tilespmem:v3+s18+$0x0], $0xffff;
	v5 =	vadd.f32 v19, v5  }
0x10c: {  	v24 =	vadd.s32 s9, v0;
	v7 =	vor.u32 v2, v7;
	v3 =	vld.idx.msk [tilespmem:v3+s20+$0x0], $0xffff  }
0x10d: {  	s9 =	sadd.s32 $0x6, s4;
	v12 =	vand.u32 $0x7F, v24;
	v26 =	vmul.f32 v17, v63;
	v25 =	vld.idx.msk [tilespmem:v10+s18+$0x0], $0xffff;
	v5 =	vadd.f32 v23, v5  }
0x10e: {  	v27 =	vadd.s32 s9, v0;
	v12 =	vor.u32 v2, v12;
	v10 =	vld.idx.msk [tilespmem:v10+s20+$0x0], $0xffff  }
0x10f: {  	s9 =	sadd.s32 $0x7, s4;
	v8 =	vand.u32 $0x7F, v27;
	v4 =	vmul.f32 v21, v18;
	v28 =	vld.idx.msk [tilespmem:v9+s18+$0x0], $0xffff;
	v5 =	vadd.f32 v26, v5  }
0x110: {  	v29 =	vadd.s32 s9, v0;
	v8 =	vor.u32 v2, v8;
	v9 =	vld.idx.msk [tilespmem:v9+s20+$0x0], $0xffff  }
0x111: {  	s9 =	sadd.s32 $0x8, s4;
	v6 =	vand.u32 $0x7F, v29;
	v30 =	vld.idx.msk [tilespmem:v7+s18+$0x0], $0xffff;
	v3 =	vmul.f32 v3, v22;
	v4 =	vadd.f32 v4, v5  }
0x112: {  	v31 =	vadd.s32 s9, v0;
	v6 =	vor.u32 v2, v6;
	v7 =	vld.idx.msk [tilespmem:v7+s20+$0x0], $0xffff  }
0x113: {  	s9 =	sadd.s32 $0x9, s4;
	v32 =	vld.idx.msk [tilespmem:v12+s18+$0x0], $0xffff;
	v33 =	vmul.f32 v10, v25;
	v5 =	vand.u32 $0x7F, v31;
	v3 =	vadd.f32 v3, v4  }
0x114: {  	v34 =	vadd.s32 s9, v0;
	v12 =	vld.idx.msk [tilespmem:v12+s20+$0x0], $0xffff;
	v5 =	vor.u32 v2, v5  }
0x115: {  	s9 =	sadd.s32 $0xA, s4;
	v35 =	vld.idx.msk [tilespmem:v8+s18+$0x0], $0xffff;
	v10 =	vand.u32 $0x7F, v34;
	v36 =	vmul.f32 v9, v28;
	v3 =	vadd.f32 v33, v3  }
0x116: {  	v37 =	vadd.s32 s9, v0;
	v8 =	vld.idx.msk [tilespmem:v8+s20+$0x0], $0xffff;
	v10 =	vor.u32 v2, v10  }
0x117: {  	s9 =	sadd.s32 $0xB, s4;
	v38 =	vld.idx.msk [tilespmem:v6+s18+$0x0], $0xffff;
	v9 =	vand.u32 $0x7F, v37;
	v39 =	vmul.f32 v7, v30;
	v3 =	vadd.f32 v36, v3  }
0x118: {  	v40 =	vadd.s32 s9, v0;
	v6 =	vld.idx.msk [tilespmem:v6+s20+$0x0], $0xffff;
	v9 =	vor.u32 v2, v9  }
0x119: {  	s9 =	sadd.s32 $0xC, s4;
	v42 =	vmul.f32 v12, v32;
	v7 =	vand.u32 $0x7F, v40;
	v41 =	vld.idx.msk [tilespmem:v5+s18+$0x0], $0xffff;
	v3 =	vadd.f32 v39, v3  }
0x11a: {  	v43 =	vadd.s32 s9, v0;
	v7 =	vor.u32 v2, v7;
	v5 =	vld.idx.msk [tilespmem:v5+s20+$0x0], $0xffff  }
0x11b: {  	s9 =	sadd.s32 $0xD, s4;
	v11 =	vand.u32 $0x7F, v43;
	v45 =	vmul.f32 v8, v35;
	v44 =	vld.idx.msk [tilespmem:v10+s18+$0x0], $0xffff;
	v3 =	vadd.f32 v42, v3  }
0x11c: {  	v46 =	vadd.s32 s9, v0;
	v11 =	vor.u32 v2, v11;
	v10 =	vld.idx.msk [tilespmem:v10+s20+$0x0], $0xffff  }
0x11d: {  	s9 =	sadd.s32 $0xE, s4;
	v8 =	vand.u32 $0x7F, v46;
	v48 =	vmul.f32 v6, v38;
	v47 =	vld.idx.msk [tilespmem:v9+s18+$0x0], $0xffff;
	v3 =	vadd.f32 v45, v3  }
0x11e: {  	v49 =	vadd.s32 s9, v0;
	v8 =	vor.u32 v2, v8;
	v9 =	vld.idx.msk [tilespmem:v9+s20+$0x0], $0xffff  }
0x11f: {  	s9 =	sadd.s32 $0xF, s4;
	v6 =	vand.u32 $0x7F, v49;
	v50 =	vld.idx.msk [tilespmem:v7+s18+$0x0], $0xffff;
	v51 =	vmul.f32 v5, v41;
	v3 =	vadd.f32 v48, v3  }
0x120: {  	v52 =	vadd.s32 s9, v0;
	v6 =	vor.u32 v2, v6;
	v7 =	vld.idx.msk [tilespmem:v7+s20+$0x0], $0xffff  }
0x121: {  	v53 =	vld.idx.msk [tilespmem:v11+s18+$0x0], $0xffff;
	v54 =	vmul.f32 v10, v44;
	v5 =	vand.u32 $0x7F, v52;
	v3 =	vadd.f32 v51, v3  }
0x122: {  	v55 =	vld.idx.msk [tilespmem:v11+s20+$0x0], $0xffff;
	v2 =	vor.u32 v2, v5  }
0x123: {  	v56 =	vld.idx.msk [tilespmem:v8+s18+$0x0], $0xffff;
	v57 =	vmul.f32 v9, v47;
	v3 =	vadd.f32 v54, v3  }
0x124: {  	v8 =	vld.idx.msk [tilespmem:v8+s20+$0x0], $0xffff  }
0x125: {  	v58 =	vld.idx.msk [tilespmem:v6+s18+$0x0], $0xffff;
	v59 =	vmul.f32 v7, v50;
	v3 =	vadd.f32 v57, v3  }
0x126: {  	v6 =	vld.idx.msk [tilespmem:v6+s20+$0x0], $0xffff  }
0x127: {  	v61 =	vmul.f32 v55, v53;
	v60 =	vld.idx.msk [tilespmem:v2+s18+$0x0], $0xffff;
	v3 =	vadd.f32 v59, v3  }
0x128: {  	v2 =	vld.idx.msk [tilespmem:v2+s20+$0x0], $0xffff  }
0x129: {  	v62 =	vmul.f32 v8, v56;
	v3 =	vadd.f32 v61, v3;
	_ =	sdelay $0x1  }
0x12a: {  	v63 =	vmul.f32 v6, v58;
	v3 =	vadd.f32 v62, v3;
	_ =	sdelay $0x1  }
0x12b: {  	v2 =	vmul.f32 v2, v60;
	v3 =	vadd.f32 v63, v3;
	_ =	sdelay $0x1  }
0x12c: {  	v2 =	vadd.f32 v2, v3;
	_ =	sdelay $0x1  }
0x12d: {  	v2 =	vsub.f32 $0.0e+00, v2;
	_ =	sdelay $0x1  }
0x12e: {  	v2 =	vmul.f32 $1.442695020e+00, v2;
	_ =	sdelay $0x1  }
0x12f: {  	(erf) = vpow2.f32 v2;
	_ =	sdelay $0x8  }
0x130: {  	v2 =	vpop (erf)  }
0x131: {  	v2 =	vadd.f32 $1.000000000e+00, v2;
	_ =	sdelay $0x1  }
0x132: {  	(erf) = vrcp.f32 v2;
	_ =	sdelay $0x3  }
0x133: {  	s6 =	sadd.s32 $0x1, s6  }
0x134: {  	p0 =	sne.s32 s6, $0x5  }
.Ltmp3:
0x135: {  	_ = 	snop;
	(pc) =	sbr.rel @p0 .LBB2_7-.Ltmp3, $3  }
0x136: {  	_ =	sdelay $0x1  }
0x137: {  	v2 =	vpop (erf)  }
0x138: {  	[tilespmem:s14+$0x18F00] =	vst v2  }
0x139: {  	s4 =	rddreg [dreg:$0x6]  }
0x13a: {  	s4 =	sadd.s32 s11, s4  }
0x13b: {  	s4 =	sshrl.u32 s4, $0x3  }
0x13c: {  	s4 =	sadd.s32 s3, s4  }
0x13d: {  	[hbm4b:s4+s5] =	stream.linear.scatter [tilespmem:s2], [sflag:$0x9], $0x50, $0x38;
	[tilespmem:$0x18F80] =	vst v63  }
0x13e: {  	p0 =	seq.s32 s7, $0x1E;
	_ =	swait.ge [sflag:s13], $0x50  }
0x13f: {  	s6 =	simm.s32 @!p0 $0x50;
	[sflag:s13] =	ssyncset.done $0x0  }
0x140: {  	s8 =	simm.s32 @!p0 $0x7700;
	s4 =	sadd.s32 @!p0 $0x190, s11;
	[sflag:s13] =	ssyncadd.s32 $0xFFFFFFB0  }
0x141: {  	[tilespmem:s8], [sflag:$0x2] =	stream.indirect.gather @!p0 [hbm4b:s1+s6], $0x80, s4, s6, $0xb8;
	[tilespmem:$0x18F80] =	vst v63  }
0x142: {  	s4 =	sadd.s32 @!p0 $0x2910, s11;
	s8 =	simm.s32 @!p0 $0x11700  }
0x143: {  	[tilespmem:s8], [sflag:$0x6] =	stream.indirect.gather @!p0 [hbm4b:s1+s6], $0x80, s4, s6, $0xb8;
	[tilespmem:$0x18F80] =	vst v63  }
0x144: {  	_ =	swait.ge [sflag:s21], $0x2800  }
0x145: {  	[sflag:s21] =	ssyncset.done $0x0  }
0x146: {  	[sflag:s21] =	ssyncadd.s32 $0xFFFFD800  }
0x147: {  	_ =	swait.ge [sflag:s23], $0x2800  }
0x148: {  	[sflag:s23] =	ssyncset.done $0x0  }
0x149: {  	s12 =	simm.s32 $0x0;
	s6 =	simm.s32 $0x0;
	[sflag:s23] =	ssyncadd.s32 $0xFFFFD800  }
.LBB2_11:
0x14a: {  	s14 =	sshll.u32 s6, $0x4  }
0x14b: {  	v2 =	vmov s14  }
0x14c: {  	v2 =	vshll.u32 v2, $0x7  }
0x14d: {  	v2 =	vor.u32 v1, v2  }
0x14e: {  	s4 =	simm.s32 $0x1;
	v3 =	vor.u32 v0, v2  }
0x14f: {  	v5 =	vadd.s32 s4, v0;
	v4 =	vor.u32 s12, v3  }
0x150: {  	s8 =	simm.s32 $0x2;
	v5 =	vand.u32 $0x7F, v5  }
0x151: {  	v6 =	vadd.s32 s8, v0;
	v5 =	vor.u32 v2, v5  }
0x152: {  	s9 =	simm.s32 $0x3;
	v6 =	vand.u32 $0x7F, v6  }
0x153: {  	v7 =	vadd.s32 s9, v0;
	v6 =	vor.u32 v2, v6  }
0x154: {  	s8 =	simm.s32 $0x4;
	v7 =	vand.u32 $0x7F, v7;
	v8 =	vld.idx.msk [tilespmem:v4+s22+$0x0], $0xffff  }
0x155: {  	v9 =	vadd.s32 s8, v0;
	v7 =	vor.u32 v2, v7;
	v4 =	vld.idx.msk [tilespmem:v4+s24+$0x0], $0xffff  }
0x156: {  	s9 =	simm.s32 $0x5;
	v9 =	vand.u32 $0x7F, v9;
	v10 =	vld.idx.msk [tilespmem:v5+s22+$0x0], $0xffff  }
0x157: {  	v11 =	vadd.s32 s9, v0;
	v9 =	vor.u32 v2, v9;
	v5 =	vld.idx.msk [tilespmem:v5+s24+$0x0], $0xffff  }
0x158: {  	s8 =	simm.s32 $0x6;
	v11 =	vand.u32 $0x7F, v11;
	v12 =	vld.idx.msk [tilespmem:v6+s22+$0x0], $0xffff  }
0x159: {  	v13 =	vadd.s32 s8, v0;
	v11 =	vor.u32 v2, v11;
	v6 =	vld.idx.msk [tilespmem:v6+s24+$0x0], $0xffff  }
0x15a: {  	s9 =	simm.s32 $0x7;
	v13 =	vand.u32 $0x7F, v13;
	v14 =	vld.idx.msk [tilespmem:v7+s22+$0x0], $0xffff;
	v4 =	vmul.f32 v4, v8  }
0x15b: {  	v15 =	vadd.s32 s9, v0;
	v7 =	vld.idx.msk [tilespmem:v7+s24+$0x0], $0xffff;
	v8 =	vor.u32 v2, v13;
	v13 =	vimm.f32 $0.0e+00  }
0x15c: {  	s8 =	simm.s32 $0x8;
	v15 =	vand.u32 $0x7F, v15;
	v16 =	vld.idx.msk [tilespmem:v9+s22+$0x0], $0xffff;
	v5 =	vmul.f32 v5, v10;
	v4 =	vadd.f32 v4, v13  }
0x15d: {  	v17 =	vadd.s32 s8, v0;
	v9 =	vld.idx.msk [tilespmem:v9+s24+$0x0], $0xffff;
	v10 =	vor.u32 v2, v15  }
0x15e: {  	s9 =	simm.s32 $0x9;
	v15 =	vand.u32 $0x7F, v17;
	v13 =	vld.idx.msk [tilespmem:v11+s22+$0x0], $0xffff;
	v4 =	vadd.f32 v5, v4;
	v5 =	vmul.f32 v6, v12  }
0x15f: {  	v17 =	vadd.s32 s9, v0;
	v6 =	vld.idx.msk [tilespmem:v11+s24+$0x0], $0xffff;
	v11 =	vor.u32 v2, v15  }
0x160: {  	s8 =	simm.s32 $0xA;
	v15 =	vand.u32 $0x7F, v17;
	v12 =	vld.idx.msk [tilespmem:v8+s22+$0x0], $0xffff;
	v4 =	vadd.f32 v5, v4;
	v5 =	vmul.f32 v7, v14  }
0x161: {  	v17 =	vadd.s32 s8, v0;
	v7 =	vld.idx.msk [tilespmem:v8+s24+$0x0], $0xffff;
	v8 =	vor.u32 v2, v15  }
0x162: {  	s9 =	simm.s32 $0xB;
	v14 =	vld.idx.msk [tilespmem:v10+s22+$0x0], $0xffff;
	v15 =	vand.u32 $0x7F, v17;
	v4 =	vadd.f32 v5, v4;
	v5 =	vmul.f32 v9, v16  }
0x163: {  	v17 =	vadd.s32 s9, v0;
	v9 =	vld.idx.msk [tilespmem:v10+s24+$0x0], $0xffff;
	v10 =	vor.u32 v2, v15  }
0x164: {  	s8 =	simm.s32 $0xC;
	v16 =	vand.u32 $0x7F, v17;
	v15 =	vld.idx.msk [tilespmem:v11+s22+$0x0], $0xffff;
	v4 =	vadd.f32 v5, v4;
	v5 =	vmul.f32 v6, v13  }
0x165: {  	s9 =	simm.s32 $0xD;
	v17 =	vadd.s32 s8, v0;
	v11 =	vld.idx.msk [tilespmem:v11+s24+$0x0], $0xffff;
	v13 =	vor.u32 v2, v16  }
0x166: {  	v6 =	vand.u32 $0x7F, v17;
	v17 =	vadd.s32 s9, v0;
	v16 =	vld.idx.msk [tilespmem:v8+s22+$0x0], $0xffff;
	v4 =	vadd.f32 v5, v4  }
0x167: {  	v5 =	vmul.f32 v7, v12;
	v7 =	vld.idx.msk [tilespmem:v8+s24+$0x0], $0xffff;
	v8 =	vor.u32 v2, v6;
	v6 =	vand.u32 $0x7F, v17  }
0x168: {  	s8 =	simm.s32 $0xE;
	v18 =	vld.idx.msk [tilespmem:v10+s22+$0x0], $0xffff;
	v19 =	vor.u32 v2, v6  }
0x169: {  	v17 =	vld.idx.msk [tilespmem:v10+s24+$0x0], $0xffff;
	v4 =	vadd.f32 v5, v4;
	v5 =	vmul.f32 v9, v14;
	v9 =	vadd.s32 s8, v0  }
0x16a: {  	s9 =	simm.s32 $0xF;
	v11 =	vmul.f32 v11, v15;
	v6 =	vld.idx.msk [tilespmem:v13+s22+$0x0], $0xffff;
	v12 =	vand.u32 $0x7F, v9  }
0x16b: {  	v10 =	vld.idx.msk [tilespmem:v13+s24+$0x0], $0xffff;
	v9 =	vadd.s32 s9, v0;
	v4 =	vadd.f32 v5, v4;
	v12 =	vor.u32 v2, v12  }
0x16c: {  	v13 =	vand.u32 $0x7F, v9;
	v5 =	vld.idx.msk [tilespmem:v8+s22+$0x0], $0xffff  }
0x16d: {  	s8 =	simm.s32 $0x11;
	v15 =	vmul.f32 v7, v16;
	v9 =	vld.idx.msk [tilespmem:v8+s24+$0x0], $0xffff;
	v8 =	vor.u32 v2, v13;
	v11 =	vadd.f32 v11, v4  }
0x16e: {  	s4 =	simm.s32 $0x10;
	v14 =	vadd.s32 s8, v0;
	v7 =	vld.idx.msk [tilespmem:v19+s22+$0x0], $0xffff  }
0x16f: {  	s9 =	simm.s32 $0x12;
	s8 =	simm.s32 $0x20;
	v4 =	vor.u32 s4, v3;
	v13 =	vadd.f32 v15, v11;
	v15 =	vmul.f32 v17, v18;
	v11 =	vld.idx.msk [tilespmem:v19+s24+$0x0], $0xffff  }
.LBB2_12:
0x170: {  	p1 =	slt.u32 s8, $0x70;
	v14 =	vand.u32 $0x7F, v14;
	v16 =	vadd.s32 s9, v0;
	v17 =	vld.idx.msk [tilespmem:v12+s22+$0x0], $0xffff  }
0x171: {  	s9 =	sadd.s32 $0x3, s4;
	v6 =	vmul.f32 v10, v6;
	v14 =	vor.u32 v2, v14;
	v13 =	vadd.f32 v15, v13;
	v10 =	vld.idx.msk [tilespmem:v12+s24+$0x0], $0xffff  }
0x172: {  	v12 =	vand.u32 $0x7F, v16;
	v15 =	vadd.s32 s9, v0;
	v16 =	vld.idx.msk [tilespmem:v8+s22+$0x0], $0xffff  }
0x173: {  	s9 =	sadd.s32 $0x4, s4;
	v12 =	vor.u32 v2, v12;
	v5 =	vmul.f32 v9, v5;
	v6 =	vadd.f32 v6, v13;
	v8 =	vld.idx.msk [tilespmem:v8+s24+$0x0], $0xffff  }
0x174: {  	v13 =	vand.u32 $0x7F, v15;
	v15 =	vadd.s32 s9, v0;
	v9 =	vld.idx.msk [tilespmem:v4+s22+$0x0], $0xffff  }
0x175: {  	s9 =	sadd.s32 $0x5, s4;
	v13 =	vor.u32 v2, v13;
	v4 =	vld.idx.msk [tilespmem:v4+s24+$0x0], $0xffff;
	v5 =	vadd.f32 v5, v6;
	v6 =	vmul.f32 v11, v7  }
0x176: {  	v11 =	vand.u32 $0x7F, v15;
	v15 =	vadd.s32 s9, v0;
	v7 =	vld.idx.msk [tilespmem:v14+s22+$0x0], $0xffff  }
0x177: {  	s9 =	sadd.s32 $0x6, s4;
	v11 =	vor.u32 v2, v11;
	v14 =	vld.idx.msk [tilespmem:v14+s24+$0x0], $0xffff;
	v5 =	vadd.f32 v6, v5;
	v6 =	vmul.f32 v10, v17  }
0x178: {  	v15 =	vand.u32 $0x7F, v15;
	v17 =	vadd.s32 s9, v0;
	v10 =	vld.idx.msk [tilespmem:v12+s22+$0x0], $0xffff  }
0x179: {  	v15 =	vor.u32 v2, v15;
	s9 =	sadd.s32 $0x7, s4;
	v12 =	vld.idx.msk [tilespmem:v12+s24+$0x0], $0xffff;
	v5 =	vadd.f32 v6, v5;
	v6 =	vmul.f32 v8, v16  }
0x17a: {  	v16 =	vand.u32 $0x7F, v17;
	v17 =	vadd.s32 s9, v0;
	v8 =	vld.idx.msk [tilespmem:v13+s22+$0x0], $0xffff  }
0x17b: {  	s9 =	sadd.s32 $0x8, s4;
	v4 =	vmul.f32 v4, v9;
	v9 =	vld.idx.msk [tilespmem:v13+s24+$0x0], $0xffff;
	v13 =	vor.u32 v2, v16;
	v5 =	vadd.f32 v6, v5  }
0x17c: {  	v16 =	vand.u32 $0x7F, v17;
	v17 =	vadd.s32 s9, v0;
	v6 =	vld.idx.msk [tilespmem:v11+s22+$0x0], $0xffff  }
0x17d: {  	s9 =	sadd.s32 $0x9, s4;
	v4 =	vadd.f32 v4, v5;
	v5 =	vmul.f32 v14, v7;
	v7 =	vld.idx.msk [tilespmem:v11+s24+$0x0], $0xffff;
	v11 =	vor.u32 v2, v16  }
0x17e: {  	v16 =	vand.u32 $0x7F, v17;
	v17 =	vadd.s32 s9, v0;
	v14 =	vld.idx.msk [tilespmem:v15+s22+$0x0], $0xffff  }
0x17f: {  	s9 =	sadd.s32 $0xA, s4;
	v4 =	vadd.f32 v5, v4;
	v5 =	vmul.f32 v12, v10;
	v10 =	vld.idx.msk [tilespmem:v15+s24+$0x0], $0xffff;
	v12 =	vor.u32 v2, v16  }
0x180: {  	v16 =	vand.u32 $0x7F, v17;
	v17 =	vadd.s32 s9, v0;
	v15 =	vld.idx.msk [tilespmem:v13+s22+$0x0], $0xffff  }
0x181: {  	s9 =	sadd.s32 $0xB, s4;
	v4 =	vadd.f32 v5, v4;
	v5 =	vmul.f32 v9, v8;
	v8 =	vld.idx.msk [tilespmem:v13+s24+$0x0], $0xffff;
	v9 =	vor.u32 v2, v16  }
0x182: {  	v16 =	vand.u32 $0x7F, v17;
	v17 =	vadd.s32 s9, v0;
	v13 =	vld.idx.msk [tilespmem:v11+s22+$0x0], $0xffff  }
0x183: {  	s9 =	sadd.s32 $0xC, s4;
	v4 =	vadd.f32 v5, v4;
	v5 =	vmul.f32 v7, v6;
	v6 =	vld.idx.msk [tilespmem:v11+s24+$0x0], $0xffff;
	v7 =	vor.u32 v2, v16  }
0x184: {  	v16 =	vand.u32 $0x7F, v17;
	v17 =	vadd.s32 s9, v0;
	v11 =	vld.idx.msk [tilespmem:v12+s22+$0x0], $0xffff  }
0x185: {  	s9 =	sadd.s32 $0xD, s4;
	v4 =	vadd.f32 v5, v4;
	v5 =	vmul.f32 v10, v14;
	v10 =	vld.idx.msk [tilespmem:v12+s24+$0x0], $0xffff;
	v12 =	vor.u32 v2, v16  }
0x186: {  	v16 =	vand.u32 $0x7F, v17;
	v17 =	vadd.s32 s9, v0;
	v14 =	vld.idx.msk [tilespmem:v9+s22+$0x0], $0xffff  }
0x187: {  	s9 =	sadd.s32 $0xE, s4;
	v4 =	vadd.f32 v5, v4;
	v5 =	vmul.f32 v8, v15;
	v8 =	vld.idx.msk [tilespmem:v9+s24+$0x0], $0xffff;
	v9 =	vor.u32 v2, v16  }
0x188: {  	v16 =	vand.u32 $0x7F, v17;
	v17 =	vadd.s32 s9, v0;
	v15 =	vld.idx.msk [tilespmem:v7+s22+$0x0], $0xffff  }
0x189: {  	s9 =	sadd.s32 $0xF, s4;
	s4 =	smov.u32 s8;
	v16 =	vor.u32 v2, v16;
	v4 =	vadd.f32 v5, v4;
	v5 =	vmul.f32 v6, v13;
	v18 =	vld.idx.msk [tilespmem:v7+s24+$0x0], $0xffff  }
0x18a: {  	v7 =	vand.u32 $0x7F, v17;
	v13 =	vadd.s32 s9, v0;
	v6 =	vld.idx.msk [tilespmem:v12+s22+$0x0], $0xffff  }
.Ltmp4:
0x18b: {  	v11 =	vmul.f32 v10, v11;
	v4 =	vadd.f32 v5, v4;
	v10 =	vld.idx.msk [tilespmem:v12+s24+$0x0], $0xffff;
	v12 =	vor.u32 v2, v7;
	(pc) =	sbr.rel @p1 .LBB2_12-.Ltmp4, $4  }
0x18c: {  	v7 =	vand.u32 $0x7F, v13;
	v5 =	vld.idx.msk [tilespmem:v9+s22+$0x0], $0xffff  }
0x18d: {  	v13 =	vmul.f32 v8, v14;
	v8 =	vor.u32 v2, v7;
	v11 =	vadd.f32 v11, v4;
	v9 =	vld.idx.msk [tilespmem:v9+s24+$0x0], $0xffff  }
0x18e: {  	s9 =	sadd.s32 $0x1, s8;
	v4 =	vor.u32 s8, v3;
	v7 =	vld.idx.msk [tilespmem:v16+s22+$0x0], $0xffff  }
0x18f: {  	v14 =	vadd.s32 s9, v0;
	s9 =	sadd.s32 $0x2, s4;
	s8 =	sadd.s32 $0x10, s8;
	v15 =	vmul.f32 v18, v15;
	v13 =	vadd.f32 v13, v11;
	v11 =	vld.idx.msk [tilespmem:v16+s24+$0x0], $0xffff  }
0x190: {  	_ =	sdelay $0x3  }
0x191: {  	v3 =	vand.u32 $0x7F, v14;
	v60 =	vld.idx.msk [tilespmem:v12+s22+$0x0], $0xffff;
	v6 =	vmul.f32 v10, v6;
	v13 =	vadd.f32 v15, v13  }
0x192: {  	v61 =	vadd.s32 s9, v0;
	v62 =	vld.idx.msk [tilespmem:v12+s24+$0x0], $0xffff;
	v3 =	vor.u32 v2, v3  }
0x193: {  	s8 =	sadd.s32 $0x3, s4;
	v63 =	vld.idx.msk [tilespmem:v8+s22+$0x0], $0xffff;
	v10 =	vand.u32 $0x7F, v61;
	v5 =	vmul.f32 v9, v5;
	v6 =	vadd.f32 v6, v13  }
0x194: {  	v17 =	vld.idx.msk [tilespmem:v8+s24+$0x0], $0xffff;
	v16 =	vadd.s32 s8, v0;
	v10 =	vor.u32 v2, v10  }
0x195: {  	s9 =	sadd.s32 $0x4, s4;
	v18 =	vld.idx.msk [tilespmem:v4+s22+$0x0], $0xffff;
	v9 =	vand.u32 $0x7F, v16;
	v19 =	vmul.f32 v11, v7;
	v5 =	vadd.f32 v5, v6  }
0x196: {  	v21 =	vld.idx.msk [tilespmem:v4+s24+$0x0], $0xffff;
	v20 =	vadd.s32 s9, v0;
	v9 =	vor.u32 v2, v9  }
0x197: {  	s9 =	sadd.s32 $0x5, s4;
	v7 =	vand.u32 $0x7F, v20;
	v23 =	vmul.f32 v62, v60;
	v22 =	vld.idx.msk [tilespmem:v3+s22+$0x0], $0xffff;
	v5 =	vadd.f32 v19, v5  }
0x198: {  	v24 =	vadd.s32 s9, v0;
	v7 =	vor.u32 v2, v7;
	v3 =	vld.idx.msk [tilespmem:v3+s24+$0x0], $0xffff  }
0x199: {  	s9 =	sadd.s32 $0x6, s4;
	v12 =	vand.u32 $0x7F, v24;
	v26 =	vmul.f32 v17, v63;
	v25 =	vld.idx.msk [tilespmem:v10+s22+$0x0], $0xffff;
	v5 =	vadd.f32 v23, v5  }
0x19a: {  	v27 =	vadd.s32 s9, v0;
	v12 =	vor.u32 v2, v12;
	v10 =	vld.idx.msk [tilespmem:v10+s24+$0x0], $0xffff  }
0x19b: {  	s9 =	sadd.s32 $0x7, s4;
	v8 =	vand.u32 $0x7F, v27;
	v4 =	vmul.f32 v21, v18;
	v28 =	vld.idx.msk [tilespmem:v9+s22+$0x0], $0xffff;
	v5 =	vadd.f32 v26, v5  }
0x19c: {  	v29 =	vadd.s32 s9, v0;
	v8 =	vor.u32 v2, v8;
	v9 =	vld.idx.msk [tilespmem:v9+s24+$0x0], $0xffff  }
0x19d: {  	s9 =	sadd.s32 $0x8, s4;
	v6 =	vand.u32 $0x7F, v29;
	v30 =	vld.idx.msk [tilespmem:v7+s22+$0x0], $0xffff;
	v3 =	vmul.f32 v3, v22;
	v4 =	vadd.f32 v4, v5  }
0x19e: {  	v31 =	vadd.s32 s9, v0;
	v6 =	vor.u32 v2, v6;
	v7 =	vld.idx.msk [tilespmem:v7+s24+$0x0], $0xffff  }
0x19f: {  	s9 =	sadd.s32 $0x9, s4;
	v32 =	vld.idx.msk [tilespmem:v12+s22+$0x0], $0xffff;
	v33 =	vmul.f32 v10, v25;
	v5 =	vand.u32 $0x7F, v31;
	v3 =	vadd.f32 v3, v4  }
0x1a0: {  	v34 =	vadd.s32 s9, v0;
	v12 =	vld.idx.msk [tilespmem:v12+s24+$0x0], $0xffff;
	v5 =	vor.u32 v2, v5  }
0x1a1: {  	s9 =	sadd.s32 $0xA, s4;
	v35 =	vld.idx.msk [tilespmem:v8+s22+$0x0], $0xffff;
	v10 =	vand.u32 $0x7F, v34;
	v36 =	vmul.f32 v9, v28;
	v3 =	vadd.f32 v33, v3  }
0x1a2: {  	v37 =	vadd.s32 s9, v0;
	v8 =	vld.idx.msk [tilespmem:v8+s24+$0x0], $0xffff;
	v10 =	vor.u32 v2, v10  }
0x1a3: {  	s9 =	sadd.s32 $0xB, s4;
	v38 =	vld.idx.msk [tilespmem:v6+s22+$0x0], $0xffff;
	v9 =	vand.u32 $0x7F, v37;
	v39 =	vmul.f32 v7, v30;
	v3 =	vadd.f32 v36, v3  }
0x1a4: {  	v40 =	vadd.s32 s9, v0;
	v6 =	vld.idx.msk [tilespmem:v6+s24+$0x0], $0xffff;
	v9 =	vor.u32 v2, v9  }
0x1a5: {  	s9 =	sadd.s32 $0xC, s4;
	v42 =	vmul.f32 v12, v32;
	v7 =	vand.u32 $0x7F, v40;
	v41 =	vld.idx.msk [tilespmem:v5+s22+$0x0], $0xffff;
	v3 =	vadd.f32 v39, v3  }
0x1a6: {  	v43 =	vadd.s32 s9, v0;
	v7 =	vor.u32 v2, v7;
	v5 =	vld.idx.msk [tilespmem:v5+s24+$0x0], $0xffff  }
0x1a7: {  	s9 =	sadd.s32 $0xD, s4;
	v11 =	vand.u32 $0x7F, v43;
	v45 =	vmul.f32 v8, v35;
	v44 =	vld.idx.msk [tilespmem:v10+s22+$0x0], $0xffff;
	v3 =	vadd.f32 v42, v3  }
0x1a8: {  	v46 =	vadd.s32 s9, v0;
	v11 =	vor.u32 v2, v11;
	v10 =	vld.idx.msk [tilespmem:v10+s24+$0x0], $0xffff  }
0x1a9: {  	s9 =	sadd.s32 $0xE, s4;
	v8 =	vand.u32 $0x7F, v46;
	v48 =	vmul.f32 v6, v38;
	v47 =	vld.idx.msk [tilespmem:v9+s22+$0x0], $0xffff;
	v3 =	vadd.f32 v45, v3  }
0x1aa: {  	v49 =	vadd.s32 s9, v0;
	v8 =	vor.u32 v2, v8;
	v9 =	vld.idx.msk [tilespmem:v9+s24+$0x0], $0xffff  }
0x1ab: {  	s9 =	sadd.s32 $0xF, s4;
	v6 =	vand.u32 $0x7F, v49;
	v50 =	vld.idx.msk [tilespmem:v7+s22+$0x0], $0xffff;
	v51 =	vmul.f32 v5, v41;
	v3 =	vadd.f32 v48, v3  }
0x1ac: {  	v52 =	vadd.s32 s9, v0;
	v6 =	vor.u32 v2, v6;
	v7 =	vld.idx.msk [tilespmem:v7+s24+$0x0], $0xffff  }
0x1ad: {  	v53 =	vld.idx.msk [tilespmem:v11+s22+$0x0], $0xffff;
	v54 =	vmul.f32 v10, v44;
	v5 =	vand.u32 $0x7F, v52;
	v3 =	vadd.f32 v51, v3  }
0x1ae: {  	v55 =	vld.idx.msk [tilespmem:v11+s24+$0x0], $0xffff;
	v2 =	vor.u32 v2, v5  }
0x1af: {  	v56 =	vld.idx.msk [tilespmem:v8+s22+$0x0], $0xffff;
	v57 =	vmul.f32 v9, v47;
	v3 =	vadd.f32 v54, v3  }
0x1b0: {  	v8 =	vld.idx.msk [tilespmem:v8+s24+$0x0], $0xffff  }
0x1b1: {  	v58 =	vld.idx.msk [tilespmem:v6+s22+$0x0], $0xffff;
	v59 =	vmul.f32 v7, v50;
	v3 =	vadd.f32 v57, v3  }
0x1b2: {  	v6 =	vld.idx.msk [tilespmem:v6+s24+$0x0], $0xffff  }
0x1b3: {  	v61 =	vmul.f32 v55, v53;
	v60 =	vld.idx.msk [tilespmem:v2+s22+$0x0], $0xffff;
	v3 =	vadd.f32 v59, v3  }
0x1b4: {  	v2 =	vld.idx.msk [tilespmem:v2+s24+$0x0], $0xffff  }
0x1b5: {  	v62 =	vmul.f32 v8, v56;
	v3 =	vadd.f32 v61, v3;
	_ =	sdelay $0x1  }
0x1b6: {  	v63 =	vmul.f32 v6, v58;
	v3 =	vadd.f32 v62, v3;
	_ =	sdelay $0x1  }
0x1b7: {  	v2 =	vmul.f32 v2, v60;
	v3 =	vadd.f32 v63, v3;
	_ =	sdelay $0x1  }
0x1b8: {  	v2 =	vadd.f32 v2, v3;
	_ =	sdelay $0x1  }
0x1b9: {  	v2 =	vsub.f32 $0.0e+00, v2;
	_ =	sdelay $0x1  }
0x1ba: {  	v2 =	vmul.f32 $1.442695020e+00, v2;
	_ =	sdelay $0x1  }
0x1bb: {  	(erf) = vpow2.f32 v2;
	_ =	sdelay $0x8  }
0x1bc: {  	v2 =	vpop (erf)  }
0x1bd: {  	v2 =	vadd.f32 $1.000000000e+00, v2;
	_ =	sdelay $0x1  }
0x1be: {  	(erf) = vrcp.f32 v2;
	_ =	sdelay $0x3  }
0x1bf: {  	s6 =	sadd.s32 $0x1, s6  }
0x1c0: {  	p1 =	sne.s32 s6, $0x5  }
.Ltmp5:
0x1c1: {  	_ = 	snop;
	(pc) =	sbr.rel @p1 .LBB2_11-.Ltmp5, $3  }
0x1c2: {  	_ =	sdelay $0x1  }
0x1c3: {  	v2 =	vpop (erf)  }
0x1c4: {  	[tilespmem:s14+$0x18F00] =	vst v2  }
0x1c5: {  	s4 =	rddreg [dreg:$0x7]  }
0x1c6: {  	s4 =	sadd.s32 s11, s4  }
0x1c7: {  	s4 =	sshrl.u32 s4, $0x3  }
0x1c8: {  	s4 =	sadd.s32 s3, s4  }
0x1c9: {  	[hbm4b:s4+s5] =	stream.linear.scatter [tilespmem:s2], [sflag:$0x9], $0x50, $0x38;
	[tilespmem:$0x18F80] =	vst v63  }
0x1ca: {  	_ =	swait.ge [sflag:s13], $0x50  }
0x1cb: {  	s6 =	simm.s32 @!p0 $0x50;
	[sflag:s13] =	ssyncset.done $0x0  }
0x1cc: {  	s8 =	simm.s32 @!p0 $0x9F00;
	s4 =	sadd.s32 @!p0 $0x1E0, s11;
	[sflag:s13] =	ssyncadd.s32 $0xFFFFFFB0  }
0x1cd: {  	[tilespmem:s8], [sflag:$0x3] =	stream.indirect.gather @!p0 [hbm4b:s1+s6], $0x80, s4, s6, $0xb8;
	[tilespmem:$0x18F80] =	vst v63  }
0x1ce: {  	s4 =	sadd.s32 @!p0 $0x2960, s11;
	s8 =	simm.s32 @!p0 $0x13F00  }
0x1cf: {  	[tilespmem:s8], [sflag:$0x7] =	stream.indirect.gather @!p0 [hbm4b:s1+s6], $0x80, s4, s6, $0xb8;
	[tilespmem:$0x18F80] =	vst v63  }
0x1d0: {  	_ =	swait.ge [sflag:s25], $0x2800  }
0x1d1: {  	[sflag:s25] =	ssyncset.done $0x0  }
0x1d2: {  	[sflag:s25] =	ssyncadd.s32 $0xFFFFD800  }
0x1d3: {  	_ =	swait.ge [sflag:s28], $0x2800  }
0x1d4: {  	[sflag:s28] =	ssyncset.done $0x0  }
0x1d5: {  	s12 =	simm.s32 $0x0;
	s6 =	simm.s32 $0x0;
	[sflag:s28] =	ssyncadd.s32 $0xFFFFD800  }
.LBB2_15:
0x1d6: {  	s14 =	sshll.u32 s6, $0x4  }
0x1d7: {  	v2 =	vmov s14  }
0x1d8: {  	v2 =	vshll.u32 v2, $0x7  }
0x1d9: {  	v2 =	vor.u32 v1, v2  }
0x1da: {  	s4 =	simm.s32 $0x1;
	v3 =	vor.u32 v0, v2  }
0x1db: {  	v5 =	vadd.s32 s4, v0;
	v4 =	vor.u32 s12, v3  }
0x1dc: {  	s8 =	simm.s32 $0x2;
	v5 =	vand.u32 $0x7F, v5  }
0x1dd: {  	v6 =	vadd.s32 s8, v0;
	v5 =	vor.u32 v2, v5  }
0x1de: {  	s9 =	simm.s32 $0x3;
	v6 =	vand.u32 $0x7F, v6  }
0x1df: {  	v7 =	vadd.s32 s9, v0;
	v6 =	vor.u32 v2, v6  }
0x1e0: {  	s8 =	simm.s32 $0x4;
	v7 =	vand.u32 $0x7F, v7;
	v8 =	vld.idx.msk [tilespmem:v4+s26+$0x0], $0xffff  }
0x1e1: {  	v9 =	vadd.s32 s8, v0;
	v7 =	vor.u32 v2, v7;
	v4 =	vld.idx.msk [tilespmem:v4+s29+$0x0], $0xffff  }
0x1e2: {  	s9 =	simm.s32 $0x5;
	v9 =	vand.u32 $0x7F, v9;
	v10 =	vld.idx.msk [tilespmem:v5+s26+$0x0], $0xffff  }
0x1e3: {  	v11 =	vadd.s32 s9, v0;
	v9 =	vor.u32 v2, v9;
	v5 =	vld.idx.msk [tilespmem:v5+s29+$0x0], $0xffff  }
0x1e4: {  	s8 =	simm.s32 $0x6;
	v11 =	vand.u32 $0x7F, v11;
	v12 =	vld.idx.msk [tilespmem:v6+s26+$0x0], $0xffff  }
0x1e5: {  	v13 =	vadd.s32 s8, v0;
	v11 =	vor.u32 v2, v11;
	v6 =	vld.idx.msk [tilespmem:v6+s29+$0x0], $0xffff  }
0x1e6: {  	s9 =	simm.s32 $0x7;
	v13 =	vand.u32 $0x7F, v13;
	v14 =	vld.idx.msk [tilespmem:v7+s26+$0x0], $0xffff;
	v4 =	vmul.f32 v4, v8  }
0x1e7: {  	v15 =	vadd.s32 s9, v0;
	v7 =	vld.idx.msk [tilespmem:v7+s29+$0x0], $0xffff;
	v8 =	vor.u32 v2, v13;
	v13 =	vimm.f32 $0.0e+00  }
0x1e8: {  	s8 =	simm.s32 $0x8;
	v15 =	vand.u32 $0x7F, v15;
	v16 =	vld.idx.msk [tilespmem:v9+s26+$0x0], $0xffff;
	v5 =	vmul.f32 v5, v10;
	v4 =	vadd.f32 v4, v13  }
0x1e9: {  	v17 =	vadd.s32 s8, v0;
	v9 =	vld.idx.msk [tilespmem:v9+s29+$0x0], $0xffff;
	v10 =	vor.u32 v2, v15  }
0x1ea: {  	s9 =	simm.s32 $0x9;
	v15 =	vand.u32 $0x7F, v17;
	v13 =	vld.idx.msk [tilespmem:v11+s26+$0x0], $0xffff;
	v4 =	vadd.f32 v5, v4;
	v5 =	vmul.f32 v6, v12  }
0x1eb: {  	v17 =	vadd.s32 s9, v0;
	v6 =	vld.idx.msk [tilespmem:v11+s29+$0x0], $0xffff;
	v11 =	vor.u32 v2, v15  }
0x1ec: {  	s8 =	simm.s32 $0xA;
	v15 =	vand.u32 $0x7F, v17;
	v12 =	vld.idx.msk [tilespmem:v8+s26+$0x0], $0xffff;
	v4 =	vadd.f32 v5, v4;
	v5 =	vmul.f32 v7, v14  }
0x1ed: {  	v17 =	vadd.s32 s8, v0;
	v7 =	vld.idx.msk [tilespmem:v8+s29+$0x0], $0xffff;
	v8 =	vor.u32 v2, v15  }
0x1ee: {  	s9 =	simm.s32 $0xB;
	v14 =	vld.idx.msk [tilespmem:v10+s26+$0x0], $0xffff;
	v15 =	vand.u32 $0x7F, v17;
	v4 =	vadd.f32 v5, v4;
	v5 =	vmul.f32 v9, v16  }
0x1ef: {  	v17 =	vadd.s32 s9, v0;
	v9 =	vld.idx.msk [tilespmem:v10+s29+$0x0], $0xffff;
	v10 =	vor.u32 v2, v15  }
0x1f0: {  	s8 =	simm.s32 $0xC;
	v16 =	vand.u32 $0x7F, v17;
	v15 =	vld.idx.msk [tilespmem:v11+s26+$0x0], $0xffff;
	v4 =	vadd.f32 v5, v4;
	v5 =	vmul.f32 v6, v13  }
0x1f1: {  	s9 =	simm.s32 $0xD;
	v17 =	vadd.s32 s8, v0;
	v11 =	vld.idx.msk [tilespmem:v11+s29+$0x0], $0xffff;
	v13 =	vor.u32 v2, v16  }
0x1f2: {  	v6 =	vand.u32 $0x7F, v17;
	v17 =	vadd.s32 s9, v0;
	v16 =	vld.idx.msk [tilespmem:v8+s26+$0x0], $0xffff;
	v4 =	vadd.f32 v5, v4  }
0x1f3: {  	v5 =	vmul.f32 v7, v12;
	v7 =	vld.idx.msk [tilespmem:v8+s29+$0x0], $0xffff;
	v8 =	vor.u32 v2, v6;
	v6 =	vand.u32 $0x7F, v17  }
0x1f4: {  	s8 =	simm.s32 $0xE;
	v18 =	vld.idx.msk [tilespmem:v10+s26+$0x0], $0xffff;
	v19 =	vor.u32 v2, v6  }
0x1f5: {  	v17 =	vld.idx.msk [tilespmem:v10+s29+$0x0], $0xffff;
	v4 =	vadd.f32 v5, v4;
	v5 =	vmul.f32 v9, v14;
	v9 =	vadd.s32 s8, v0  }
0x1f6: {  	s9 =	simm.s32 $0xF;
	v11 =	vmul.f32 v11, v15;
	v6 =	vld.idx.msk [tilespmem:v13+s26+$0x0], $0xffff;
	v12 =	vand.u32 $0x7F, v9  }
0x1f7: {  	v10 =	vld.idx.msk [tilespmem:v13+s29+$0x0], $0xffff;
	v9 =	vadd.s32 s9, v0;
	v4 =	vadd.f32 v5, v4;
	v12 =	vor.u32 v2, v12  }
0x1f8: {  	v13 =	vand.u32 $0x7F, v9;
	v5 =	vld.idx.msk [tilespmem:v8+s26+$0x0], $0xffff  }
0x1f9: {  	s8 =	simm.s32 $0x11;
	v15 =	vmul.f32 v7, v16;
	v9 =	vld.idx.msk [tilespmem:v8+s29+$0x0], $0xffff;
	v8 =	vor.u32 v2, v13;
	v11 =	vadd.f32 v11, v4  }
0x1fa: {  	s4 =	simm.s32 $0x10;
	v14 =	vadd.s32 s8, v0;
	v7 =	vld.idx.msk [tilespmem:v19+s26+$0x0], $0xffff  }
0x1fb: {  	s9 =	simm.s32 $0x12;
	s8 =	simm.s32 $0x20;
	v4 =	vor.u32 s4, v3;
	v13 =	vadd.f32 v15, v11;
	v15 =	vmul.f32 v17, v18;
	v11 =	vld.idx.msk [tilespmem:v19+s29+$0x0], $0xffff  }
.LBB2_16:
0x1fc: {  	p1 =	slt.u32 s8, $0x70;
	v14 =	vand.u32 $0x7F, v14;
	v16 =	vadd.s32 s9, v0;
	v17 =	vld.idx.msk [tilespmem:v12+s26+$0x0], $0xffff  }
0x1fd: {  	s9 =	sadd.s32 $0x3, s4;
	v6 =	vmul.f32 v10, v6;
	v14 =	vor.u32 v2, v14;
	v13 =	vadd.f32 v15, v13;
	v10 =	vld.idx.msk [tilespmem:v12+s29+$0x0], $0xffff  }
0x1fe: {  	v12 =	vand.u32 $0x7F, v16;
	v15 =	vadd.s32 s9, v0;
	v16 =	vld.idx.msk [tilespmem:v8+s26+$0x0], $0xffff  }
0x1ff: {  	s9 =	sadd.s32 $0x4, s4;
	v12 =	vor.u32 v2, v12;
	v5 =	vmul.f32 v9, v5;
	v6 =	vadd.f32 v6, v13;
	v8 =	vld.idx.msk [tilespmem:v8+s29+$0x0], $0xffff  }
0x200: {  	v13 =	vand.u32 $0x7F, v15;
	v15 =	vadd.s32 s9, v0;
	v9 =	vld.idx.msk [tilespmem:v4+s26+$0x0], $0xffff  }
0x201: {  	s9 =	sadd.s32 $0x5, s4;
	v13 =	vor.u32 v2, v13;
	v4 =	vld.idx.msk [tilespmem:v4+s29+$0x0], $0xffff;
	v5 =	vadd.f32 v5, v6;
	v6 =	vmul.f32 v11, v7  }
0x202: {  	v11 =	vand.u32 $0x7F, v15;
	v15 =	vadd.s32 s9, v0;
	v7 =	vld.idx.msk [tilespmem:v14+s26+$0x0], $0xffff  }
0x203: {  	s9 =	sadd.s32 $0x6, s4;
	v11 =	vor.u32 v2, v11;
	v14 =	vld.idx.msk [tilespmem:v14+s29+$0x0], $0xffff;
	v5 =	vadd.f32 v6, v5;
	v6 =	vmul.f32 v10, v17  }
0x204: {  	v15 =	vand.u32 $0x7F, v15;
	v17 =	vadd.s32 s9, v0;
	v10 =	vld.idx.msk [tilespmem:v12+s26+$0x0], $0xffff  }
0x205: {  	v15 =	vor.u32 v2, v15;
	s9 =	sadd.s32 $0x7, s4;
	v12 =	vld.idx.msk [tilespmem:v12+s29+$0x0], $0xffff;
	v5 =	vadd.f32 v6, v5;
	v6 =	vmul.f32 v8, v16  }
0x206: {  	v16 =	vand.u32 $0x7F, v17;
	v17 =	vadd.s32 s9, v0;
	v8 =	vld.idx.msk [tilespmem:v13+s26+$0x0], $0xffff  }
0x207: {  	s9 =	sadd.s32 $0x8, s4;
	v4 =	vmul.f32 v4, v9;
	v9 =	vld.idx.msk [tilespmem:v13+s29+$0x0], $0xffff;
	v13 =	vor.u32 v2, v16;
	v5 =	vadd.f32 v6, v5  }
0x208: {  	v16 =	vand.u32 $0x7F, v17;
	v17 =	vadd.s32 s9, v0;
	v6 =	vld.idx.msk [tilespmem:v11+s26+$0x0], $0xffff  }
0x209: {  	s9 =	sadd.s32 $0x9, s4;
	v4 =	vadd.f32 v4, v5;
	v5 =	vmul.f32 v14, v7;
	v7 =	vld.idx.msk [tilespmem:v11+s29+$0x0], $0xffff;
	v11 =	vor.u32 v2, v16  }
0x20a: {  	v16 =	vand.u32 $0x7F, v17;
	v17 =	vadd.s32 s9, v0;
	v14 =	vld.idx.msk [tilespmem:v15+s26+$0x0], $0xffff  }
0x20b: {  	s9 =	sadd.s32 $0xA, s4;
	v4 =	vadd.f32 v5, v4;
	v5 =	vmul.f32 v12, v10;
	v10 =	vld.idx.msk [tilespmem:v15+s29+$0x0], $0xffff;
	v12 =	vor.u32 v2, v16  }
0x20c: {  	v16 =	vand.u32 $0x7F, v17;
	v17 =	vadd.s32 s9, v0;
	v15 =	vld.idx.msk [tilespmem:v13+s26+$0x0], $0xffff  }
0x20d: {  	s9 =	sadd.s32 $0xB, s4;
	v4 =	vadd.f32 v5, v4;
	v5 =	vmul.f32 v9, v8;
	v8 =	vld.idx.msk [tilespmem:v13+s29+$0x0], $0xffff;
	v9 =	vor.u32 v2, v16  }
0x20e: {  	v16 =	vand.u32 $0x7F, v17;
	v17 =	vadd.s32 s9, v0;
	v13 =	vld.idx.msk [tilespmem:v11+s26+$0x0], $0xffff  }
0x20f: {  	s9 =	sadd.s32 $0xC, s4;
	v4 =	vadd.f32 v5, v4;
	v5 =	vmul.f32 v7, v6;
	v6 =	vld.idx.msk [tilespmem:v11+s29+$0x0], $0xffff;
	v7 =	vor.u32 v2, v16  }
0x210: {  	v16 =	vand.u32 $0x7F, v17;
	v17 =	vadd.s32 s9, v0;
	v11 =	vld.idx.msk [tilespmem:v12+s26+$0x0], $0xffff  }
0x211: {  	s9 =	sadd.s32 $0xD, s4;
	v4 =	vadd.f32 v5, v4;
	v5 =	vmul.f32 v10, v14;
	v10 =	vld.idx.msk [tilespmem:v12+s29+$0x0], $0xffff;
	v12 =	vor.u32 v2, v16  }
0x212: {  	v16 =	vand.u32 $0x7F, v17;
	v17 =	vadd.s32 s9, v0;
	v14 =	vld.idx.msk [tilespmem:v9+s26+$0x0], $0xffff  }
0x213: {  	s9 =	sadd.s32 $0xE, s4;
	v4 =	vadd.f32 v5, v4;
	v5 =	vmul.f32 v8, v15;
	v8 =	vld.idx.msk [tilespmem:v9+s29+$0x0], $0xffff;
	v9 =	vor.u32 v2, v16  }
0x214: {  	v16 =	vand.u32 $0x7F, v17;
	v17 =	vadd.s32 s9, v0;
	v15 =	vld.idx.msk [tilespmem:v7+s26+$0x0], $0xffff  }
0x215: {  	s9 =	sadd.s32 $0xF, s4;
	s4 =	smov.u32 s8;
	v16 =	vor.u32 v2, v16;
	v4 =	vadd.f32 v5, v4;
	v5 =	vmul.f32 v6, v13;
	v18 =	vld.idx.msk [tilespmem:v7+s29+$0x0], $0xffff  }
0x216: {  	v7 =	vand.u32 $0x7F, v17;
	v13 =	vadd.s32 s9, v0;
	v6 =	vld.idx.msk [tilespmem:v12+s26+$0x0], $0xffff  }
.Ltmp6:
0x217: {  	v11 =	vmul.f32 v10, v11;
	v4 =	vadd.f32 v5, v4;
	v10 =	vld.idx.msk [tilespmem:v12+s29+$0x0], $0xffff;
	v12 =	vor.u32 v2, v7;
	(pc) =	sbr.rel @p1 .LBB2_16-.Ltmp6, $4  }
0x218: {  	v7 =	vand.u32 $0x7F, v13;
	v5 =	vld.idx.msk [tilespmem:v9+s26+$0x0], $0xffff  }
0x219: {  	v13 =	vmul.f32 v8, v14;
	v8 =	vor.u32 v2, v7;
	v11 =	vadd.f32 v11, v4;
	v9 =	vld.idx.msk [tilespmem:v9+s29+$0x0], $0xffff  }
0x21a: {  	s9 =	sadd.s32 $0x1, s8;
	v4 =	vor.u32 s8, v3;
	v7 =	vld.idx.msk [tilespmem:v16+s26+$0x0], $0xffff  }
0x21b: {  	v14 =	vadd.s32 s9, v0;
	s9 =	sadd.s32 $0x2, s4;
	s8 =	sadd.s32 $0x10, s8;
	v15 =	vmul.f32 v18, v15;
	v13 =	vadd.f32 v13, v11;
	v11 =	vld.idx.msk [tilespmem:v16+s29+$0x0], $0xffff  }
0x21c: {  	_ =	sdelay $0x3  }
0x21d: {  	v3 =	vand.u32 $0x7F, v14;
	v60 =	vld.idx.msk [tilespmem:v12+s26+$0x0], $0xffff;
	v6 =	vmul.f32 v10, v6;
	v13 =	vadd.f32 v15, v13  }
0x21e: {  	v61 =	vadd.s32 s9, v0;
	v62 =	vld.idx.msk [tilespmem:v12+s29+$0x0], $0xffff;
	v3 =	vor.u32 v2, v3  }
0x21f: {  	s8 =	sadd.s32 $0x3, s4;
	v63 =	vld.idx.msk [tilespmem:v8+s26+$0x0], $0xffff;
	v10 =	vand.u32 $0x7F, v61;
	v5 =	vmul.f32 v9, v5;
	v6 =	vadd.f32 v6, v13  }
0x220: {  	v17 =	vld.idx.msk [tilespmem:v8+s29+$0x0], $0xffff;
	v16 =	vadd.s32 s8, v0;
	v10 =	vor.u32 v2, v10  }
0x221: {  	s9 =	sadd.s32 $0x4, s4;
	v18 =	vld.idx.msk [tilespmem:v4+s26+$0x0], $0xffff;
	v9 =	vand.u32 $0x7F, v16;
	v19 =	vmul.f32 v11, v7;
	v5 =	vadd.f32 v5, v6  }
0x222: {  	v21 =	vld.idx.msk [tilespmem:v4+s29+$0x0], $0xffff;
	v20 =	vadd.s32 s9, v0;
	v9 =	vor.u32 v2, v9  }
0x223: {  	s9 =	sadd.s32 $0x5, s4;
	v7 =	vand.u32 $0x7F, v20;
	v23 =	vmul.f32 v62, v60;
	v22 =	vld.idx.msk [tilespmem:v3+s26+$0x0], $0xffff;
	v5 =	vadd.f32 v19, v5  }
0x224: {  	v24 =	vadd.s32 s9, v0;
	v7 =	vor.u32 v2, v7;
	v3 =	vld.idx.msk [tilespmem:v3+s29+$0x0], $0xffff  }
0x225: {  	s9 =	sadd.s32 $0x6, s4;
	v12 =	vand.u32 $0x7F, v24;
	v26 =	vmul.f32 v17, v63;
	v25 =	vld.idx.msk [tilespmem:v10+s26+$0x0], $0xffff;
	v5 =	vadd.f32 v23, v5  }
0x226: {  	v27 =	vadd.s32 s9, v0;
	v12 =	vor.u32 v2, v12;
	v10 =	vld.idx.msk [tilespmem:v10+s29+$0x0], $0xffff  }
0x227: {  	s9 =	sadd.s32 $0x7, s4;
	v8 =	vand.u32 $0x7F, v27;
	v4 =	vmul.f32 v21, v18;
	v28 =	vld.idx.msk [tilespmem:v9+s26+$0x0], $0xffff;
	v5 =	vadd.f32 v26, v5  }
0x228: {  	v29 =	vadd.s32 s9, v0;
	v8 =	vor.u32 v2, v8;
	v9 =	vld.idx.msk [tilespmem:v9+s29+$0x0], $0xffff  }
0x229: {  	s9 =	sadd.s32 $0x8, s4;
	v6 =	vand.u32 $0x7F, v29;
	v30 =	vld.idx.msk [tilespmem:v7+s26+$0x0], $0xffff;
	v3 =	vmul.f32 v3, v22;
	v4 =	vadd.f32 v4, v5  }
0x22a: {  	v31 =	vadd.s32 s9, v0;
	v6 =	vor.u32 v2, v6;
	v7 =	vld.idx.msk [tilespmem:v7+s29+$0x0], $0xffff  }
0x22b: {  	s9 =	sadd.s32 $0x9, s4;
	v32 =	vld.idx.msk [tilespmem:v12+s26+$0x0], $0xffff;
	v33 =	vmul.f32 v10, v25;
	v5 =	vand.u32 $0x7F, v31;
	v3 =	vadd.f32 v3, v4  }
0x22c: {  	v34 =	vadd.s32 s9, v0;
	v12 =	vld.idx.msk [tilespmem:v12+s29+$0x0], $0xffff;
	v5 =	vor.u32 v2, v5  }
0x22d: {  	s9 =	sadd.s32 $0xA, s4;
	v35 =	vld.idx.msk [tilespmem:v8+s26+$0x0], $0xffff;
	v10 =	vand.u32 $0x7F, v34;
	v36 =	vmul.f32 v9, v28;
	v3 =	vadd.f32 v33, v3  }
0x22e: {  	v37 =	vadd.s32 s9, v0;
	v8 =	vld.idx.msk [tilespmem:v8+s29+$0x0], $0xffff;
	v10 =	vor.u32 v2, v10  }
0x22f: {  	s9 =	sadd.s32 $0xB, s4;
	v38 =	vld.idx.msk [tilespmem:v6+s26+$0x0], $0xffff;
	v9 =	vand.u32 $0x7F, v37;
	v39 =	vmul.f32 v7, v30;
	v3 =	vadd.f32 v36, v3  }
0x230: {  	v40 =	vadd.s32 s9, v0;
	v6 =	vld.idx.msk [tilespmem:v6+s29+$0x0], $0xffff;
	v9 =	vor.u32 v2, v9  }
0x231: {  	s9 =	sadd.s32 $0xC, s4;
	v42 =	vmul.f32 v12, v32;
	v7 =	vand.u32 $0x7F, v40;
	v41 =	vld.idx.msk [tilespmem:v5+s26+$0x0], $0xffff;
	v3 =	vadd.f32 v39, v3  }
0x232: {  	v43 =	vadd.s32 s9, v0;
	v7 =	vor.u32 v2, v7;
	v5 =	vld.idx.msk [tilespmem:v5+s29+$0x0], $0xffff  }
0x233: {  	s9 =	sadd.s32 $0xD, s4;
	v11 =	vand.u32 $0x7F, v43;
	v45 =	vmul.f32 v8, v35;
	v44 =	vld.idx.msk [tilespmem:v10+s26+$0x0], $0xffff;
	v3 =	vadd.f32 v42, v3  }
0x234: {  	v46 =	vadd.s32 s9, v0;
	v11 =	vor.u32 v2, v11;
	v10 =	vld.idx.msk [tilespmem:v10+s29+$0x0], $0xffff  }
0x235: {  	s9 =	sadd.s32 $0xE, s4;
	v8 =	vand.u32 $0x7F, v46;
	v48 =	vmul.f32 v6, v38;
	v47 =	vld.idx.msk [tilespmem:v9+s26+$0x0], $0xffff;
	v3 =	vadd.f32 v45, v3  }
0x236: {  	v49 =	vadd.s32 s9, v0;
	v8 =	vor.u32 v2, v8;
	v9 =	vld.idx.msk [tilespmem:v9+s29+$0x0], $0xffff  }
0x237: {  	s9 =	sadd.s32 $0xF, s4;
	v6 =	vand.u32 $0x7F, v49;
	v50 =	vld.idx.msk [tilespmem:v7+s26+$0x0], $0xffff;
	v51 =	vmul.f32 v5, v41;
	v3 =	vadd.f32 v48, v3  }
0x238: {  	v52 =	vadd.s32 s9, v0;
	v6 =	vor.u32 v2, v6;
	v7 =	vld.idx.msk [tilespmem:v7+s29+$0x0], $0xffff  }
0x239: {  	v53 =	vld.idx.msk [tilespmem:v11+s26+$0x0], $0xffff;
	v54 =	vmul.f32 v10, v44;
	v5 =	vand.u32 $0x7F, v52;
	v3 =	vadd.f32 v51, v3  }
0x23a: {  	v55 =	vld.idx.msk [tilespmem:v11+s29+$0x0], $0xffff;
	v2 =	vor.u32 v2, v5  }
0x23b: {  	v56 =	vld.idx.msk [tilespmem:v8+s26+$0x0], $0xffff;
	v57 =	vmul.f32 v9, v47;
	v3 =	vadd.f32 v54, v3  }
0x23c: {  	v8 =	vld.idx.msk [tilespmem:v8+s29+$0x0], $0xffff  }
0x23d: {  	v58 =	vld.idx.msk [tilespmem:v6+s26+$0x0], $0xffff;
	v59 =	vmul.f32 v7, v50;
	v3 =	vadd.f32 v57, v3  }
0x23e: {  	v6 =	vld.idx.msk [tilespmem:v6+s29+$0x0], $0xffff  }
0x23f: {  	v61 =	vmul.f32 v55, v53;
	v60 =	vld.idx.msk [tilespmem:v2+s26+$0x0], $0xffff;
	v3 =	vadd.f32 v59, v3  }
0x240: {  	v2 =	vld.idx.msk [tilespmem:v2+s29+$0x0], $0xffff  }
0x241: {  	v62 =	vmul.f32 v8, v56;
	v3 =	vadd.f32 v61, v3;
	_ =	sdelay $0x1  }
0x242: {  	v63 =	vmul.f32 v6, v58;
	v3 =	vadd.f32 v62, v3;
	_ =	sdelay $0x1  }
0x243: {  	v2 =	vmul.f32 v2, v60;
	v3 =	vadd.f32 v63, v3;
	_ =	sdelay $0x1  }
0x244: {  	v2 =	vadd.f32 v2, v3;
	_ =	sdelay $0x1  }
0x245: {  	v2 =	vsub.f32 $0.0e+00, v2;
	_ =	sdelay $0x1  }
0x246: {  	v2 =	vmul.f32 $1.442695020e+00, v2;
	_ =	sdelay $0x1  }
0x247: {  	(erf) = vpow2.f32 v2;
	_ =	sdelay $0x8  }
0x248: {  	v2 =	vpop (erf)  }
0x249: {  	v2 =	vadd.f32 $1.000000000e+00, v2;
	_ =	sdelay $0x1  }
0x24a: {  	(erf) = vrcp.f32 v2;
	_ =	sdelay $0x3  }
0x24b: {  	s6 =	sadd.s32 $0x1, s6  }
0x24c: {  	p1 =	sne.s32 s6, $0x5  }
.Ltmp7:
0x24d: {  	_ = 	snop;
	(pc) =	sbr.rel @p1 .LBB2_15-.Ltmp7, $3  }
0x24e: {  	_ =	sdelay $0x1  }
0x24f: {  	v2 =	vpop (erf)  }
0x250: {  	[tilespmem:s14+$0x18F00] =	vst v2  }
0x251: {  	s4 =	rddreg [dreg:$0x8]  }
0x252: {  	s4 =	sadd.s32 s11, s4  }
0x253: {  	s4 =	sshrl.u32 s4, $0x3  }
.Ltmp8:
0x254: {  	s4 =	sadd.s32 s3, s4;
	(pc) =	sbr.rel @p0 .LBB2_20-.Ltmp8, $4  }
0x255: {  	[hbm4b:s4+s5] =	stream.linear.scatter [tilespmem:s2], [sflag:$0x9], $0x50, $0x38;
	[tilespmem:$0x18F80] =	vst v63  }
0x256: {  	_ =	swait.ge [sflag:s13], $0x50  }
0x257: {  	[sflag:s13] =	ssyncset.done $0x0  }
0x258: {  	[sflag:s13] =	ssyncadd.s32 $0xFFFFFFB0  }
.Ltmp9:
0x259: {  	(pc) =	sbr.rel .LBB2_2-.Ltmp9, $4  }
0x25a: {  	s4 =	sadd.s32 $0x230, s11  }
0x25b: {  	[tilespmem:s26], [sflag:$0x4] =	stream.indirect.gather [hbm4b:s1+s15], $0x80, s4, s15, $0xb8;
	[tilespmem:$0x18F80] =	vst v63  }
0x25c: {  	s14 =	sadd.s32 $0x29B0, s11;
	s7 =	sadd.s32 $0x1, s7  }
0x25d: {  	[tilespmem:s29], [sflag:$0x8] =	stream.indirect.gather [hbm4b:s1+s15], $0x80, s14, s15, $0xb8;
	[tilespmem:$0x18F80] =	vst v63  }
.LBB2_20:
0x25e: {  	_ =	swait.ge [sflag:s30], $0x2800  }
0x25f: {  	[sflag:s30] =	ssyncset.done $0x0  }
0x260: {  	[sflag:s30] =	ssyncadd.s32 $0xFFFFD800  }
0x261: {  	_ =	swait.ge [sflag:s31], $0x2800  }
0x262: {  	[sflag:s31] =	ssyncset.done $0x0  }
0x263: {  	s7 =	simm.s32 $0x0;
	s6 =	simm.s32 $0x0;
	[sflag:s31] =	ssyncadd.s32 $0xFFFFD800  }
.LBB2_21:
0x264: {  	s11 =	sshll.u32 s6, $0x4  }
0x265: {  	v2 =	vmov s11  }
0x266: {  	v2 =	vshll.u32 v2, $0x7  }
0x267: {  	v2 =	vor.u32 v1, v2  }
0x268: {  	s4 =	simm.s32 $0x1;
	v3 =	vor.u32 v0, v2  }
0x269: {  	v5 =	vadd.s32 s4, v0;
	v4 =	vor.u32 s7, v3  }
0x26a: {  	s12 =	simm.s32 $0x2;
	v5 =	vand.u32 $0x7F, v5  }
0x26b: {  	v6 =	vadd.s32 s12, v0;
	v5 =	vor.u32 v2, v5  }
0x26c: {  	s14 =	simm.s32 $0x3;
	v6 =	vand.u32 $0x7F, v6  }
0x26d: {  	v7 =	vadd.s32 s14, v0;
	v6 =	vor.u32 v2, v6  }
0x26e: {  	s8 =	simm.s32 $0x4;
	v7 =	vand.u32 $0x7F, v7;
	v8 =	vld.idx.msk [tilespmem:v4+s16+$0x0], $0xffff  }
0x26f: {  	v9 =	vadd.s32 s8, v0;
	v7 =	vor.u32 v2, v7;
	v4 =	vld.idx.msk [tilespmem:v4+s17+$0x0], $0xffff  }
0x270: {  	s9 =	simm.s32 $0x5;
	v9 =	vand.u32 $0x7F, v9;
	v10 =	vld.idx.msk [tilespmem:v5+s16+$0x0], $0xffff  }
0x271: {  	v11 =	vadd.s32 s9, v0;
	v9 =	vor.u32 v2, v9;
	v5 =	vld.idx.msk [tilespmem:v5+s17+$0x0], $0xffff  }
0x272: {  	s12 =	simm.s32 $0x6;
	v11 =	vand.u32 $0x7F, v11;
	v12 =	vld.idx.msk [tilespmem:v6+s16+$0x0], $0xffff  }
0x273: {  	v13 =	vadd.s32 s12, v0;
	v11 =	vor.u32 v2, v11;
	v6 =	vld.idx.msk [tilespmem:v6+s17+$0x0], $0xffff  }
0x274: {  	s14 =	simm.s32 $0x7;
	v13 =	vand.u32 $0x7F, v13;
	v14 =	vld.idx.msk [tilespmem:v7+s16+$0x0], $0xffff;
	v4 =	vmul.f32 v4, v8  }
0x275: {  	v15 =	vadd.s32 s14, v0;
	v7 =	vld.idx.msk [tilespmem:v7+s17+$0x0], $0xffff;
	v8 =	vor.u32 v2, v13;
	v13 =	vimm.f32 $0.0e+00  }
0x276: {  	s8 =	simm.s32 $0x8;
	v15 =	vand.u32 $0x7F, v15;
	v16 =	vld.idx.msk [tilespmem:v9+s16+$0x0], $0xffff;
	v5 =	vmul.f32 v5, v10;
	v4 =	vadd.f32 v4, v13  }
0x277: {  	v17 =	vadd.s32 s8, v0;
	v9 =	vld.idx.msk [tilespmem:v9+s17+$0x0], $0xffff;
	v10 =	vor.u32 v2, v15  }
0x278: {  	s9 =	simm.s32 $0x9;
	v15 =	vand.u32 $0x7F, v17;
	v13 =	vld.idx.msk [tilespmem:v11+s16+$0x0], $0xffff;
	v4 =	vadd.f32 v5, v4;
	v5 =	vmul.f32 v6, v12  }
0x279: {  	v17 =	vadd.s32 s9, v0;
	v6 =	vld.idx.msk [tilespmem:v11+s17+$0x0], $0xffff;
	v11 =	vor.u32 v2, v15  }
0x27a: {  	s12 =	simm.s32 $0xA;
	v15 =	vand.u32 $0x7F, v17;
	v12 =	vld.idx.msk [tilespmem:v8+s16+$0x0], $0xffff;
	v4 =	vadd.f32 v5, v4;
	v5 =	vmul.f32 v7, v14  }
0x27b: {  	v17 =	vadd.s32 s12, v0;
	v7 =	vld.idx.msk [tilespmem:v8+s17+$0x0], $0xffff;
	v8 =	vor.u32 v2, v15  }
0x27c: {  	s14 =	simm.s32 $0xB;
	v14 =	vld.idx.msk [tilespmem:v10+s16+$0x0], $0xffff;
	v15 =	vand.u32 $0x7F, v17;
	v4 =	vadd.f32 v5, v4;
	v5 =	vmul.f32 v9, v16  }
0x27d: {  	v17 =	vadd.s32 s14, v0;
	v9 =	vld.idx.msk [tilespmem:v10+s17+$0x0], $0xffff;
	v10 =	vor.u32 v2, v15  }
0x27e: {  	s8 =	simm.s32 $0xC;
	v16 =	vand.u32 $0x7F, v17;
	v15 =	vld.idx.msk [tilespmem:v11+s16+$0x0], $0xffff;
	v4 =	vadd.f32 v5, v4;
	v5 =	vmul.f32 v6, v13  }
0x27f: {  	s9 =	simm.s32 $0xD;
	v17 =	vadd.s32 s8, v0;
	v11 =	vld.idx.msk [tilespmem:v11+s17+$0x0], $0xffff;
	v13 =	vor.u32 v2, v16  }
0x280: {  	v6 =	vand.u32 $0x7F, v17;
	v17 =	vadd.s32 s9, v0;
	v16 =	vld.idx.msk [tilespmem:v8+s16+$0x0], $0xffff;
	v4 =	vadd.f32 v5, v4  }
0x281: {  	v5 =	vmul.f32 v7, v12;
	v7 =	vld.idx.msk [tilespmem:v8+s17+$0x0], $0xffff;
	v8 =	vor.u32 v2, v6;
	v6 =	vand.u32 $0x7F, v17  }
0x282: {  	s12 =	simm.s32 $0xE;
	v18 =	vld.idx.msk [tilespmem:v10+s16+$0x0], $0xffff;
	v19 =	vor.u32 v2, v6  }
0x283: {  	v17 =	vld.idx.msk [tilespmem:v10+s17+$0x0], $0xffff;
	v4 =	vadd.f32 v5, v4;
	v5 =	vmul.f32 v9, v14;
	v9 =	vadd.s32 s12, v0  }
0x284: {  	s14 =	simm.s32 $0xF;
	v11 =	vmul.f32 v11, v15;
	v6 =	vld.idx.msk [tilespmem:v13+s16+$0x0], $0xffff;
	v12 =	vand.u32 $0x7F, v9  }
0x285: {  	v10 =	vld.idx.msk [tilespmem:v13+s17+$0x0], $0xffff;
	v9 =	vadd.s32 s14, v0;
	v4 =	vadd.f32 v5, v4;
	v12 =	vor.u32 v2, v12  }
0x286: {  	v13 =	vand.u32 $0x7F, v9;
	v5 =	vld.idx.msk [tilespmem:v8+s16+$0x0], $0xffff  }
0x287: {  	s8 =	simm.s32 $0x11;
	v15 =	vmul.f32 v7, v16;
	v9 =	vld.idx.msk [tilespmem:v8+s17+$0x0], $0xffff;
	v8 =	vor.u32 v2, v13;
	v11 =	vadd.f32 v11, v4  }
0x288: {  	s4 =	simm.s32 $0x10;
	v14 =	vadd.s32 s8, v0;
	v7 =	vld.idx.msk [tilespmem:v19+s16+$0x0], $0xffff  }
0x289: {  	s9 =	simm.s32 $0x12;
	s8 =	simm.s32 $0x20;
	v4 =	vor.u32 s4, v3;
	v13 =	vadd.f32 v15, v11;
	v15 =	vmul.f32 v17, v18;
	v11 =	vld.idx.msk [tilespmem:v19+s17+$0x0], $0xffff  }
.LBB2_22:
0x28a: {  	p0 =	slt.u32 s8, $0x70;
	v14 =	vand.u32 $0x7F, v14;
	v16 =	vadd.s32 s9, v0;
	v17 =	vld.idx.msk [tilespmem:v12+s16+$0x0], $0xffff  }
0x28b: {  	s9 =	sadd.s32 $0x3, s4;
	v6 =	vmul.f32 v10, v6;
	v14 =	vor.u32 v2, v14;
	v13 =	vadd.f32 v15, v13;
	v10 =	vld.idx.msk [tilespmem:v12+s17+$0x0], $0xffff  }
0x28c: {  	v12 =	vand.u32 $0x7F, v16;
	v15 =	vadd.s32 s9, v0;
	v16 =	vld.idx.msk [tilespmem:v8+s16+$0x0], $0xffff  }
0x28d: {  	s9 =	sadd.s32 $0x4, s4;
	v12 =	vor.u32 v2, v12;
	v5 =	vmul.f32 v9, v5;
	v6 =	vadd.f32 v6, v13;
	v8 =	vld.idx.msk [tilespmem:v8+s17+$0x0], $0xffff  }
0x28e: {  	v13 =	vand.u32 $0x7F, v15;
	v15 =	vadd.s32 s9, v0;
	v9 =	vld.idx.msk [tilespmem:v4+s16+$0x0], $0xffff  }
0x28f: {  	s9 =	sadd.s32 $0x5, s4;
	v13 =	vor.u32 v2, v13;
	v4 =	vld.idx.msk [tilespmem:v4+s17+$0x0], $0xffff;
	v5 =	vadd.f32 v5, v6;
	v6 =	vmul.f32 v11, v7  }
0x290: {  	v11 =	vand.u32 $0x7F, v15;
	v15 =	vadd.s32 s9, v0;
	v7 =	vld.idx.msk [tilespmem:v14+s16+$0x0], $0xffff  }
0x291: {  	s9 =	sadd.s32 $0x6, s4;
	v11 =	vor.u32 v2, v11;
	v14 =	vld.idx.msk [tilespmem:v14+s17+$0x0], $0xffff;
	v5 =	vadd.f32 v6, v5;
	v6 =	vmul.f32 v10, v17  }
0x292: {  	v15 =	vand.u32 $0x7F, v15;
	v17 =	vadd.s32 s9, v0;
	v10 =	vld.idx.msk [tilespmem:v12+s16+$0x0], $0xffff  }
0x293: {  	v15 =	vor.u32 v2, v15;
	s9 =	sadd.s32 $0x7, s4;
	v12 =	vld.idx.msk [tilespmem:v12+s17+$0x0], $0xffff;
	v5 =	vadd.f32 v6, v5;
	v6 =	vmul.f32 v8, v16  }
0x294: {  	v16 =	vand.u32 $0x7F, v17;
	v17 =	vadd.s32 s9, v0;
	v8 =	vld.idx.msk [tilespmem:v13+s16+$0x0], $0xffff  }
0x295: {  	s9 =	sadd.s32 $0x8, s4;
	v4 =	vmul.f32 v4, v9;
	v9 =	vld.idx.msk [tilespmem:v13+s17+$0x0], $0xffff;
	v13 =	vor.u32 v2, v16;
	v5 =	vadd.f32 v6, v5  }
0x296: {  	v16 =	vand.u32 $0x7F, v17;
	v17 =	vadd.s32 s9, v0;
	v6 =	vld.idx.msk [tilespmem:v11+s16+$0x0], $0xffff  }
0x297: {  	s9 =	sadd.s32 $0x9, s4;
	v4 =	vadd.f32 v4, v5;
	v5 =	vmul.f32 v14, v7;
	v7 =	vld.idx.msk [tilespmem:v11+s17+$0x0], $0xffff;
	v11 =	vor.u32 v2, v16  }
0x298: {  	v16 =	vand.u32 $0x7F, v17;
	v17 =	vadd.s32 s9, v0;
	v14 =	vld.idx.msk [tilespmem:v15+s16+$0x0], $0xffff  }
0x299: {  	s9 =	sadd.s32 $0xA, s4;
	v4 =	vadd.f32 v5, v4;
	v5 =	vmul.f32 v12, v10;
	v10 =	vld.idx.msk [tilespmem:v15+s17+$0x0], $0xffff;
	v12 =	vor.u32 v2, v16  }
0x29a: {  	v16 =	vand.u32 $0x7F, v17;
	v17 =	vadd.s32 s9, v0;
	v15 =	vld.idx.msk [tilespmem:v13+s16+$0x0], $0xffff  }
0x29b: {  	s9 =	sadd.s32 $0xB, s4;
	v4 =	vadd.f32 v5, v4;
	v5 =	vmul.f32 v9, v8;
	v8 =	vld.idx.msk [tilespmem:v13+s17+$0x0], $0xffff;
	v9 =	vor.u32 v2, v16  }
0x29c: {  	v16 =	vand.u32 $0x7F, v17;
	v17 =	vadd.s32 s9, v0;
	v13 =	vld.idx.msk [tilespmem:v11+s16+$0x0], $0xffff  }
0x29d: {  	s9 =	sadd.s32 $0xC, s4;
	v4 =	vadd.f32 v5, v4;
	v5 =	vmul.f32 v7, v6;
	v6 =	vld.idx.msk [tilespmem:v11+s17+$0x0], $0xffff;
	v7 =	vor.u32 v2, v16  }
0x29e: {  	v16 =	vand.u32 $0x7F, v17;
	v17 =	vadd.s32 s9, v0;
	v11 =	vld.idx.msk [tilespmem:v12+s16+$0x0], $0xffff  }
0x29f: {  	s9 =	sadd.s32 $0xD, s4;
	v4 =	vadd.f32 v5, v4;
	v5 =	vmul.f32 v10, v14;
	v10 =	vld.idx.msk [tilespmem:v12+s17+$0x0], $0xffff;
	v12 =	vor.u32 v2, v16  }
0x2a0: {  	v16 =	vand.u32 $0x7F, v17;
	v17 =	vadd.s32 s9, v0;
	v14 =	vld.idx.msk [tilespmem:v9+s16+$0x0], $0xffff  }
0x2a1: {  	s9 =	sadd.s32 $0xE, s4;
	v4 =	vadd.f32 v5, v4;
	v5 =	vmul.f32 v8, v15;
	v8 =	vld.idx.msk [tilespmem:v9+s17+$0x0], $0xffff;
	v9 =	vor.u32 v2, v16  }
0x2a2: {  	v16 =	vand.u32 $0x7F, v17;
	v17 =	vadd.s32 s9, v0;
	v15 =	vld.idx.msk [tilespmem:v7+s16+$0x0], $0xffff  }
0x2a3: {  	s9 =	sadd.s32 $0xF, s4;
	s4 =	smov.u32 s8;
	v16 =	vor.u32 v2, v16;
	v4 =	vadd.f32 v5, v4;
	v5 =	vmul.f32 v6, v13;
	v18 =	vld.idx.msk [tilespmem:v7+s17+$0x0], $0xffff  }
0x2a4: {  	v7 =	vand.u32 $0x7F, v17;
	v13 =	vadd.s32 s9, v0;
	v6 =	vld.idx.msk [tilespmem:v12+s16+$0x0], $0xffff  }
.Ltmp10:
0x2a5: {  	v11 =	vmul.f32 v10, v11;
	v4 =	vadd.f32 v5, v4;
	v10 =	vld.idx.msk [tilespmem:v12+s17+$0x0], $0xffff;
	v12 =	vor.u32 v2, v7;
	(pc) =	sbr.rel @p0 .LBB2_22-.Ltmp10, $4  }
0x2a6: {  	v7 =	vand.u32 $0x7F, v13;
	v5 =	vld.idx.msk [tilespmem:v9+s16+$0x0], $0xffff  }
0x2a7: {  	v13 =	vmul.f32 v8, v14;
	v8 =	vor.u32 v2, v7;
	v11 =	vadd.f32 v11, v4;
	v9 =	vld.idx.msk [tilespmem:v9+s17+$0x0], $0xffff  }
0x2a8: {  	s9 =	sadd.s32 $0x1, s8;
	v4 =	vor.u32 s8, v3;
	v7 =	vld.idx.msk [tilespmem:v16+s16+$0x0], $0xffff  }
0x2a9: {  	v14 =	vadd.s32 s9, v0;
	s9 =	sadd.s32 $0x2, s4;
	s8 =	sadd.s32 $0x10, s8;
	v15 =	vmul.f32 v18, v15;
	v13 =	vadd.f32 v13, v11;
	v11 =	vld.idx.msk [tilespmem:v16+s17+$0x0], $0xffff  }
0x2aa: {  	_ =	sdelay $0x3  }
0x2ab: {  	v3 =	vand.u32 $0x7F, v14;
	v60 =	vld.idx.msk [tilespmem:v12+s16+$0x0], $0xffff;
	v6 =	vmul.f32 v10, v6;
	v13 =	vadd.f32 v15, v13  }
0x2ac: {  	v61 =	vadd.s32 s9, v0;
	v62 =	vld.idx.msk [tilespmem:v12+s17+$0x0], $0xffff;
	v3 =	vor.u32 v2, v3  }
0x2ad: {  	s8 =	sadd.s32 $0x3, s4;
	v63 =	vld.idx.msk [tilespmem:v8+s16+$0x0], $0xffff;
	v10 =	vand.u32 $0x7F, v61;
	v5 =	vmul.f32 v9, v5;
	v6 =	vadd.f32 v6, v13  }
0x2ae: {  	v17 =	vld.idx.msk [tilespmem:v8+s17+$0x0], $0xffff;
	v16 =	vadd.s32 s8, v0;
	v10 =	vor.u32 v2, v10  }
0x2af: {  	s9 =	sadd.s32 $0x4, s4;
	v18 =	vld.idx.msk [tilespmem:v4+s16+$0x0], $0xffff;
	v9 =	vand.u32 $0x7F, v16;
	v19 =	vmul.f32 v11, v7;
	v5 =	vadd.f32 v5, v6  }
0x2b0: {  	v21 =	vld.idx.msk [tilespmem:v4+s17+$0x0], $0xffff;
	v20 =	vadd.s32 s9, v0;
	v9 =	vor.u32 v2, v9  }
0x2b1: {  	s12 =	sadd.s32 $0x5, s4;
	v7 =	vand.u32 $0x7F, v20;
	v23 =	vmul.f32 v62, v60;
	v22 =	vld.idx.msk [tilespmem:v3+s16+$0x0], $0xffff;
	v5 =	vadd.f32 v19, v5  }
0x2b2: {  	v24 =	vadd.s32 s12, v0;
	v7 =	vor.u32 v2, v7;
	v3 =	vld.idx.msk [tilespmem:v3+s17+$0x0], $0xffff  }
0x2b3: {  	s14 =	sadd.s32 $0x6, s4;
	v12 =	vand.u32 $0x7F, v24;
	v26 =	vmul.f32 v17, v63;
	v25 =	vld.idx.msk [tilespmem:v10+s16+$0x0], $0xffff;
	v5 =	vadd.f32 v23, v5  }
0x2b4: {  	v27 =	vadd.s32 s14, v0;
	v12 =	vor.u32 v2, v12;
	v10 =	vld.idx.msk [tilespmem:v10+s17+$0x0], $0xffff  }
0x2b5: {  	s9 =	sadd.s32 $0x7, s4;
	v8 =	vand.u32 $0x7F, v27;
	v4 =	vmul.f32 v21, v18;
	v28 =	vld.idx.msk [tilespmem:v9+s16+$0x0], $0xffff;
	v5 =	vadd.f32 v26, v5  }
0x2b6: {  	v29 =	vadd.s32 s9, v0;
	v8 =	vor.u32 v2, v8;
	v9 =	vld.idx.msk [tilespmem:v9+s17+$0x0], $0xffff  }
0x2b7: {  	s12 =	sadd.s32 $0x8, s4;
	v6 =	vand.u32 $0x7F, v29;
	v30 =	vld.idx.msk [tilespmem:v7+s16+$0x0], $0xffff;
	v3 =	vmul.f32 v3, v22;
	v4 =	vadd.f32 v4, v5  }
0x2b8: {  	v31 =	vadd.s32 s12, v0;
	v6 =	vor.u32 v2, v6;
	v7 =	vld.idx.msk [tilespmem:v7+s17+$0x0], $0xffff  }
0x2b9: {  	s14 =	sadd.s32 $0x9, s4;
	v32 =	vld.idx.msk [tilespmem:v12+s16+$0x0], $0xffff;
	v33 =	vmul.f32 v10, v25;
	v5 =	vand.u32 $0x7F, v31;
	v3 =	vadd.f32 v3, v4  }
0x2ba: {  	v34 =	vadd.s32 s14, v0;
	v12 =	vld.idx.msk [tilespmem:v12+s17+$0x0], $0xffff;
	v5 =	vor.u32 v2, v5  }
0x2bb: {  	s9 =	sadd.s32 $0xA, s4;
	v35 =	vld.idx.msk [tilespmem:v8+s16+$0x0], $0xffff;
	v10 =	vand.u32 $0x7F, v34;
	v36 =	vmul.f32 v9, v28;
	v3 =	vadd.f32 v33, v3  }
0x2bc: {  	v37 =	vadd.s32 s9, v0;
	v8 =	vld.idx.msk [tilespmem:v8+s17+$0x0], $0xffff;
	v10 =	vor.u32 v2, v10  }
0x2bd: {  	s12 =	sadd.s32 $0xB, s4;
	v38 =	vld.idx.msk [tilespmem:v6+s16+$0x0], $0xffff;
	v9 =	vand.u32 $0x7F, v37;
	v39 =	vmul.f32 v7, v30;
	v3 =	vadd.f32 v36, v3  }
0x2be: {  	v40 =	vadd.s32 s12, v0;
	v6 =	vld.idx.msk [tilespmem:v6+s17+$0x0], $0xffff;
	v9 =	vor.u32 v2, v9  }
0x2bf: {  	s14 =	sadd.s32 $0xC, s4;
	v42 =	vmul.f32 v12, v32;
	v7 =	vand.u32 $0x7F, v40;
	v41 =	vld.idx.msk [tilespmem:v5+s16+$0x0], $0xffff;
	v3 =	vadd.f32 v39, v3  }
0x2c0: {  	v43 =	vadd.s32 s14, v0;
	v7 =	vor.u32 v2, v7;
	v5 =	vld.idx.msk [tilespmem:v5+s17+$0x0], $0xffff  }
0x2c1: {  	s9 =	sadd.s32 $0xD, s4;
	v11 =	vand.u32 $0x7F, v43;
	v45 =	vmul.f32 v8, v35;
	v44 =	vld.idx.msk [tilespmem:v10+s16+$0x0], $0xffff;
	v3 =	vadd.f32 v42, v3  }
0x2c2: {  	v46 =	vadd.s32 s9, v0;
	v11 =	vor.u32 v2, v11;
	v10 =	vld.idx.msk [tilespmem:v10+s17+$0x0], $0xffff  }
0x2c3: {  	s12 =	sadd.s32 $0xE, s4;
	v8 =	vand.u32 $0x7F, v46;
	v48 =	vmul.f32 v6, v38;
	v47 =	vld.idx.msk [tilespmem:v9+s16+$0x0], $0xffff;
	v3 =	vadd.f32 v45, v3  }
0x2c4: {  	v49 =	vadd.s32 s12, v0;
	v8 =	vor.u32 v2, v8;
	v9 =	vld.idx.msk [tilespmem:v9+s17+$0x0], $0xffff  }
0x2c5: {  	s14 =	sadd.s32 $0xF, s4;
	v6 =	vand.u32 $0x7F, v49;
	v50 =	vld.idx.msk [tilespmem:v7+s16+$0x0], $0xffff;
	v51 =	vmul.f32 v5, v41;
	v3 =	vadd.f32 v48, v3  }
0x2c6: {  	v52 =	vadd.s32 s14, v0;
	v6 =	vor.u32 v2, v6;
	v7 =	vld.idx.msk [tilespmem:v7+s17+$0x0], $0xffff  }
0x2c7: {  	v53 =	vld.idx.msk [tilespmem:v11+s16+$0x0], $0xffff;
	v54 =	vmul.f32 v10, v44;
	v5 =	vand.u32 $0x7F, v52;
	v3 =	vadd.f32 v51, v3  }
0x2c8: {  	v55 =	vld.idx.msk [tilespmem:v11+s17+$0x0], $0xffff;
	v2 =	vor.u32 v2, v5  }
0x2c9: {  	v56 =	vld.idx.msk [tilespmem:v8+s16+$0x0], $0xffff;
	v57 =	vmul.f32 v9, v47;
	v3 =	vadd.f32 v54, v3  }
0x2ca: {  	v8 =	vld.idx.msk [tilespmem:v8+s17+$0x0], $0xffff  }
0x2cb: {  	v58 =	vld.idx.msk [tilespmem:v6+s16+$0x0], $0xffff;
	v59 =	vmul.f32 v7, v50;
	v3 =	vadd.f32 v57, v3  }
0x2cc: {  	v6 =	vld.idx.msk [tilespmem:v6+s17+$0x0], $0xffff  }
0x2cd: {  	v61 =	vmul.f32 v55, v53;
	v60 =	vld.idx.msk [tilespmem:v2+s16+$0x0], $0xffff;
	v3 =	vadd.f32 v59, v3  }
0x2ce: {  	v2 =	vld.idx.msk [tilespmem:v2+s17+$0x0], $0xffff  }
0x2cf: {  	v62 =	vmul.f32 v8, v56;
	v3 =	vadd.f32 v61, v3;
	_ =	sdelay $0x1  }
0x2d0: {  	v63 =	vmul.f32 v6, v58;
	v3 =	vadd.f32 v62, v3;
	_ =	sdelay $0x1  }
0x2d1: {  	v2 =	vmul.f32 v2, v60;
	v3 =	vadd.f32 v63, v3;
	_ =	sdelay $0x1  }
0x2d2: {  	v2 =	vadd.f32 v2, v3;
	_ =	sdelay $0x1  }
0x2d3: {  	v2 =	vsub.f32 $0.0e+00, v2;
	_ =	sdelay $0x1  }
0x2d4: {  	v2 =	vmul.f32 $1.442695020e+00, v2;
	_ =	sdelay $0x1  }
0x2d5: {  	(erf) = vpow2.f32 v2;
	_ =	sdelay $0x8  }
0x2d6: {  	v2 =	vpop (erf)  }
0x2d7: {  	v2 =	vadd.f32 $1.000000000e+00, v2;
	_ =	sdelay $0x1  }
0x2d8: {  	(erf) = vrcp.f32 v2;
	_ =	sdelay $0x3  }
0x2d9: {  	s6 =	sadd.s32 $0x1, s6  }
0x2da: {  	p0 =	sne.s32 s6, $0x5  }
.Ltmp11:
0x2db: {  	_ = 	snop;
	(pc) =	sbr.rel @p0 .LBB2_21-.Ltmp11, $3  }
0x2dc: {  	_ =	sdelay $0x1  }
0x2dd: {  	v2 =	vpop (erf)  }
0x2de: {  	[tilespmem:s11+$0x18F00] =	vst v2  }
0x2df: {  	s4 =	rddreg [dreg:$0x9]  }
0x2e0: {  	[hbm4b:s4+s5] =	stream.linear.scatter [tilespmem:s2], [sflag:$0x9], $0x50, $0x38;
	[tilespmem:$0x18F80] =	vst v63  }
0x2e1: {  	_ =	swait.ge [sflag:s13], $0x50  }
0x2e2: {  	s6 =	rddreg [dreg:$0xb]  }
0x2e3: {  	s14 =	rddreg [dreg:$0xa];
	s6 =	sadd.s32 $0x1, s6  }
0x2e4: {  	p0 =	sne.s32 s6, s14  }
.Ltmp12:
0x2e5: {  	_ = 	snop;
	(pc) =	sbr.rel @p0 .LBB2_1-.Ltmp12, $3  }
0x2e6: {  	_ =	sdelay $0x1  }
0x2e7: {  	[sflag:s13] =	ssyncset.done $0x0  }
0x2e8: {  	[sflag:s13] =	ssyncadd.s32 $0xFFFFFFB0  }
0x2e9: {  	_ =	sfence.sel $0x180000  }
0x2ea: {  	[bflag:$0x0] =	sbarrier.arrive $0xFFFF  }
0x2eb: {  	_ =	strace $0x90000047  }
0x2ec: {  	s0 =	stileid.u32;
	[bflag:$0x2] =	sbarrier.arrive $0xFFFF  }
0x2ed: {  	p0 =	sne.s32 s0, $0x0;
	s0 =	rddreg [dreg:$0x3]  }
0x2ee: {  	s0 =	sadd.s32 @!p0 $0x100000, s0  }
0x2ef: {  	[sflag:s0] =	ssyncadd.tile.s32 @!p0 $0x1;
	_ =	shalt  }
.Lfunc_end2:
_tile_overlayer_lowered:
.L_overlay_start_2:
0x2f0: {  	(tag) =	ssettag $0x2  }
0x2f1: {  	s0 =	rddreg [dreg:$0x0];
	s2 =	stileid.u32  }
0x2f2: {  	s1 =	rddreg [dreg:$0x1];
	p0 =	sne.s32 s2, $0x0  }
0x2f3: {  	s3 =	rddreg [dreg:$0x2];
	[bflag:$0x3] =	sbarrier.arrive $0xFFFF;
	s2 =	simm.s32 @!p0 $0x1C09  }
0x2f4: {  	[timem:s3], [sflag:s2] =	dma.local @!p0 [hbm:s0], s1  }
0x2f5: {  	s0 =	simm.s32 @!p0 $0x9  }
0x2f6: {  	_ =	swait.ge @!p0 [sflag:s0], s1  }
0x2f7: {  	s1 =	ssub.s32 @!p0 $0x0, s1;
	[sflag:s0] =	ssyncset.done @!p0 $0x0  }
0x2f8: {  	[sflag:s0] =	ssyncadd.s32 @!p0 s1  }
0x2f9: {  	[bflag:$0x3] =	sbarrier.arrive $0xFFFF  }
0x2fa: {  	_ =	shalt  }

</sc_bundles>
